<compile_context>
chip_gen: v7x
topology: tpu7x:2x2x1
jax: 0.10.2.dev20260603
libtpu: 0.0.44.dev20260713+nightly
codegen_flags: <defaults>
</compile_context>

<pallas_src>
import jax
import jax.numpy as jnp
from jax import lax
from jax.experimental import pallas as pl
from jax.experimental.pallas import tpu as pltpu
from jax.experimental.pallas import tpu_sc as plsc

_NC = 2
_NS = 16
_CH = 128
_SL = 1


def _make_scatter(tbl_rows, dhalf, rpw, n_acc):
    stripe = n_acc // _NS
    mesh = plsc.VectorSubcoreMesh(core_axis_name="c", subcore_axis_name="s")

    out_type = jax.ShapeDtypeStruct((_NC, n_acc, dhalf), jnp.float32)
    scratch = (
        pltpu.VMEM((rpw, _SL * _CH), jnp.int32),
        pltpu.VMEM((rpw, _SL * _CH), jnp.int32),
        pltpu.VMEM((_SL * _CH, dhalf), jnp.float32),
        pltpu.VMEM((_SL * _CH, dhalf), jnp.float32),
        pltpu.VMEM_SHARED((n_acc, dhalf), jnp.float32),
        pltpu.SemaphoreType.DMA,
        pltpu.SemaphoreType.DMA,
    )

    def body(table, gidx_h, dst_h, zeros_h, out,
             gidx_v, dst_v, buf0, buf1, acc, sem0, sem1):
        cid = lax.axis_index("c")
        sid = lax.axis_index("s")

        pltpu.sync_copy(zeros_h, acc.at[pl.ds(sid * stripe, stripe)])

        pltpu.sync_copy(gidx_h.at[cid * _NS + sid], gidx_v)
        pltpu.sync_copy(dst_h.at[sid], dst_v)

        def fire(j, buf, sem):
            pltpu.async_copy(table.at[gidx_v.at[j]], buf, sem)

        def wait(j, buf, sem):
            pltpu.make_async_copy(table.at[gidx_v.at[j]], buf, sem).wait()

        def scat(j, buf):
            pltpu.sync_copy(buf, acc.at[dst_v.at[j]], add=True)

        fire(0, buf0, sem0)
        plsc.subcore_barrier()

        @pl.loop(0, (rpw - 1) // 2)
        def _(t):
            j0 = 2 * t
            fire(j0 + 1, buf1, sem1)
            wait(j0, buf0, sem0)
            scat(j0, buf0)
            fire(j0 + 2, buf0, sem0)
            wait(j0 + 1, buf1, sem1)
            scat(j0 + 1, buf1)

        wait(rpw - 1, buf0, sem0)
        scat(rpw - 1, buf0)

        plsc.subcore_barrier()
        pltpu.sync_copy(acc.at[pl.ds(sid * stripe, stripe)],
                        out.at[cid, pl.ds(sid * stripe, stripe)])

    return pl.kernel(body, out_type=out_type, mesh=mesh,
                     scratch_types=scratch,
                     compiler_params=pltpu.CompilerParams(
                         use_tc_tiling_on_sc=False))


def _make_deg(rpw, n_acc):
    stripe = n_acc // _NS
    mesh = plsc.VectorSubcoreMesh(core_axis_name="c", subcore_axis_name="s")

    out_type = jax.ShapeDtypeStruct((_NC, n_acc, 16), jnp.float32)
    scratch = (
        pltpu.VMEM((rpw, _SL * _CH), jnp.int32),
        pltpu.VMEM((_SL * _CH, 16), jnp.float32),
        pltpu.VMEM_SHARED((n_acc, 16), jnp.float32),
    )

    def body(dst_h, zeros16_h, ones_h, out, dst_v, ones_v, degacc):
        cid = lax.axis_index("c")
        sid = lax.axis_index("s")
        pltpu.sync_copy(zeros16_h, degacc.at[pl.ds(sid * stripe, stripe)])
        pltpu.sync_copy(ones_h, ones_v)
        pltpu.sync_copy(dst_h.at[sid], dst_v)
        plsc.subcore_barrier()

        @pl.loop(0, rpw)
        def _(j):
            pltpu.sync_copy(ones_v, degacc.at[dst_v.at[j]], add=True)

        plsc.subcore_barrier()
        pltpu.sync_copy(degacc.at[pl.ds(sid * stripe, stripe)],
                        out.at[cid, pl.ds(sid * stripe, stripe)])

    return pl.kernel(body, out_type=out_type, mesh=mesh,
                     scratch_types=scratch,
                     compiler_params=pltpu.CompilerParams(
                         use_tc_tiling_on_sc=False))


def _mm_body(x_ref, w_ref, o_ref):
    res = jnp.dot(x_ref[...], w_ref[0], preferred_element_type=jnp.float32)
    dhalf = res.shape[1] // 2
    o_ref[0, 0] = res[:, :dhalf]
    o_ref[1, 0] = res[:, dhalf:]


def _matmul_stack(x, wcat, bn):
    k, din, dh = wcat.shape
    n = x.shape[0]
    return pl.pallas_call(
        _mm_body,
        grid=(k, n // bn),
        in_specs=[pl.BlockSpec((bn, din), lambda r, i: (i, 0)),
                  pl.BlockSpec((1, din, dh), lambda r, i: (r, 0, 0))],
        out_specs=pl.BlockSpec((2, 1, bn, dh // 2), lambda r, i: (0, r, i, 0)),
        out_shape=jax.ShapeDtypeStruct((2, k, n, dh // 2), jnp.float32),
    )(x, wcat)


def _relu_body(y0_ref, y1_ref, p0_ref, p1_ref, d0_ref, o_ref):
    inv = 1.0 / jnp.maximum(d0_ref[0][:, :1], 1.0)
    o_ref[0] = jnp.maximum((y0_ref[0, 0] + p0_ref[0]) * inv, 0.0)
    o_ref[1] = jnp.maximum((y1_ref[0, 0] + p1_ref[0]) * inv, 0.0)


def _relu_deg(ycat, p, dg, n, dhalf, bn):
    return pl.pallas_call(
        _relu_body,
        grid=(n // bn,),
        in_specs=[pl.BlockSpec((1, 1, bn, dhalf), lambda i: (0, 0, i, 0)),
                  pl.BlockSpec((1, 1, bn, dhalf), lambda i: (1, 0, i, 0)),
                  pl.BlockSpec((1, bn, dhalf), lambda i: (0, i, 0)),
                  pl.BlockSpec((1, bn, dhalf), lambda i: (1, i, 0)),
                  pl.BlockSpec((1, bn, 16), lambda i: (0, i, 0))],
        out_specs=pl.BlockSpec((2, bn, dhalf), lambda i: (0, i, 0)),
        out_shape=jax.ShapeDtypeStruct((2, n, dhalf), jnp.float32),
    )(ycat, ycat, p, p, dg)


def _group_mm_body(h_ref, p0_ref, p1_ref, d0_ref, pwt_ref, pb_ref,
                   w_ref, o_ref):
    inv = 1.0 / jnp.maximum(d0_ref[0][:, :1], 1.0)
    h = jnp.concatenate([h_ref[0], h_ref[1]], axis=1)
    agg = jnp.concatenate([p0_ref[0], p1_ref[0]], axis=1) * inv
    g = (h + pb_ref[...]
         + jnp.dot(agg, pwt_ref[...], preferred_element_type=jnp.float32))
    res = jnp.dot(g, w_ref[0], preferred_element_type=jnp.float32)
    dhalf = res.shape[1] // 2
    o_ref[0, 0] = res[:, :dhalf]
    o_ref[1, 0] = res[:, dhalf:]


def _group_mm(h, p, dg, pwt, pb, wcat, n, dh, bn):
    k = wcat.shape[0]
    dhalf = dh // 2
    return pl.pallas_call(
        _group_mm_body,
        grid=(k, n // bn),
        in_specs=[pl.BlockSpec((2, bn, dhalf), lambda r, i: (0, i, 0)),
                  pl.BlockSpec((1, bn, dhalf), lambda r, i: (0, i, 0)),
                  pl.BlockSpec((1, bn, dhalf), lambda r, i: (1, i, 0)),
                  pl.BlockSpec((1, bn, 16), lambda r, i: (0, i, 0)),
                  pl.BlockSpec((dh, dh), lambda r, i: (0, 0)),
                  pl.BlockSpec((1, dh), lambda r, i: (0, 0)),
                  pl.BlockSpec((1, dh, dh), lambda r, i: (r, 0, 0))],
        out_specs=pl.BlockSpec((2, 1, bn, dhalf), lambda r, i: (0, r, i, 0)),
        out_shape=jax.ShapeDtypeStruct((2, k, n, dhalf), jnp.float32),
    )(h, p, p, dg, pwt, pb, wcat)


def _final_body(h_ref, p0_ref, p1_ref, d0_ref, pwt_ref, pb_ref,
                owt_ref, ob_ref, o_ref):
    inv = 1.0 / jnp.maximum(d0_ref[0][:, :1], 1.0)
    h = jnp.concatenate([h_ref[0], h_ref[1]], axis=1)
    agg = jnp.concatenate([p0_ref[0], p1_ref[0]], axis=1) * inv
    g = (h + pb_ref[...]
         + jnp.dot(agg, pwt_ref[...], preferred_element_type=jnp.float32))
    o_ref[...] = (jnp.dot(g, owt_ref[...], preferred_element_type=jnp.float32)
                  + ob_ref[...])


def _final(h, p, dg, pwt, pb, owt, ob, n, dh, dout, bn):
    dhalf = dh // 2
    return pl.pallas_call(
        _final_body,
        grid=(n // bn,),
        in_specs=[pl.BlockSpec((2, bn, dhalf), lambda i: (0, i, 0)),
                  pl.BlockSpec((1, bn, dhalf), lambda i: (0, i, 0)),
                  pl.BlockSpec((1, bn, dhalf), lambda i: (1, i, 0)),
                  pl.BlockSpec((1, bn, 16), lambda i: (0, i, 0)),
                  pl.BlockSpec((dh, dh), lambda i: (0, 0)),
                  pl.BlockSpec((1, dh), lambda i: (0, 0)),
                  pl.BlockSpec((dh, dout), lambda i: (0, 0)),
                  pl.BlockSpec((1, dout), lambda i: (0, 0))],
        out_specs=pl.BlockSpec((bn, dout), lambda i: (i, 0)),
        out_shape=jax.ShapeDtypeStruct((n, dout), jnp.float32),
    )(h, p, p, dg, pwt, pb, owt, ob)


def kernel(x, edge_index, edge_type, W1, W0_1, alpha1, proj1_W, proj1_b,
           W2, W0_2, alpha2, proj2_W, proj2_b, out_W, out_b):
    n, din = x.shape
    e = edge_index.shape[1]
    r = W1.shape[0]
    dh = W1.shape[2]
    dhalf = dh // 2
    dout = out_W.shape[0]
    bn = 2000
    k = r + 1

    rpw = -(-e // (_NS * _CH * _SL))
    if rpw % 2 == 0:
        rpw += 1
    pad = rpw * _NS * _CH * _SL - e

    n_acc = -(-(n + 1) // (_NS * 8)) * (_NS * 8)
    stripe = n_acc // _NS

    src = edge_index[0]
    dst = edge_index[1]
    zpad_i = jnp.zeros((pad,), jnp.int32)
    g1 = jnp.concatenate([(edge_type + 1) * n + src, zpad_i])
    s1 = jnp.concatenate([src, zpad_i])
    gpad_rel = jnp.stack([g1, g1 + k * n]).reshape(2 * _NS, rpw, _SL * _CH)
    gpad_grp = jnp.stack([s1, s1 + n]).reshape(2 * _NS, rpw, _SL * _CH)
    dpad = jnp.concatenate([dst, jnp.full((pad,), n, jnp.int32)]
                           ).reshape(_NS, rpw, _SL * _CH)

    zeros_h = jnp.zeros((stripe, dhalf), jnp.float32)
    zeros16_h = jnp.zeros((stripe, 16), jnp.float32)
    ones_h = jnp.ones((_SL * _CH, 16), jnp.float32)

    scat_rel = _make_scatter(k * n, dhalf, rpw, n_acc)
    scat_grp = _make_scatter(n, dhalf, rpw, n_acc)
    deg_kernel = _make_deg(rpw, n_acc)

    dg = deg_kernel(dpad, zeros16_h, ones_h)

    wcat1 = jnp.concatenate([W0_1[None], W1], axis=0)
    ycat1 = _matmul_stack(x, wcat1, bn)
    p_rel1 = scat_rel(ycat1.reshape(2 * k * n, dhalf), gpad_rel, dpad,
                      zeros_h)
    h1 = _relu_deg(ycat1, p_rel1, dg, n, dhalf, bn)

    p_grp1 = scat_grp(h1.reshape(2 * n, dhalf), gpad_grp, dpad, zeros_h)
    wcat2 = jnp.concatenate([W0_2[None], W2], axis=0)
    pwt1 = (alpha1 * proj1_W.T).astype(jnp.float32)
    pb1 = (alpha1 * proj1_b)[None].astype(jnp.float32)
    ycat2 = _group_mm(h1, p_grp1, dg, pwt1, pb1, wcat2, n, dh, bn)

    p_rel2 = scat_rel(ycat2.reshape(2 * k * n, dhalf), gpad_rel, dpad,
                      zeros_h)
    h2 = _relu_deg(ycat2, p_rel2, dg, n, dhalf, bn)

    p_grp2 = scat_grp(h2.reshape(2 * n, dhalf), gpad_grp, dpad, zeros_h)
    pwt2 = (alpha2 * proj2_W.T).astype(jnp.float32)
    pb2 = (alpha2 * proj2_b)[None].astype(jnp.float32)
    logits = _final(h2, p_grp2, dg, pwt2, pb2, out_W.T.astype(jnp.float32),
                    out_b[None].astype(jnp.float32), n, dh, dout, bn)
    return logits

# --- scband reference (transcript-rebuilt; emitter-appended) ---
"""Pipeline reference for scband-mr-gnn-35854386987430 (READ-ONLY COPY).

The authoritative reference and input builder live on the scoring server;
editing this copy changes nothing except your own understanding.
"""

import jax, jax.numpy as jnp
import numpy as np

N = 10000
E = 320000
R = 4
D_IN = 128
D_H = 128
D_OUT = 128


def setup_inputs(seed: int = 0) -> dict:
    key = jax.random.key(seed)
    ks = jax.random.split(key, 16)
    inp = {}
    inp["x"] = jax.random.normal(ks[0], (N, D_IN), dtype=jnp.float32)
    inp["edge_index"] = jax.random.randint(ks[1], (2, E), 0, N, dtype=jnp.int32)
    inp["edge_type"] = jax.random.randint(ks[2], (E,), 0, R, dtype=jnp.int32)
    inp["W1"] = jax.random.normal(ks[3], (R, D_IN, D_H), dtype=jnp.float32) * 0.02
    inp["W0_1"] = jax.random.normal(ks[4], (D_IN, D_H), dtype=jnp.float32) * 0.02
    inp["alpha1"] = jnp.asarray(0.5, dtype=jnp.float32)
    inp["proj1_W"] = jax.random.normal(ks[5], (D_H, D_H), dtype=jnp.float32) * 0.02
    inp["proj1_b"] = jnp.zeros((D_H,), dtype=jnp.float32)
    inp["W2"] = jax.random.normal(ks[6], (R, D_H, D_H), dtype=jnp.float32) * 0.02
    inp["W0_2"] = jax.random.normal(ks[7], (D_H, D_H), dtype=jnp.float32) * 0.02
    inp["alpha2"] = jnp.asarray(0.5, dtype=jnp.float32)
    inp["proj2_W"] = jax.random.normal(ks[8], (D_H, D_H), dtype=jnp.float32) * 0.02
    inp["proj2_b"] = jnp.zeros((D_H,), dtype=jnp.float32)
    inp["out_W"] = jax.random.normal(ks[9], (D_OUT, D_H), dtype=jnp.float32) * 0.02
    inp["out_b"] = jnp.zeros((D_OUT,), dtype=jnp.float32)
    return inp


def _rgcn(x, edge_index, edge_type, W, W0):
    src = edge_index[0]
    dst = edge_index[1]
    out = x @ W0
    for r in range(R):
        xW = x @ W[r]
        mask = (edge_type == r).astype(x.dtype)
        msgs = xW[src] * mask[:, None]
        out = out.at[dst].add(msgs)
    deg = jnp.zeros((x.shape[0],), dtype=x.dtype).at[dst].add(1.0)
    deg = jnp.clip(deg, 1.0)
    return out / deg[:, None]


def _group(x, edge_index, alpha, pW, pb):
    src = edge_index[0]
    dst = edge_index[1]
    agg = jnp.zeros_like(x).at[dst].add(x[src])
    deg = jnp.zeros((x.shape[0],), dtype=x.dtype).at[dst].add(1.0)
    deg = jnp.clip(deg, 1.0)
    agg = agg / deg[:, None]
    return x + alpha * (agg @ pW.T + pb)


def reference(x, edge_index, edge_type, W1, W0_1, alpha1, proj1_W, proj1_b, W2, W0_2, alpha2, proj2_W, proj2_b, out_W, out_b):
    h = _rgcn(x, edge_index, edge_type, W1, W0_1)
    h = jax.nn.relu(h)
    h = _group(h, edge_index, alpha1, proj1_W, proj1_b)
    h = _rgcn(h, edge_index, edge_type, W2, W0_2)
    h = jax.nn.relu(h)
    h = _group(h, edge_index, alpha2, proj2_W, proj2_b)
    logits = h @ out_W.T + out_b
    return logits

if __name__ == "__main__":
    import jax
    _d = setup_inputs()
    print(jax.jit(kernel)(*tuple(_d.values())))

</pallas_src>

<mosaic_0001>
#map = affine_map<(d0, d1) -> (0, 0)>
#map1 = affine_map<(d0, d1) -> (0, 0, 0)>
module attributes {stable_mosaic.version = 14 : i64} {
  func.func @body(%arg0: i32, %arg1: i32, %arg2: memref<100000x64xf32, #tpu.memory_space<hbm>>, %arg3: memref<32x157x128xi32, #tpu.memory_space<hbm>>, %arg4: memref<16x157x128xi32, #tpu.memory_space<hbm>>, %arg5: memref<632x64xf32, #tpu.memory_space<hbm>>, %arg6: memref<2x10112x64xf32, #tpu.memory_space<hbm>>, %arg7: memref<157x128xi32, #tpu.memory_space<vmem>>, %arg8: memref<157x128xi32, #tpu.memory_space<vmem>>, %arg9: memref<128x64xf32, #tpu.memory_space<vmem>>, %arg10: memref<128x64xf32, #tpu.memory_space<vmem>>, %arg11: memref<10112x64xf32, #tpu.memory_space<vmem_shared>>, %arg12: memref<!tpu.dma_semaphore, #tpu.memory_space<semaphore_mem>>, %arg13: memref<!tpu.dma_semaphore, #tpu.memory_space<semaphore_mem>>) attributes {dimension_semantics = [#tpu.dimension_semantics<core_parallel>, #tpu.dimension_semantics<subcore_parallel>], iteration_bounds = array<i64: 2, 16>, scalar_prefetch = 0 : i64, scratch_operands = 7 : i64, tpu.core_type = #tpu.core_type<sc_vector_subcore>, window_params = [{transform_indices = #map}, {transform_indices = #map1}, {transform_indices = #map1}, {transform_indices = #map}, {transform_indices = #map1}]} {
    %mul3A = arith.constant 632 : i32
    %mul3A_0 = arith.muli %arg1, %mul3A : i32
    "tpu.region"() ({
      %run_scoped3A_24 = tpu.sem_alloc : memref<!tpu.dma_semaphore, #tpu.memory_space<semaphore_mem>>
      %dma_start3A_25 = arith.constant 0 : i32
      %dma_start3A_26 = tpu.memref_slice %arg11[%mul3A_0, %dma_start3A_25] : memref<10112x64xf32, #tpu.memory_space<vmem_shared>> -> memref<632x64xf32, #tpu.memory_space<vmem_shared>>
      tpu.enqueue_dma source(%arg5 : memref<632x64xf32, #tpu.memory_space<hbm>>) target(%dma_start3A_26 : memref<632x64xf32, #tpu.memory_space<vmem_shared>>) target_semaphore(%run_scoped3A_24 : memref<!tpu.dma_semaphore, #tpu.memory_space<semaphore_mem>>)
      %dma_wait3A_27 = arith.constant 0 : i32
      %dma_wait3A_28 = tpu.memref_slice %arg11[%mul3A_0, %dma_wait3A_27] : memref<10112x64xf32, #tpu.memory_space<vmem_shared>> -> memref<632x64xf32, #tpu.memory_space<vmem_shared>>
      tpu.wait_dma2 semaphore(%run_scoped3A_24 : memref<!tpu.dma_semaphore, #tpu.memory_space<semaphore_mem>>) src(%arg5 : memref<632x64xf32, #tpu.memory_space<hbm>>) dst(%dma_wait3A_28 : memref<632x64xf32, #tpu.memory_space<vmem_shared>>)
      tpu.yield
    }) : () -> ()
    %mul3A_1 = arith.constant 16 : i32
    %mul3A_2 = arith.muli %arg0, %mul3A_1 : i32
    %add3A = arith.addi %mul3A_2, %arg1 : i32
    "tpu.region"() ({
      %run_scoped3A_24 = tpu.sem_alloc : memref<!tpu.dma_semaphore, #tpu.memory_space<semaphore_mem>>
      %dma_start3A_25 = arith.constant 0 : i32
      %dma_start3A_26 = arith.constant 0 : i32
      %dma_start3A_27 = tpu.memref_slice %arg3[%add3A, %dma_start3A_25, %dma_start3A_26] : memref<32x157x128xi32, #tpu.memory_space<hbm>> -> memref<1x157x128xi32, #tpu.memory_space<hbm>>
      %dma_start3A_28 = tpu.memref_squeeze %dma_start3A_27 : memref<1x157x128xi32, #tpu.memory_space<hbm>> -> memref<157x128xi32, #tpu.memory_space<hbm>>
      %dma_start3A_29 = arith.constant 0 : i32
      %dma_start3A_30 = arith.constant 0 : i32
      %dma_start3A_31 = tpu.memref_slice %arg3[%add3A, %dma_start3A_29, %dma_start3A_30] : memref<32x157x128xi32, #tpu.memory_space<hbm>> -> memref<1x157x128xi32, #tpu.memory_space<hbm>>
      %dma_start3A_32 = tpu.memref_squeeze %dma_start3A_31 : memref<1x157x128xi32, #tpu.memory_space<hbm>> -> memref<157x128xi32, #tpu.memory_space<hbm>>
      tpu.enqueue_dma source(%dma_start3A_32 : memref<157x128xi32, #tpu.memory_space<hbm>>) target(%arg7 : memref<157x128xi32, #tpu.memory_space<vmem>>) target_semaphore(%run_scoped3A_24 : memref<!tpu.dma_semaphore, #tpu.memory_space<semaphore_mem>>)
      %dma_wait3A_33 = arith.constant 0 : i32
      %dma_wait3A_34 = arith.constant 0 : i32
      %dma_wait3A_35 = tpu.memref_slice %arg3[%add3A, %dma_wait3A_33, %dma_wait3A_34] : memref<32x157x128xi32, #tpu.memory_space<hbm>> -> memref<1x157x128xi32, #tpu.memory_space<hbm>>
      %dma_wait3A_36 = tpu.memref_squeeze %dma_wait3A_35 : memref<1x157x128xi32, #tpu.memory_space<hbm>> -> memref<157x128xi32, #tpu.memory_space<hbm>>
      %dma_wait3A_37 = arith.constant 0 : i32
      %dma_wait3A_38 = arith.constant 0 : i32
      %dma_wait3A_39 = tpu.memref_slice %arg3[%add3A, %dma_wait3A_37, %dma_wait3A_38] : memref<32x157x128xi32, #tpu.memory_space<hbm>> -> memref<1x157x128xi32, #tpu.memory_space<hbm>>
      %dma_wait3A_40 = tpu.memref_squeeze %dma_wait3A_39 : memref<1x157x128xi32, #tpu.memory_space<hbm>> -> memref<157x128xi32, #tpu.memory_space<hbm>>
      tpu.wait_dma2 semaphore(%run_scoped3A_24 : memref<!tpu.dma_semaphore, #tpu.memory_space<semaphore_mem>>) src(%dma_wait3A_40 : memref<157x128xi32, #tpu.memory_space<hbm>>) dst(%arg7 : memref<157x128xi32, #tpu.memory_space<vmem>>)
      tpu.yield
    }) : () -> ()
    "tpu.region"() ({
      %run_scoped3A_24 = tpu.sem_alloc : memref<!tpu.dma_semaphore, #tpu.memory_space<semaphore_mem>>
      %dma_start3A_25 = arith.constant 0 : i32
      %dma_start3A_26 = arith.constant 0 : i32
      %dma_start3A_27 = tpu.memref_slice %arg4[%arg1, %dma_start3A_25, %dma_start3A_26] : memref<16x157x128xi32, #tpu.memory_space<hbm>> -> memref<1x157x128xi32, #tpu.memory_space<hbm>>
      %dma_start3A_28 = tpu.memref_squeeze %dma_start3A_27 : memref<1x157x128xi32, #tpu.memory_space<hbm>> -> memref<157x128xi32, #tpu.memory_space<hbm>>
      %dma_start3A_29 = arith.constant 0 : i32
      %dma_start3A_30 = arith.constant 0 : i32
      %dma_start3A_31 = tpu.memref_slice %arg4[%arg1, %dma_start3A_29, %dma_start3A_30] : memref<16x157x128xi32, #tpu.memory_space<hbm>> -> memref<1x157x128xi32, #tpu.memory_space<hbm>>
      %dma_start3A_32 = tpu.memref_squeeze %dma_start3A_31 : memref<1x157x128xi32, #tpu.memory_space<hbm>> -> memref<157x128xi32, #tpu.memory_space<hbm>>
      tpu.enqueue_dma source(%dma_start3A_32 : memref<157x128xi32, #tpu.memory_space<hbm>>) target(%arg8 : memref<157x128xi32, #tpu.memory_space<vmem>>) target_semaphore(%run_scoped3A_24 : memref<!tpu.dma_semaphore, #tpu.memory_space<semaphore_mem>>)
      %dma_wait3A_33 = arith.constant 0 : i32
      %dma_wait3A_34 = arith.constant 0 : i32
      %dma_wait3A_35 = tpu.memref_slice %arg4[%arg1, %dma_wait3A_33, %dma_wait3A_34] : memref<16x157x128xi32, #tpu.memory_space<hbm>> -> memref<1x157x128xi32, #tpu.memory_space<hbm>>
      %dma_wait3A_36 = tpu.memref_squeeze %dma_wait3A_35 : memref<1x157x128xi32, #tpu.memory_space<hbm>> -> memref<157x128xi32, #tpu.memory_space<hbm>>
      %dma_wait3A_37 = arith.constant 0 : i32
      %dma_wait3A_38 = arith.constant 0 : i32
      %dma_wait3A_39 = tpu.memref_slice %arg4[%arg1, %dma_wait3A_37, %dma_wait3A_38] : memref<16x157x128xi32, #tpu.memory_space<hbm>> -> memref<1x157x128xi32, #tpu.memory_space<hbm>>
      %dma_wait3A_40 = tpu.memref_squeeze %dma_wait3A_39 : memref<1x157x128xi32, #tpu.memory_space<hbm>> -> memref<157x128xi32, #tpu.memory_space<hbm>>
      tpu.wait_dma2 semaphore(%run_scoped3A_24 : memref<!tpu.dma_semaphore, #tpu.memory_space<semaphore_mem>>) src(%dma_wait3A_40 : memref<157x128xi32, #tpu.memory_space<hbm>>) dst(%arg8 : memref<157x128xi32, #tpu.memory_space<vmem>>)
      tpu.yield
    }) : () -> ()
    %dma_start3A = arith.constant 0 : i32
    %dma_start3A_3 = arith.constant 0 : i32
    %dma_start3A_4 = tpu.memref_slice %arg7[%dma_start3A, %dma_start3A_3] : memref<157x128xi32, #tpu.memory_space<vmem>> -> memref<1x128xi32, #tpu.memory_space<vmem>>
    %dma_start3A_5 = tpu.memref_squeeze %dma_start3A_4 : memref<1x128xi32, #tpu.memory_space<vmem>> -> memref<128xi32, #tpu.memory_space<vmem>>
    %dma_start3A_6 = arith.constant 0 : i32
    %dma_start3A_7 = arith.constant 0 : i32
    %dma_start3A_8 = tpu.memref_slice %arg2[%dma_start3A_6, %dma_start3A_7] : memref<100000x64xf32, #tpu.memory_space<hbm>> -> memref<100000x64xf32, #tpu.memory_space<hbm>>
    tpu.enqueue_indirect_dma source(%dma_start3A_8 : memref<100000x64xf32, #tpu.memory_space<hbm>>) target(%arg9 : memref<128x64xf32, #tpu.memory_space<vmem>>) offsets(%dma_start3A_5 : memref<128xi32, #tpu.memory_space<vmem>>) semaphore(%arg12 : memref<!tpu.dma_semaphore, #tpu.memory_space<semaphore_mem>>)
    %barrier3A = arith.constant 0 : index
    tpu.barrier barrier_id(%barrier3A)
    %scan3A = arith.constant 0 : i32
    %scan3A_9 = arith.constant 78 : i32
    %scan3A_10 = arith.addi %scan3A, %scan3A_9 : i32
    %scan3A_11 = arith.constant 1 : i32
    scf.for %scan3A_24 = %scan3A to %scan3A_10 step %scan3A_11  : i32 {
      %mul3A_25 = arith.constant 1 : i32
      %mul3A_26 = arith.muli %scan3A_24, %mul3A_25 : i32
      %add3A_27 = arith.constant 0 : i32
      %add3A_28 = arith.addi %add3A_27, %mul3A_26 : i32
      %mul3A_29 = arith.constant 2 : i32
      %mul3A_30 = arith.muli %mul3A_29, %add3A_28 : i32
      %add3A_31 = arith.constant 1 : i32
      %add3A_32 = arith.addi %mul3A_30, %add3A_31 : i32
      %dma_start3A_33 = arith.constant 0 : i32
      %dma_start3A_34 = tpu.memref_slice %arg7[%add3A_32, %dma_start3A_33] : memref<157x128xi32, #tpu.memory_space<vmem>> -> memref<1x128xi32, #tpu.memory_space<vmem>>
      %dma_start3A_35 = tpu.memref_squeeze %dma_start3A_34 : memref<1x128xi32, #tpu.memory_space<vmem>> -> memref<128xi32, #tpu.memory_space<vmem>>
      %dma_start3A_36 = arith.constant 0 : i32
      %dma_start3A_37 = arith.constant 0 : i32
      %dma_start3A_38 = tpu.memref_slice %arg2[%dma_start3A_36, %dma_start3A_37] : memref<100000x64xf32, #tpu.memory_space<hbm>> -> memref<100000x64xf32, #tpu.memory_space<hbm>>
      tpu.enqueue_indirect_dma source(%dma_start3A_38 : memref<100000x64xf32, #tpu.memory_space<hbm>>) target(%arg10 : memref<128x64xf32, #tpu.memory_space<vmem>>) offsets(%dma_start3A_35 : memref<128xi32, #tpu.memory_space<vmem>>) semaphore(%arg13 : memref<!tpu.dma_semaphore, #tpu.memory_space<semaphore_mem>>)
      %dma_wait3A_39 = arith.constant 0 : i32
      %dma_wait3A_40 = tpu.memref_slice %arg7[%mul3A_30, %dma_wait3A_39] : memref<157x128xi32, #tpu.memory_space<vmem>> -> memref<1x128xi32, #tpu.memory_space<vmem>>
      %dma_wait3A_41 = tpu.memref_squeeze %dma_wait3A_40 : memref<1x128xi32, #tpu.memory_space<vmem>> -> memref<128xi32, #tpu.memory_space<vmem>>
      %dma_wait3A_42 = arith.constant 0 : i32
      %dma_wait3A_43 = arith.constant 0 : i32
      %dma_wait3A_44 = tpu.memref_slice %arg2[%dma_wait3A_42, %dma_wait3A_43] : memref<100000x64xf32, #tpu.memory_space<hbm>> -> memref<100000x64xf32, #tpu.memory_space<hbm>>
      tpu.wait_indirect_dma semaphore(%arg12 : memref<!tpu.dma_semaphore, #tpu.memory_space<semaphore_mem>>) src(%dma_wait3A_44 : memref<100000x64xf32, #tpu.memory_space<hbm>>) dst(%arg9 : memref<128x64xf32, #tpu.memory_space<vmem>>)
      "tpu.region"() ({
        %run_scoped3A_63 = tpu.sem_alloc : memref<!tpu.dma_semaphore, #tpu.memory_space<semaphore_mem>>
        %dma_start3A_64 = arith.constant 0 : i32
        %dma_start3A_65 = tpu.memref_slice %arg8[%mul3A_30, %dma_start3A_64] : memref<157x128xi32, #tpu.memory_space<vmem>> -> memref<1x128xi32, #tpu.memory_space<vmem>>
        %dma_start3A_66 = tpu.memref_squeeze %dma_start3A_65 : memref<1x128xi32, #tpu.memory_space<vmem>> -> memref<128xi32, #tpu.memory_space<vmem>>
        %dma_start3A_67 = arith.constant 0 : i32
        %dma_start3A_68 = arith.constant 0 : i32
        %dma_start3A_69 = tpu.memref_slice %arg11[%dma_start3A_67, %dma_start3A_68] : memref<10112x64xf32, #tpu.memory_space<vmem_shared>> -> memref<10112x64xf32, #tpu.memory_space<vmem_shared>>
        tpu.enqueue_indirect_dma source(%arg9 : memref<128x64xf32, #tpu.memory_space<vmem>>) target(%dma_start3A_69 : memref<10112x64xf32, #tpu.memory_space<vmem_shared>>) offsets(%dma_start3A_66 : memref<128xi32, #tpu.memory_space<vmem>>) semaphore(%run_scoped3A_63 : memref<!tpu.dma_semaphore, #tpu.memory_space<semaphore_mem>>) {add = true}
        %dma_wait3A_70 = arith.constant 0 : i32
        %dma_wait3A_71 = tpu.memref_slice %arg8[%mul3A_30, %dma_wait3A_70] : memref<157x128xi32, #tpu.memory_space<vmem>> -> memref<1x128xi32, #tpu.memory_space<vmem>>
        %dma_wait3A_72 = tpu.memref_squeeze %dma_wait3A_71 : memref<1x128xi32, #tpu.memory_space<vmem>> -> memref<128xi32, #tpu.memory_space<vmem>>
        %dma_wait3A_73 = arith.constant 0 : i32
        %dma_wait3A_74 = arith.constant 0 : i32
        %dma_wait3A_75 = tpu.memref_slice %arg11[%dma_wait3A_73, %dma_wait3A_74] : memref<10112x64xf32, #tpu.memory_space<vmem_shared>> -> memref<10112x64xf32, #tpu.memory_space<vmem_shared>>
        tpu.wait_indirect_dma semaphore(%run_scoped3A_63 : memref<!tpu.dma_semaphore, #tpu.memory_space<semaphore_mem>>) src(%arg9 : memref<128x64xf32, #tpu.memory_space<vmem>>) dst(%dma_wait3A_75 : memref<10112x64xf32, #tpu.memory_space<vmem_shared>>)
        tpu.yield
      }) : () -> ()
      %add3A_45 = arith.constant 2 : i32
      %add3A_46 = arith.addi %mul3A_30, %add3A_45 : i32
      %dma_start3A_47 = arith.constant 0 : i32
      %dma_start3A_48 = tpu.memref_slice %arg7[%add3A_46, %dma_start3A_47] : memref<157x128xi32, #tpu.memory_space<vmem>> -> memref<1x128xi32, #tpu.memory_space<vmem>>
      %dma_start3A_49 = tpu.memref_squeeze %dma_start3A_48 : memref<1x128xi32, #tpu.memory_space<vmem>> -> memref<128xi32, #tpu.memory_space<vmem>>
      %dma_start3A_50 = arith.constant 0 : i32
      %dma_start3A_51 = arith.constant 0 : i32
      %dma_start3A_52 = tpu.memref_slice %arg2[%dma_start3A_50, %dma_start3A_51] : memref<100000x64xf32, #tpu.memory_space<hbm>> -> memref<100000x64xf32, #tpu.memory_space<hbm>>
      tpu.enqueue_indirect_dma source(%dma_start3A_52 : memref<100000x64xf32, #tpu.memory_space<hbm>>) target(%arg9 : memref<128x64xf32, #tpu.memory_space<vmem>>) offsets(%dma_start3A_49 : memref<128xi32, #tpu.memory_space<vmem>>) semaphore(%arg12 : memref<!tpu.dma_semaphore, #tpu.memory_space<semaphore_mem>>)
      %add3A_53 = arith.constant 1 : i32
      %add3A_54 = arith.addi %mul3A_30, %add3A_53 : i32
      %dma_wait3A_55 = arith.constant 0 : i32
      %dma_wait3A_56 = tpu.memref_slice %arg7[%add3A_54, %dma_wait3A_55] : memref<157x128xi32, #tpu.memory_space<vmem>> -> memref<1x128xi32, #tpu.memory_space<vmem>>
      %dma_wait3A_57 = tpu.memref_squeeze %dma_wait3A_56 : memref<1x128xi32, #tpu.memory_space<vmem>> -> memref<128xi32, #tpu.memory_space<vmem>>
      %dma_wait3A_58 = arith.constant 0 : i32
      %dma_wait3A_59 = arith.constant 0 : i32
      %dma_wait3A_60 = tpu.memref_slice %arg2[%dma_wait3A_58, %dma_wait3A_59] : memref<100000x64xf32, #tpu.memory_space<hbm>> -> memref<100000x64xf32, #tpu.memory_space<hbm>>
      tpu.wait_indirect_dma semaphore(%arg13 : memref<!tpu.dma_semaphore, #tpu.memory_space<semaphore_mem>>) src(%dma_wait3A_60 : memref<100000x64xf32, #tpu.memory_space<hbm>>) dst(%arg10 : memref<128x64xf32, #tpu.memory_space<vmem>>)
      %add3A_61 = arith.constant 1 : i32
      %add3A_62 = arith.addi %mul3A_30, %add3A_61 : i32
      "tpu.region"() ({
        %run_scoped3A_63 = tpu.sem_alloc : memref<!tpu.dma_semaphore, #tpu.memory_space<semaphore_mem>>
        %dma_start3A_64 = arith.constant 0 : i32
        %dma_start3A_65 = tpu.memref_slice %arg8[%add3A_62, %dma_start3A_64] : memref<157x128xi32, #tpu.memory_space<vmem>> -> memref<1x128xi32, #tpu.memory_space<vmem>>
        %dma_start3A_66 = tpu.memref_squeeze %dma_start3A_65 : memref<1x128xi32, #tpu.memory_space<vmem>> -> memref<128xi32, #tpu.memory_space<vmem>>
        %dma_start3A_67 = arith.constant 0 : i32
        %dma_start3A_68 = arith.constant 0 : i32
        %dma_start3A_69 = tpu.memref_slice %arg11[%dma_start3A_67, %dma_start3A_68] : memref<10112x64xf32, #tpu.memory_space<vmem_shared>> -> memref<10112x64xf32, #tpu.memory_space<vmem_shared>>
        tpu.enqueue_indirect_dma source(%arg10 : memref<128x64xf32, #tpu.memory_space<vmem>>) target(%dma_start3A_69 : memref<10112x64xf32, #tpu.memory_space<vmem_shared>>) offsets(%dma_start3A_66 : memref<128xi32, #tpu.memory_space<vmem>>) semaphore(%run_scoped3A_63 : memref<!tpu.dma_semaphore, #tpu.memory_space<semaphore_mem>>) {add = true}
        %dma_wait3A_70 = arith.constant 0 : i32
        %dma_wait3A_71 = tpu.memref_slice %arg8[%add3A_62, %dma_wait3A_70] : memref<157x128xi32, #tpu.memory_space<vmem>> -> memref<1x128xi32, #tpu.memory_space<vmem>>
        %dma_wait3A_72 = tpu.memref_squeeze %dma_wait3A_71 : memref<1x128xi32, #tpu.memory_space<vmem>> -> memref<128xi32, #tpu.memory_space<vmem>>
        %dma_wait3A_73 = arith.constant 0 : i32
        %dma_wait3A_74 = arith.constant 0 : i32
        %dma_wait3A_75 = tpu.memref_slice %arg11[%dma_wait3A_73, %dma_wait3A_74] : memref<10112x64xf32, #tpu.memory_space<vmem_shared>> -> memref<10112x64xf32, #tpu.memory_space<vmem_shared>>
        tpu.wait_indirect_dma semaphore(%run_scoped3A_63 : memref<!tpu.dma_semaphore, #tpu.memory_space<semaphore_mem>>) src(%arg10 : memref<128x64xf32, #tpu.memory_space<vmem>>) dst(%dma_wait3A_75 : memref<10112x64xf32, #tpu.memory_space<vmem_shared>>)
        tpu.yield
      }) : () -> ()
    }
    %scan3A_12 = arith.constant 78 : i32
    %dma_wait3A = arith.constant 156 : i32
    %dma_wait3A_13 = arith.constant 0 : i32
    %dma_wait3A_14 = tpu.memref_slice %arg7[%dma_wait3A, %dma_wait3A_13] : memref<157x128xi32, #tpu.memory_space<vmem>> -> memref<1x128xi32, #tpu.memory_space<vmem>>
    %dma_wait3A_15 = tpu.memref_squeeze %dma_wait3A_14 : memref<1x128xi32, #tpu.memory_space<vmem>> -> memref<128xi32, #tpu.memory_space<vmem>>
    %dma_wait3A_16 = arith.constant 0 : i32
    %dma_wait3A_17 = arith.constant 0 : i32
    %dma_wait3A_18 = tpu.memref_slice %arg2[%dma_wait3A_16, %dma_wait3A_17] : memref<100000x64xf32, #tpu.memory_space<hbm>> -> memref<100000x64xf32, #tpu.memory_space<hbm>>
    tpu.wait_indirect_dma semaphore(%arg12 : memref<!tpu.dma_semaphore, #tpu.memory_space<semaphore_mem>>) src(%dma_wait3A_18 : memref<100000x64xf32, #tpu.memory_space<hbm>>) dst(%arg9 : memref<128x64xf32, #tpu.memory_space<vmem>>)
    %run_scoped3A = arith.constant 156 : i32
    "tpu.region"() ({
      %run_scoped3A_24 = tpu.sem_alloc : memref<!tpu.dma_semaphore, #tpu.memory_space<semaphore_mem>>
      %dma_start3A_25 = arith.constant 0 : i32
      %dma_start3A_26 = tpu.memref_slice %arg8[%run_scoped3A, %dma_start3A_25] : memref<157x128xi32, #tpu.memory_space<vmem>> -> memref<1x128xi32, #tpu.memory_space<vmem>>
      %dma_start3A_27 = tpu.memref_squeeze %dma_start3A_26 : memref<1x128xi32, #tpu.memory_space<vmem>> -> memref<128xi32, #tpu.memory_space<vmem>>
      %dma_start3A_28 = arith.constant 0 : i32
      %dma_start3A_29 = arith.constant 0 : i32
      %dma_start3A_30 = tpu.memref_slice %arg11[%dma_start3A_28, %dma_start3A_29] : memref<10112x64xf32, #tpu.memory_space<vmem_shared>> -> memref<10112x64xf32, #tpu.memory_space<vmem_shared>>
      tpu.enqueue_indirect_dma source(%arg9 : memref<128x64xf32, #tpu.memory_space<vmem>>) target(%dma_start3A_30 : memref<10112x64xf32, #tpu.memory_space<vmem_shared>>) offsets(%dma_start3A_27 : memref<128xi32, #tpu.memory_space<vmem>>) semaphore(%run_scoped3A_24 : memref<!tpu.dma_semaphore, #tpu.memory_space<semaphore_mem>>) {add = true}
      %dma_wait3A_31 = arith.constant 0 : i32
      %dma_wait3A_32 = tpu.memref_slice %arg8[%run_scoped3A, %dma_wait3A_31] : memref<157x128xi32, #tpu.memory_space<vmem>> -> memref<1x128xi32, #tpu.memory_space<vmem>>
      %dma_wait3A_33 = tpu.memref_squeeze %dma_wait3A_32 : memref<1x128xi32, #tpu.memory_space<vmem>> -> memref<128xi32, #tpu.memory_space<vmem>>
      %dma_wait3A_34 = arith.constant 0 : i32
      %dma_wait3A_35 = arith.constant 0 : i32
      %dma_wait3A_36 = tpu.memref_slice %arg11[%dma_wait3A_34, %dma_wait3A_35] : memref<10112x64xf32, #tpu.memory_space<vmem_shared>> -> memref<10112x64xf32, #tpu.memory_space<vmem_shared>>
      tpu.wait_indirect_dma semaphore(%run_scoped3A_24 : memref<!tpu.dma_semaphore, #tpu.memory_space<semaphore_mem>>) src(%arg9 : memref<128x64xf32, #tpu.memory_space<vmem>>) dst(%dma_wait3A_36 : memref<10112x64xf32, #tpu.memory_space<vmem_shared>>)
      tpu.yield
    }) : () -> ()
    %barrier3A_19 = arith.constant 0 : index
    tpu.barrier barrier_id(%barrier3A_19)
    %mul3A_20 = arith.constant 632 : i32
    %mul3A_21 = arith.muli %arg1, %mul3A_20 : i32
    %mul3A_22 = arith.constant 632 : i32
    %mul3A_23 = arith.muli %arg1, %mul3A_22 : i32
    "tpu.region"() ({
      %run_scoped3A_24 = tpu.sem_alloc : memref<!tpu.dma_semaphore, #tpu.memory_space<semaphore_mem>>
      %dma_start3A_25 = arith.constant 0 : i32
      %dma_start3A_26 = tpu.memref_slice %arg6[%arg0, %mul3A_23, %dma_start3A_25] : memref<2x10112x64xf32, #tpu.memory_space<hbm>> -> memref<1x632x64xf32, #tpu.memory_space<hbm>>
      %dma_start3A_27 = tpu.memref_squeeze %dma_start3A_26 : memref<1x632x64xf32, #tpu.memory_space<hbm>> -> memref<632x64xf32, #tpu.memory_space<hbm>>
      %dma_start3A_28 = arith.constant 0 : i32
      %dma_start3A_29 = tpu.memref_slice %arg11[%mul3A_21, %dma_start3A_28] : memref<10112x64xf32, #tpu.memory_space<vmem_shared>> -> memref<632x64xf32, #tpu.memory_space<vmem_shared>>
      tpu.enqueue_dma source(%dma_start3A_29 : memref<632x64xf32, #tpu.memory_space<vmem_shared>>) target(%dma_start3A_27 : memref<632x64xf32, #tpu.memory_space<hbm>>) target_semaphore(%run_scoped3A_24 : memref<!tpu.dma_semaphore, #tpu.memory_space<semaphore_mem>>)
      %dma_wait3A_30 = arith.constant 0 : i32
      %dma_wait3A_31 = tpu.memref_slice %arg6[%arg0, %mul3A_23, %dma_wait3A_30] : memref<2x10112x64xf32, #tpu.memory_space<hbm>> -> memref<1x632x64xf32, #tpu.memory_space<hbm>>
      %dma_wait3A_32 = tpu.memref_squeeze %dma_wait3A_31 : memref<1x632x64xf32, #tpu.memory_space<hbm>> -> memref<632x64xf32, #tpu.memory_space<hbm>>
      %dma_wait3A_33 = arith.constant 0 : i32
      %dma_wait3A_34 = tpu.memref_slice %arg11[%mul3A_21, %dma_wait3A_33] : memref<10112x64xf32, #tpu.memory_space<vmem_shared>> -> memref<632x64xf32, #tpu.memory_space<vmem_shared>>
      tpu.wait_dma2 semaphore(%run_scoped3A_24 : memref<!tpu.dma_semaphore, #tpu.memory_space<semaphore_mem>>) src(%dma_wait3A_34 : memref<632x64xf32, #tpu.memory_space<vmem_shared>>) dst(%dma_wait3A_32 : memref<632x64xf32, #tpu.memory_space<hbm>>)
      tpu.yield
    }) : () -> ()
    return
  }
}

#map = affine_map<(d0, d1) -> (0, 0)>
#map1 = affine_map<(d0, d1) -> (0, 0, 0)>
module attributes {stable_mosaic.version = 14 : i64} {
  func.func @body(%arg0: i32, %arg1: i32, %arg2: memref<100000x64xf32, #tpu.memory_space<hbm>>, %arg3: memref<32x157x128xi32, #tpu.memory_space<hbm>>, %arg4: memref<16x157x128xi32, #tpu.memory_space<hbm>>, %arg5: memref<632x64xf32, #tpu.memory_space<hbm>>, %arg6: memref<2x10112x64xf32, #tpu.memory_space<hbm>>, %arg7: memref<157x128xi32, #tpu.memory_space<vmem>>, %arg8: memref<157x128xi32, #tpu.memory_space<vmem>>, %arg9: memref<128x64xf32, #tpu.memory_space<vmem>>, %arg10: memref<128x64xf32, #tpu.memory_space<vmem>>, %arg11: memref<10112x64xf32, #tpu.memory_space<vmem_shared>>, %arg12: memref<!tpu.dma_semaphore, #tpu.memory_space<semaphore_mem>>, %arg13: memref<!tpu.dma_semaphore, #tpu.memory_space<semaphore_mem>>) attributes {dimension_semantics = [#tpu.dimension_semantics<core_parallel>, #tpu.dimension_semantics<subcore_parallel>], iteration_bounds = array<i64: 2, 16>, scalar_prefetch = 0 : i64, scratch_operands = 7 : i64, tpu.core_type = #tpu.core_type<sc_vector_subcore>, window_params = [{transform_indices = #map}, {transform_indices = #map1}, {transform_indices = #map1}, {transform_indices = #map}, {transform_indices = #map1}]} {
    %mul3A = arith.constant 632 : i32
    %mul3A_0 = arith.muli %arg1, %mul3A : i32
    "tpu.region"() ({
      %run_scoped3A_24 = tpu.sem_alloc : memref<!tpu.dma_semaphore, #tpu.memory_space<semaphore_mem>>
      %dma_start3A_25 = arith.constant 0 : i32
      %dma_start3A_26 = tpu.memref_slice %arg11[%mul3A_0, %dma_start3A_25] : memref<10112x64xf32, #tpu.memory_space<vmem_shared>> -> memref<632x64xf32, #tpu.memory_space<vmem_shared>>
      tpu.enqueue_dma source(%arg5 : memref<632x64xf32, #tpu.memory_space<hbm>>) target(%dma_start3A_26 : memref<632x64xf32, #tpu.memory_space<vmem_shared>>) target_semaphore(%run_scoped3A_24 : memref<!tpu.dma_semaphore, #tpu.memory_space<semaphore_mem>>)
      %dma_wait3A_27 = arith.constant 0 : i32
      %dma_wait3A_28 = tpu.memref_slice %arg11[%mul3A_0, %dma_wait3A_27] : memref<10112x64xf32, #tpu.memory_space<vmem_shared>> -> memref<632x64xf32, #tpu.memory_space<vmem_shared>>
      tpu.wait_dma2 semaphore(%run_scoped3A_24 : memref<!tpu.dma_semaphore, #tpu.memory_space<semaphore_mem>>) src(%arg5 : memref<632x64xf32, #tpu.memory_space<hbm>>) dst(%dma_wait3A_28 : memref<632x64xf32, #tpu.memory_space<vmem_shared>>)
      tpu.yield
    }) : () -> ()
    %mul3A_1 = arith.constant 16 : i32
    %mul3A_2 = arith.muli %arg0, %mul3A_1 : i32
    %add3A = arith.addi %mul3A_2, %arg1 : i32
    "tpu.region"() ({
      %run_scoped3A_24 = tpu.sem_alloc : memref<!tpu.dma_semaphore, #tpu.memory_space<semaphore_mem>>
      %dma_start3A_25 = arith.constant 0 : i32
      %dma_start3A_26 = arith.constant 0 : i32
      %dma_start3A_27 = tpu.memref_slice %arg3[%add3A, %dma_start3A_25, %dma_start3A_26] : memref<32x157x128xi32, #tpu.memory_space<hbm>> -> memref<1x157x128xi32, #tpu.memory_space<hbm>>
      %dma_start3A_28 = tpu.memref_squeeze %dma_start3A_27 : memref<1x157x128xi32, #tpu.memory_space<hbm>> -> memref<157x128xi32, #tpu.memory_space<hbm>>
      %dma_start3A_29 = arith.constant 0 : i32
      %dma_start3A_30 = arith.constant 0 : i32
      %dma_start3A_31 = tpu.memref_slice %arg3[%add3A, %dma_start3A_29, %dma_start3A_30] : memref<32x157x128xi32, #tpu.memory_space<hbm>> -> memref<1x157x128xi32, #tpu.memory_space<hbm>>
      %dma_start3A_32 = tpu.memref_squeeze %dma_start3A_31 : memref<1x157x128xi32, #tpu.memory_space<hbm>> -> memref<157x128xi32, #tpu.memory_space<hbm>>
      tpu.enqueue_dma source(%dma_start3A_32 : memref<157x128xi32, #tpu.memory_space<hbm>>) target(%arg7 : memref<157x128xi32, #tpu.memory_space<vmem>>) target_semaphore(%run_scoped3A_24 : memref<!tpu.dma_semaphore, #tpu.memory_space<semaphore_mem>>)
      %dma_wait3A_33 = arith.constant 0 : i32
      %dma_wait3A_34 = arith.constant 0 : i32
      %dma_wait3A_35 = tpu.memref_slice %arg3[%add3A, %dma_wait3A_33, %dma_wait3A_34] : memref<32x157x128xi32, #tpu.memory_space<hbm>> -> memref<1x157x128xi32, #tpu.memory_space<hbm>>
      %dma_wait3A_36 = tpu.memref_squeeze %dma_wait3A_35 : memref<1x157x128xi32, #tpu.memory_space<hbm>> -> memref<157x128xi32, #tpu.memory_space<hbm>>
      %dma_wait3A_37 = arith.constant 0 : i32
      %dma_wait3A_38 = arith.constant 0 : i32
      %dma_wait3A_39 = tpu.memref_slice %arg3[%add3A, %dma_wait3A_37, %dma_wait3A_38] : memref<32x157x128xi32, #tpu.memory_space<hbm>> -> memref<1x157x128xi32, #tpu.memory_space<hbm>>
      %dma_wait3A_40 = tpu.memref_squeeze %dma_wait3A_39 : memref<1x157x128xi32, #tpu.memory_space<hbm>> -> memref<157x128xi32, #tpu.memory_space<hbm>>
      tpu.wait_dma2 semaphore(%run_scoped3A_24 : memref<!tpu.dma_semaphore, #tpu.memory_space<semaphore_mem>>) src(%dma_wait3A_40 : memref<157x128xi32, #tpu.memory_space<hbm>>) dst(%arg7 : memref<157x128xi32, #tpu.memory_space<vmem>>)
      tpu.yield
    }) : () -> ()
    "tpu.region"() ({
      %run_scoped3A_24 = tpu.sem_alloc : memref<!tpu.dma_semaphore, #tpu.memory_space<semaphore_mem>>
      %dma_start3A_25 = arith.constant 0 : i32
      %dma_start3A_26 = arith.constant 0 : i32
      %dma_start3A_27 = tpu.memref_slice %arg4[%arg1, %dma_start3A_25, %dma_start3A_26] : memref<16x157x128xi32, #tpu.memory_space<hbm>> -> memref<1x157x128xi32, #tpu.memory_space<hbm>>
      %dma_start3A_28 = tpu.memref_squeeze %dma_start3A_27 : memref<1x157x128xi32, #tpu.memory_space<hbm>> -> memref<157x128xi32, #tpu.memory_space<hbm>>
      %dma_start3A_29 = arith.constant 0 : i32
      %dma_start3A_30 = arith.constant 0 : i32
      %dma_start3A_31 = tpu.memref_slice %arg4[%arg1, %dma_start3A_29, %dma_start3A_30] : memref<16x157x128xi32, #tpu.memory_space<hbm>> -> memref<1x157x128xi32, #tpu.memory_space<hbm>>
      %dma_start3A_32 = tpu.memref_squeeze %dma_start3A_31 : memref<1x157x128xi32, #tpu.memory_space<hbm>> -> memref<157x128xi32, #tpu.memory_space<hbm>>
      tpu.enqueue_dma source(%dma_start3A_32 : memref<157x128xi32, #tpu.memory_space<hbm>>) target(%arg8 : memref<157x128xi32, #tpu.memory_space<vmem>>) target_semaphore(%run_scoped3A_24 : memref<!tpu.dma_semaphore, #tpu.memory_space<semaphore_mem>>)
      %dma_wait3A_33 = arith.constant 0 : i32
      %dma_wait3A_34 = arith.constant 0 : i32
      %dma_wait3A_35 = tpu.memref_slice %arg4[%arg1, %dma_wait3A_33, %dma_wait3A_34] : memref<16x157x128xi32, #tpu.memory_space<hbm>> -> memref<1x157x128xi32, #tpu.memory_space<hbm>>
      %dma_wait3A_36 = tpu.memref_squeeze %dma_wait3A_35 : memref<1x157x128xi32, #tpu.memory_space<hbm>> -> memref<157x128xi32, #tpu.memory_space<hbm>>
      %dma_wait3A_37 = arith.constant 0 : i32
      %dma_wait3A_38 = arith.constant 0 : i32
      %dma_wait3A_39 = tpu.memref_slice %arg4[%arg1, %dma_wait3A_37, %dma_wait3A_38] : memref<16x157x128xi32, #tpu.memory_space<hbm>> -> memref<1x157x128xi32, #tpu.memory_space<hbm>>
      %dma_wait3A_40 = tpu.memref_squeeze %dma_wait3A_39 : memref<1x157x128xi32, #tpu.memory_space<hbm>> -> memref<157x128xi32, #tpu.memory_space<hbm>>
      tpu.wait_dma2 semaphore(%run_scoped3A_24 : memref<!tpu.dma_semaphore, #tpu.memory_space<semaphore_mem>>) src(%dma_wait3A_40 : memref<157x128xi32, #tpu.memory_space<hbm>>) dst(%arg8 : memref<157x128xi32, #tpu.memory_space<vmem>>)
      tpu.yield
    }) : () -> ()
    %dma_start3A = arith.constant 0 : i32
    %dma_start3A_3 = arith.constant 0 : i32
    %dma_start3A_4 = tpu.memref_slice %arg7[%dma_start3A, %dma_start3A_3] : memref<157x128xi32, #tpu.memory_space<vmem>> -> memref<1x128xi32, #tpu.memory_space<vmem>>
    %dma_start3A_5 = tpu.memref_squeeze %dma_start3A_4 : memref<1x128xi32, #tpu.memory_space<vmem>> -> memref<128xi32, #tpu.memory_space<vmem>>
    %dma_start3A_6 = arith.constant 0 : i32
    %dma_start3A_7 = arith.constant 0 : i32
    %dma_start3A_8 = tpu.memref_slice %arg2[%dma_start3A_6, %dma_start3A_7] : memref<100000x64xf32, #tpu.memory_space<hbm>> -> memref<100000x64xf32, #tpu.memory_space<hbm>>
    tpu.enqueue_indirect_dma source(%dma_start3A_8 : memref<100000x64xf32, #tpu.memory_space<hbm>>) target(%arg9 : memref<128x64xf32, #tpu.memory_space<vmem>>) offsets(%dma_start3A_5 : memref<128xi32, #tpu.memory_space<vmem>>) semaphore(%arg12 : memref<!tpu.dma_semaphore, #tpu.memory_space<semaphore_mem>>)
    %barrier3A = arith.constant 0 : index
    tpu.barrier barrier_id(%barrier3A)
    %scan3A = arith.constant 0 : i32
    %scan3A_9 = arith.constant 78 : i32
    %scan3A_10 = arith.addi %scan3A, %scan3A_9 : i32
    %scan3A_11 = arith.constant 1 : i32
    scf.for %scan3A_24 = %scan3A to %scan3A_10 step %scan3A_11  : i32 {
      %mul3A_25 = arith.constant 1 : i32
      %mul3A_26 = arith.muli %scan3A_24, %mul3A_25 : i32
      %add3A_27 = arith.constant 0 : i32
      %add3A_28 = arith.addi %add3A_27, %mul3A_26 : i32
      %mul3A_29 = arith.constant 2 : i32
      %mul3A_30 = arith.muli %mul3A_29, %add3A_28 : i32
      %add3A_31 = arith.constant 1 : i32
      %add3A_32 = arith.addi %mul3A_30, %add3A_31 : i32
      %dma_start3A_33 = arith.constant 0 : i32
      %dma_start3A_34 = tpu.memref_slice %arg7[%add3A_32, %dma_start3A_33] : memref<157x128xi32, #tpu.memory_space<vmem>> -> memref<1x128xi32, #tpu.memory_space<vmem>>
      %dma_start3A_35 = tpu.memref_squeeze %dma_start3A_34 : memref<1x128xi32, #tpu.memory_space<vmem>> -> memref<128xi32, #tpu.memory_space<vmem>>
      %dma_start3A_36 = arith.constant 0 : i32
      %dma_start3A_37 = arith.constant 0 : i32
      %dma_start3A_38 = tpu.memref_slice %arg2[%dma_start3A_36, %dma_start3A_37] : memref<100000x64xf32, #tpu.memory_space<hbm>> -> memref<100000x64xf32, #tpu.memory_space<hbm>>
      tpu.enqueue_indirect_dma source(%dma_start3A_38 : memref<100000x64xf32, #tpu.memory_space<hbm>>) target(%arg10 : memref<128x64xf32, #tpu.memory_space<vmem>>) offsets(%dma_start3A_35 : memref<128xi32, #tpu.memory_space<vmem>>) semaphore(%arg13 : memref<!tpu.dma_semaphore, #tpu.memory_space<semaphore_mem>>)
      %dma_wait3A_39 = arith.constant 0 : i32
      %dma_wait3A_40 = tpu.memref_slice %arg7[%mul3A_30, %dma_wait3A_39] : memref<157x128xi32, #tpu.memory_space<vmem>> -> memref<1x128xi32, #tpu.memory_space<vmem>>
      %dma_wait3A_41 = tpu.memref_squeeze %dma_wait3A_40 : memref<1x128xi32, #tpu.memory_space<vmem>> -> memref<128xi32, #tpu.memory_space<vmem>>
      %dma_wait3A_42 = arith.constant 0 : i32
      %dma_wait3A_43 = arith.constant 0 : i32
      %dma_wait3A_44 = tpu.memref_slice %arg2[%dma_wait3A_42, %dma_wait3A_43] : memref<100000x64xf32, #tpu.memory_space<hbm>> -> memref<100000x64xf32, #tpu.memory_space<hbm>>
      tpu.wait_indirect_dma semaphore(%arg12 : memref<!tpu.dma_semaphore, #tpu.memory_space<semaphore_mem>>) src(%dma_wait3A_44 : memref<100000x64xf32, #tpu.memory_space<hbm>>) dst(%arg9 : memref<128x64xf32, #tpu.memory_space<vmem>>)
      "tpu.region"() ({
        %run_scoped3A_63 = tpu.sem_alloc : memref<!tpu.dma_semaphore, #tpu.memory_space<semaphore_mem>>
        %dma_start3A_64 = arith.constant 0 : i32
        %dma_start3A_65 = tpu.memref_slice %arg8[%mul3A_30, %dma_start3A_64] : memref<157x128xi32, #tpu.memory_space<vmem>> -> memref<1x128xi32, #tpu.memory_space<vmem>>
        %dma_start3A_66 = tpu.memref_squeeze %dma_start3A_65 : memref<1x128xi32, #tpu.memory_space<vmem>> -> memref<128xi32, #tpu.memory_space<vmem>>
        %dma_start3A_67 = arith.constant 0 : i32
        %dma_start3A_68 = arith.constant 0 : i32
        %dma_start3A_69 = tpu.memref_slice %arg11[%dma_start3A_67, %dma_start3A_68] : memref<10112x64xf32, #tpu.memory_space<vmem_shared>> -> memref<10112x64xf32, #tpu.memory_space<vmem_shared>>
        tpu.enqueue_indirect_dma source(%arg9 : memref<128x64xf32, #tpu.memory_space<vmem>>) target(%dma_start3A_69 : memref<10112x64xf32, #tpu.memory_space<vmem_shared>>) offsets(%dma_start3A_66 : memref<128xi32, #tpu.memory_space<vmem>>) semaphore(%run_scoped3A_63 : memref<!tpu.dma_semaphore, #tpu.memory_space<semaphore_mem>>) {add = true}
        %dma_wait3A_70 = arith.constant 0 : i32
        %dma_wait3A_71 = tpu.memref_slice %arg8[%mul3A_30, %dma_wait3A_70] : memref<157x128xi32, #tpu.memory_space<vmem>> -> memref<1x128xi32, #tpu.memory_space<vmem>>
        %dma_wait3A_72 = tpu.memref_squeeze %dma_wait3A_71 : memref<1x128xi32, #tpu.memory_space<vmem>> -> memref<128xi32, #tpu.memory_space<vmem>>
        %dma_wait3A_73 = arith.constant 0 : i32
        %dma_wait3A_74 = arith.constant 0 : i32
        %dma_wait3A_75 = tpu.memref_slice %arg11[%dma_wait3A_73, %dma_wait3A_74] : memref<10112x64xf32, #tpu.memory_space<vmem_shared>> -> memref<10112x64xf32, #tpu.memory_space<vmem_shared>>
        tpu.wait_indirect_dma semaphore(%run_scoped3A_63 : memref<!tpu.dma_semaphore, #tpu.memory_space<semaphore_mem>>) src(%arg9 : memref<128x64xf32, #tpu.memory_space<vmem>>) dst(%dma_wait3A_75 : memref<10112x64xf32, #tpu.memory_space<vmem_shared>>)
        tpu.yield
      }) : () -> ()
      %add3A_45 = arith.constant 2 : i32
      %add3A_46 = arith.addi %mul3A_30, %add3A_45 : i32
      %dma_start3A_47 = arith.constant 0 : i32
      %dma_start3A_48 = tpu.memref_slice %arg7[%add3A_46, %dma_start3A_47] : memref<157x128xi32, #tpu.memory_space<vmem>> -> memref<1x128xi32, #tpu.memory_space<vmem>>
      %dma_start3A_49 = tpu.memref_squeeze %dma_start3A_48 : memref<1x128xi32, #tpu.memory_space<vmem>> -> memref<128xi32, #tpu.memory_space<vmem>>
      %dma_start3A_50 = arith.constant 0 : i32
      %dma_start3A_51 = arith.constant 0 : i32
      %dma_start3A_52 = tpu.memref_slice %arg2[%dma_start3A_50, %dma_start3A_51] : memref<100000x64xf32, #tpu.memory_space<hbm>> -> memref<100000x64xf32, #tpu.memory_space<hbm>>
      tpu.enqueue_indirect_dma source(%dma_start3A_52 : memref<100000x64xf32, #tpu.memory_space<hbm>>) target(%arg9 : memref<128x64xf32, #tpu.memory_space<vmem>>) offsets(%dma_start3A_49 : memref<128xi32, #tpu.memory_space<vmem>>) semaphore(%arg12 : memref<!tpu.dma_semaphore, #tpu.memory_space<semaphore_mem>>)
      %add3A_53 = arith.constant 1 : i32
      %add3A_54 = arith.addi %mul3A_30, %add3A_53 : i32
      %dma_wait3A_55 = arith.constant 0 : i32
      %dma_wait3A_56 = tpu.memref_slice %arg7[%add3A_54, %dma_wait3A_55] : memref<157x128xi32, #tpu.memory_space<vmem>> -> memref<1x128xi32, #tpu.memory_space<vmem>>
      %dma_wait3A_57 = tpu.memref_squeeze %dma_wait3A_56 : memref<1x128xi32, #tpu.memory_space<vmem>> -> memref<128xi32, #tpu.memory_space<vmem>>
      %dma_wait3A_58 = arith.constant 0 : i32
      %dma_wait3A_59 = arith.constant 0 : i32
      %dma_wait3A_60 = tpu.memref_slice %arg2[%dma_wait3A_58, %dma_wait3A_59] : memref<100000x64xf32, #tpu.memory_space<hbm>> -> memref<100000x64xf32, #tpu.memory_space<hbm>>
      tpu.wait_indirect_dma semaphore(%arg13 : memref<!tpu.dma_semaphore, #tpu.memory_space<semaphore_mem>>) src(%dma_wait3A_60 : memref<100000x64xf32, #tpu.memory_space<hbm>>) dst(%arg10 : memref<128x64xf32, #tpu.memory_space<vmem>>)
      %add3A_61 = arith.constant 1 : i32
      %add3A_62 = arith.addi %mul3A_30, %add3A_61 : i32
      "tpu.region"() ({
        %run_scoped3A_63 = tpu.sem_alloc : memref<!tpu.dma_semaphore, #tpu.memory_space<semaphore_mem>>
        %dma_start3A_64 = arith.constant 0 : i32
        %dma_start3A_65 = tpu.memref_slice %arg8[%add3A_62, %dma_start3A_64] : memref<157x128xi32, #tpu.memory_space<vmem>> -> memref<1x128xi32, #tpu.memory_space<vmem>>
        %dma_start3A_66 = tpu.memref_squeeze %dma_start3A_65 : memref<1x128xi32, #tpu.memory_space<vmem>> -> memref<128xi32, #tpu.memory_space<vmem>>
        %dma_start3A_67 = arith.constant 0 : i32
        %dma_start3A_68 = arith.constant 0 : i32
        %dma_start3A_69 = tpu.memref_slice %arg11[%dma_start3A_67, %dma_start3A_68] : memref<10112x64xf32, #tpu.memory_space<vmem_shared>> -> memref<10112x64xf32, #tpu.memory_space<vmem_shared>>
        tpu.enqueue_indirect_dma source(%arg10 : memref<128x64xf32, #tpu.memory_space<vmem>>) target(%dma_start3A_69 : memref<10112x64xf32, #tpu.memory_space<vmem_shared>>) offsets(%dma_start3A_66 : memref<128xi32, #tpu.memory_space<vmem>>) semaphore(%run_scoped3A_63 : memref<!tpu.dma_semaphore, #tpu.memory_space<semaphore_mem>>) {add = true}
        %dma_wait3A_70 = arith.constant 0 : i32
        %dma_wait3A_71 = tpu.memref_slice %arg8[%add3A_62, %dma_wait3A_70] : memref<157x128xi32, #tpu.memory_space<vmem>> -> memref<1x128xi32, #tpu.memory_space<vmem>>
        %dma_wait3A_72 = tpu.memref_squeeze %dma_wait3A_71 : memref<1x128xi32, #tpu.memory_space<vmem>> -> memref<128xi32, #tpu.memory_space<vmem>>
        %dma_wait3A_73 = arith.constant 0 : i32
        %dma_wait3A_74 = arith.constant 0 : i32
        %dma_wait3A_75 = tpu.memref_slice %arg11[%dma_wait3A_73, %dma_wait3A_74] : memref<10112x64xf32, #tpu.memory_space<vmem_shared>> -> memref<10112x64xf32, #tpu.memory_space<vmem_shared>>
        tpu.wait_indirect_dma semaphore(%run_scoped3A_63 : memref<!tpu.dma_semaphore, #tpu.memory_space<semaphore_mem>>) src(%arg10 : memref<128x64xf32, #tpu.memory_space<vmem>>) dst(%dma_wait3A_75 : memref<10112x64xf32, #tpu.memory_space<vmem_shared>>)
        tpu.yield
      }) : () -> ()
    }
    %scan3A_12 = arith.constant 78 : i32
    %dma_wait3A = arith.constant 156 : i32
    %dma_wait3A_13 = arith.constant 0 : i32
    %dma_wait3A_14 = tpu.memref_slice %arg7[%dma_wait3A, %dma_wait3A_13] : memref<157x128xi32, #tpu.memory_space<vmem>> -> memref<1x128xi32, #tpu.memory_space<vmem>>
    %dma_wait3A_15 = tpu.memref_squeeze %dma_wait3A_14 : memref<1x128xi32, #tpu.memory_space<vmem>> -> memref<128xi32, #tpu.memory_space<vmem>>
    %dma_wait3A_16 = arith.constant 0 : i32
    %dma_wait3A_17 = arith.constant 0 : i32
    %dma_wait3A_18 = tpu.memref_slice %arg2[%dma_wait3A_16, %dma_wait3A_17] : memref<100000x64xf32, #tpu.memory_space<hbm>> -> memref<100000x64xf32, #tpu.memory_space<hbm>>
    tpu.wait_indirect_dma semaphore(%arg12 : memref<!tpu.dma_semaphore, #tpu.memory_space<semaphore_mem>>) src(%dma_wait3A_18 : memref<100000x64xf32, #tpu.memory_space<hbm>>) dst(%arg9 : memref<128x64xf32, #tpu.memory_space<vmem>>)
    %run_scoped3A = arith.constant 156 : i32
    "tpu.region"() ({
      %run_scoped3A_24 = tpu.sem_alloc : memref<!tpu.dma_semaphore, #tpu.memory_space<semaphore_mem>>
      %dma_start3A_25 = arith.constant 0 : i32
      %dma_start3A_26 = tpu.memref_slice %arg8[%run_scoped3A, %dma_start3A_25] : memref<157x128xi32, #tpu.memory_space<vmem>> -> memref<1x128xi32, #tpu.memory_space<vmem>>
      %dma_start3A_27 = tpu.memref_squeeze %dma_start3A_26 : memref<1x128xi32, #tpu.memory_space<vmem>> -> memref<128xi32, #tpu.memory_space<vmem>>
      %dma_start3A_28 = arith.constant 0 : i32
      %dma_start3A_29 = arith.constant 0 : i32
      %dma_start3A_30 = tpu.memref_slice %arg11[%dma_start3A_28, %dma_start3A_29] : memref<10112x64xf32, #tpu.memory_space<vmem_shared>> -> memref<10112x64xf32, #tpu.memory_space<vmem_shared>>
      tpu.enqueue_indirect_dma source(%arg9 : memref<128x64xf32, #tpu.memory_space<vmem>>) target(%dma_start3A_30 : memref<10112x64xf32, #tpu.memory_space<vmem_shared>>) offsets(%dma_start3A_27 : memref<128xi32, #tpu.memory_space<vmem>>) semaphore(%run_scoped3A_24 : memref<!tpu.dma_semaphore, #tpu.memory_space<semaphore_mem>>) {add = true}
      %dma_wait3A_31 = arith.constant 0 : i32
      %dma_wait3A_32 = tpu.memref_slice %arg8[%run_scoped3A, %dma_wait3A_31] : memref<157x128xi32, #tpu.memory_space<vmem>> -> memref<1x128xi32, #tpu.memory_space<vmem>>
      %dma_wait3A_33 = tpu.memref_squeeze %dma_wait3A_32 : memref<1x128xi32, #tpu.memory_space<vmem>> -> memref<128xi32, #tpu.memory_space<vmem>>
      %dma_wait3A_34 = arith.constant 0 : i32
      %dma_wait3A_35 = arith.constant 0 : i32
      %dma_wait3A_36 = tpu.memref_slice %arg11[%dma_wait3A_34, %dma_wait3A_35] : memref<10112x64xf32, #tpu.memory_space<vmem_shared>> -> memref<10112x64xf32, #tpu.memory_space<vmem_shared>>
      tpu.wait_indirect_dma semaphore(%run_scoped3A_24 : memref<!tpu.dma_semaphore, #tpu.memory_space<semaphore_mem>>) src(%arg9 : memref<128x64xf32, #tpu.memory_space<vmem>>) dst(%dma_wait3A_36 : memref<10112x64xf32, #tpu.memory_space<vmem_shared>>)
      tpu.yield
    }) : () -> ()
    %barrier3A_19 = arith.constant 0 : index
    tpu.barrier barrier_id(%barrier3A_19)
    %mul3A_20 = arith.constant 632 : i32
    %mul3A_21 = arith.muli %arg1, %mul3A_20 : i32
    %mul3A_22 = arith.constant 632 : i32
    %mul3A_23 = arith.muli %arg1, %mul3A_22 : i32
    "tpu.region"() ({
      %run_scoped3A_24 = tpu.sem_alloc : memref<!tpu.dma_semaphore, #tpu.memory_space<semaphore_mem>>
      %dma_start3A_25 = arith.constant 0 : i32
      %dma_start3A_26 = tpu.memref_slice %arg6[%arg0, %mul3A_23, %dma_start3A_25] : memref<2x10112x64xf32, #tpu.memory_space<hbm>> -> memref<1x632x64xf32, #tpu.memory_space<hbm>>
      %dma_start3A_27 = tpu.memref_squeeze %dma_start3A_26 : memref<1x632x64xf32, #tpu.memory_space<hbm>> -> memref<632x64xf32, #tpu.memory_space<hbm>>
      %dma_start3A_28 = arith.constant 0 : i32
      %dma_start3A_29 = tpu.memref_slice %arg11[%mul3A_21, %dma_start3A_28] : memref<10112x64xf32, #tpu.memory_space<vmem_shared>> -> memref<632x64xf32, #tpu.memory_space<vmem_shared>>
      tpu.enqueue_dma source(%dma_start3A_29 : memref<632x64xf32, #tpu.memory_space<vmem_shared>>) target(%dma_start3A_27 : memref<632x64xf32, #tpu.memory_space<hbm>>) target_semaphore(%run_scoped3A_24 : memref<!tpu.dma_semaphore, #tpu.memory_space<semaphore_mem>>)
      %dma_wait3A_30 = arith.constant 0 : i32
      %dma_wait3A_31 = tpu.memref_slice %arg6[%arg0, %mul3A_23, %dma_wait3A_30] : memref<2x10112x64xf32, #tpu.memory_space<hbm>> -> memref<1x632x64xf32, #tpu.memory_space<hbm>>
      %dma_wait3A_32 = tpu.memref_squeeze %dma_wait3A_31 : memref<1x632x64xf32, #tpu.memory_space<hbm>> -> memref<632x64xf32, #tpu.memory_space<hbm>>
      %dma_wait3A_33 = arith.constant 0 : i32
      %dma_wait3A_34 = tpu.memref_slice %arg11[%mul3A_21, %dma_wait3A_33] : memref<10112x64xf32, #tpu.memory_space<vmem_shared>> -> memref<632x64xf32, #tpu.memory_space<vmem_shared>>
      tpu.wait_dma2 semaphore(%run_scoped3A_24 : memref<!tpu.dma_semaphore, #tpu.memory_space<semaphore_mem>>) src(%dma_wait3A_34 : memref<632x64xf32, #tpu.memory_space<vmem_shared>>) dst(%dma_wait3A_32 : memref<632x64xf32, #tpu.memory_space<hbm>>)
      tpu.yield
    }) : () -> ()
    return
  }
}

#map = affine_map<(d0, d1) -> (0, 0, 0)>
#map1 = affine_map<(d0, d1) -> (0, 0)>
module attributes {stable_mosaic.version = 14 : i64} {
  func.func @body(%arg0: i32, %arg1: i32, %arg2: memref<16x157x128xi32, #tpu.memory_space<hbm>>, %arg3: memref<632x16xf32, #tpu.memory_space<hbm>>, %arg4: memref<128x16xf32, #tpu.memory_space<hbm>>, %arg5: memref<2x10112x16xf32, #tpu.memory_space<hbm>>, %arg6: memref<157x128xi32, #tpu.memory_space<vmem>>, %arg7: memref<128x16xf32, #tpu.memory_space<vmem>>, %arg8: memref<10112x16xf32, #tpu.memory_space<vmem_shared>>) attributes {dimension_semantics = [#tpu.dimension_semantics<core_parallel>, #tpu.dimension_semantics<subcore_parallel>], iteration_bounds = array<i64: 2, 16>, scalar_prefetch = 0 : i64, scratch_operands = 3 : i64, tpu.core_type = #tpu.core_type<sc_vector_subcore>, window_params = [{transform_indices = #map}, {transform_indices = #map1}, {transform_indices = #map1}, {transform_indices = #map}]} {
    %mul3A = arith.constant 632 : i32
    %mul3A_0 = arith.muli %arg1, %mul3A : i32
    "tpu.region"() ({
      %run_scoped3A = tpu.sem_alloc : memref<!tpu.dma_semaphore, #tpu.memory_space<semaphore_mem>>
      %dma_start3A = arith.constant 0 : i32
      %dma_start3A_10 = tpu.memref_slice %arg8[%mul3A_0, %dma_start3A] : memref<10112x16xf32, #tpu.memory_space<vmem_shared>> -> memref<632x16xf32, #tpu.memory_space<vmem_shared>>
      tpu.enqueue_dma source(%arg3 : memref<632x16xf32, #tpu.memory_space<hbm>>) target(%dma_start3A_10 : memref<632x16xf32, #tpu.memory_space<vmem_shared>>) target_semaphore(%run_scoped3A : memref<!tpu.dma_semaphore, #tpu.memory_space<semaphore_mem>>)
      %dma_wait3A = arith.constant 0 : i32
      %dma_wait3A_11 = tpu.memref_slice %arg8[%mul3A_0, %dma_wait3A] : memref<10112x16xf32, #tpu.memory_space<vmem_shared>> -> memref<632x16xf32, #tpu.memory_space<vmem_shared>>
      tpu.wait_dma2 semaphore(%run_scoped3A : memref<!tpu.dma_semaphore, #tpu.memory_space<semaphore_mem>>) src(%arg3 : memref<632x16xf32, #tpu.memory_space<hbm>>) dst(%dma_wait3A_11 : memref<632x16xf32, #tpu.memory_space<vmem_shared>>)
      tpu.yield
    }) : () -> ()
    "tpu.region"() ({
      %run_scoped3A = tpu.sem_alloc : memref<!tpu.dma_semaphore, #tpu.memory_space<semaphore_mem>>
      tpu.enqueue_dma source(%arg4 : memref<128x16xf32, #tpu.memory_space<hbm>>) target(%arg7 : memref<128x16xf32, #tpu.memory_space<vmem>>) target_semaphore(%run_scoped3A : memref<!tpu.dma_semaphore, #tpu.memory_space<semaphore_mem>>)
      tpu.wait_dma2 semaphore(%run_scoped3A : memref<!tpu.dma_semaphore, #tpu.memory_space<semaphore_mem>>) src(%arg4 : memref<128x16xf32, #tpu.memory_space<hbm>>) dst(%arg7 : memref<128x16xf32, #tpu.memory_space<vmem>>)
      tpu.yield
    }) : () -> ()
    "tpu.region"() ({
      %run_scoped3A = tpu.sem_alloc : memref<!tpu.dma_semaphore, #tpu.memory_space<semaphore_mem>>
      %dma_start3A = arith.constant 0 : i32
      %dma_start3A_10 = arith.constant 0 : i32
      %dma_start3A_11 = tpu.memref_slice %arg2[%arg1, %dma_start3A, %dma_start3A_10] : memref<16x157x128xi32, #tpu.memory_space<hbm>> -> memref<1x157x128xi32, #tpu.memory_space<hbm>>
      %dma_start3A_12 = tpu.memref_squeeze %dma_start3A_11 : memref<1x157x128xi32, #tpu.memory_space<hbm>> -> memref<157x128xi32, #tpu.memory_space<hbm>>
      %dma_start3A_13 = arith.constant 0 : i32
      %dma_start3A_14 = arith.constant 0 : i32
      %dma_start3A_15 = tpu.memref_slice %arg2[%arg1, %dma_start3A_13, %dma_start3A_14] : memref<16x157x128xi32, #tpu.memory_space<hbm>> -> memref<1x157x128xi32, #tpu.memory_space<hbm>>
      %dma_start3A_16 = tpu.memref_squeeze %dma_start3A_15 : memref<1x157x128xi32, #tpu.memory_space<hbm>> -> memref<157x128xi32, #tpu.memory_space<hbm>>
      tpu.enqueue_dma source(%dma_start3A_16 : memref<157x128xi32, #tpu.memory_space<hbm>>) target(%arg6 : memref<157x128xi32, #tpu.memory_space<vmem>>) target_semaphore(%run_scoped3A : memref<!tpu.dma_semaphore, #tpu.memory_space<semaphore_mem>>)
      %dma_wait3A = arith.constant 0 : i32
      %dma_wait3A_17 = arith.constant 0 : i32
      %dma_wait3A_18 = tpu.memref_slice %arg2[%arg1, %dma_wait3A, %dma_wait3A_17] : memref<16x157x128xi32, #tpu.memory_space<hbm>> -> memref<1x157x128xi32, #tpu.memory_space<hbm>>
      %dma_wait3A_19 = tpu.memref_squeeze %dma_wait3A_18 : memref<1x157x128xi32, #tpu.memory_space<hbm>> -> memref<157x128xi32, #tpu.memory_space<hbm>>
      %dma_wait3A_20 = arith.constant 0 : i32
      %dma_wait3A_21 = arith.constant 0 : i32
      %dma_wait3A_22 = tpu.memref_slice %arg2[%arg1, %dma_wait3A_20, %dma_wait3A_21] : memref<16x157x128xi32, #tpu.memory_space<hbm>> -> memref<1x157x128xi32, #tpu.memory_space<hbm>>
      %dma_wait3A_23 = tpu.memref_squeeze %dma_wait3A_22 : memref<1x157x128xi32, #tpu.memory_space<hbm>> -> memref<157x128xi32, #tpu.memory_space<hbm>>
      tpu.wait_dma2 semaphore(%run_scoped3A : memref<!tpu.dma_semaphore, #tpu.memory_space<semaphore_mem>>) src(%dma_wait3A_23 : memref<157x128xi32, #tpu.memory_space<hbm>>) dst(%arg6 : memref<157x128xi32, #tpu.memory_space<vmem>>)
      tpu.yield
    }) : () -> ()
    %barrier3A = arith.constant 0 : index
    tpu.barrier barrier_id(%barrier3A)
    %scan3A = arith.constant 0 : i32
    %scan3A_1 = arith.constant 157 : i32
    %scan3A_2 = arith.addi %scan3A, %scan3A_1 : i32
    %scan3A_3 = arith.constant 1 : i32
    scf.for %scan3A_10 = %scan3A to %scan3A_2 step %scan3A_3  : i32 {
      %mul3A_11 = arith.constant 1 : i32
      %mul3A_12 = arith.muli %scan3A_10, %mul3A_11 : i32
      %add3A = arith.constant 0 : i32
      %add3A_13 = arith.addi %add3A, %mul3A_12 : i32
      "tpu.region"() ({
        %run_scoped3A = tpu.sem_alloc : memref<!tpu.dma_semaphore, #tpu.memory_space<semaphore_mem>>
        %dma_start3A = arith.constant 0 : i32
        %dma_start3A_14 = tpu.memref_slice %arg6[%add3A_13, %dma_start3A] : memref<157x128xi32, #tpu.memory_space<vmem>> -> memref<1x128xi32, #tpu.memory_space<vmem>>
        %dma_start3A_15 = tpu.memref_squeeze %dma_start3A_14 : memref<1x128xi32, #tpu.memory_space<vmem>> -> memref<128xi32, #tpu.memory_space<vmem>>
        %dma_start3A_16 = arith.constant 0 : i32
        %dma_start3A_17 = arith.constant 0 : i32
        %dma_start3A_18 = tpu.memref_slice %arg8[%dma_start3A_16, %dma_start3A_17] : memref<10112x16xf32, #tpu.memory_space<vmem_shared>> -> memref<10112x16xf32, #tpu.memory_space<vmem_shared>>
        tpu.enqueue_indirect_dma source(%arg7 : memref<128x16xf32, #tpu.memory_space<vmem>>) target(%dma_start3A_18 : memref<10112x16xf32, #tpu.memory_space<vmem_shared>>) offsets(%dma_start3A_15 : memref<128xi32, #tpu.memory_space<vmem>>) semaphore(%run_scoped3A : memref<!tpu.dma_semaphore, #tpu.memory_space<semaphore_mem>>) {add = true}
        %dma_wait3A = arith.constant 0 : i32
        %dma_wait3A_19 = tpu.memref_slice %arg6[%add3A_13, %dma_wait3A] : memref<157x128xi32, #tpu.memory_space<vmem>> -> memref<1x128xi32, #tpu.memory_space<vmem>>
        %dma_wait3A_20 = tpu.memref_squeeze %dma_wait3A_19 : memref<1x128xi32, #tpu.memory_space<vmem>> -> memref<128xi32, #tpu.memory_space<vmem>>
        %dma_wait3A_21 = arith.constant 0 : i32
        %dma_wait3A_22 = arith.constant 0 : i32
        %dma_wait3A_23 = tpu.memref_slice %arg8[%dma_wait3A_21, %dma_wait3A_22] : memref<10112x16xf32, #tpu.memory_space<vmem_shared>> -> memref<10112x16xf32, #tpu.memory_space<vmem_shared>>
        tpu.wait_indirect_dma semaphore(%run_scoped3A : memref<!tpu.dma_semaphore, #tpu.memory_space<semaphore_mem>>) src(%arg7 : memref<128x16xf32, #tpu.memory_space<vmem>>) dst(%dma_wait3A_23 : memref<10112x16xf32, #tpu.memory_space<vmem_shared>>)
        tpu.yield
      }) : () -> ()
    }
    %scan3A_4 = arith.constant 157 : i32
    %barrier3A_5 = arith.constant 0 : index
    tpu.barrier barrier_id(%barrier3A_5)
    %mul3A_6 = arith.constant 632 : i32
    %mul3A_7 = arith.muli %arg1, %mul3A_6 : i32
    %mul3A_8 = arith.constant 632 : i32
    %mul3A_9 = arith.muli %arg1, %mul3A_8 : i32
    "tpu.region"() ({
      %run_scoped3A = tpu.sem_alloc : memref<!tpu.dma_semaphore, #tpu.memory_space<semaphore_mem>>
      %dma_start3A = arith.constant 0 : i32
      %dma_start3A_10 = tpu.memref_slice %arg5[%arg0, %mul3A_9, %dma_start3A] : memref<2x10112x16xf32, #tpu.memory_space<hbm>> -> memref<1x632x16xf32, #tpu.memory_space<hbm>>
      %dma_start3A_11 = tpu.memref_squeeze %dma_start3A_10 : memref<1x632x16xf32, #tpu.memory_space<hbm>> -> memref<632x16xf32, #tpu.memory_space<hbm>>
      %dma_start3A_12 = arith.constant 0 : i32
      %dma_start3A_13 = tpu.memref_slice %arg8[%mul3A_7, %dma_start3A_12] : memref<10112x16xf32, #tpu.memory_space<vmem_shared>> -> memref<632x16xf32, #tpu.memory_space<vmem_shared>>
      tpu.enqueue_dma source(%dma_start3A_13 : memref<632x16xf32, #tpu.memory_space<vmem_shared>>) target(%dma_start3A_11 : memref<632x16xf32, #tpu.memory_space<hbm>>) target_semaphore(%run_scoped3A : memref<!tpu.dma_semaphore, #tpu.memory_space<semaphore_mem>>)
      %dma_wait3A = arith.constant 0 : i32
      %dma_wait3A_14 = tpu.memref_slice %arg5[%arg0, %mul3A_9, %dma_wait3A] : memref<2x10112x16xf32, #tpu.memory_space<hbm>> -> memref<1x632x16xf32, #tpu.memory_space<hbm>>
      %dma_wait3A_15 = tpu.memref_squeeze %dma_wait3A_14 : memref<1x632x16xf32, #tpu.memory_space<hbm>> -> memref<632x16xf32, #tpu.memory_space<hbm>>
      %dma_wait3A_16 = arith.constant 0 : i32
      %dma_wait3A_17 = tpu.memref_slice %arg8[%mul3A_7, %dma_wait3A_16] : memref<10112x16xf32, #tpu.memory_space<vmem_shared>> -> memref<632x16xf32, #tpu.memory_space<vmem_shared>>
      tpu.wait_dma2 semaphore(%run_scoped3A : memref<!tpu.dma_semaphore, #tpu.memory_space<semaphore_mem>>) src(%dma_wait3A_17 : memref<632x16xf32, #tpu.memory_space<vmem_shared>>) dst(%dma_wait3A_15 : memref<632x16xf32, #tpu.memory_space<hbm>>)
      tpu.yield
    }) : () -> ()
    return
  }
}

#map = affine_map<(d0, d1) -> (0, 0)>
#map1 = affine_map<(d0, d1) -> (0, 0, 0)>
module attributes {stable_mosaic.version = 14 : i64} {
  func.func @body(%arg0: i32, %arg1: i32, %arg2: memref<20000x64xf32, #tpu.memory_space<hbm>>, %arg3: memref<32x157x128xi32, #tpu.memory_space<hbm>>, %arg4: memref<16x157x128xi32, #tpu.memory_space<hbm>>, %arg5: memref<632x64xf32, #tpu.memory_space<hbm>>, %arg6: memref<2x10112x64xf32, #tpu.memory_space<hbm>>, %arg7: memref<157x128xi32, #tpu.memory_space<vmem>>, %arg8: memref<157x128xi32, #tpu.memory_space<vmem>>, %arg9: memref<128x64xf32, #tpu.memory_space<vmem>>, %arg10: memref<128x64xf32, #tpu.memory_space<vmem>>, %arg11: memref<10112x64xf32, #tpu.memory_space<vmem_shared>>, %arg12: memref<!tpu.dma_semaphore, #tpu.memory_space<semaphore_mem>>, %arg13: memref<!tpu.dma_semaphore, #tpu.memory_space<semaphore_mem>>) attributes {dimension_semantics = [#tpu.dimension_semantics<core_parallel>, #tpu.dimension_semantics<subcore_parallel>], iteration_bounds = array<i64: 2, 16>, scalar_prefetch = 0 : i64, scratch_operands = 7 : i64, tpu.core_type = #tpu.core_type<sc_vector_subcore>, window_params = [{transform_indices = #map}, {transform_indices = #map1}, {transform_indices = #map1}, {transform_indices = #map}, {transform_indices = #map1}]} {
    %mul3A = arith.constant 632 : i32
    %mul3A_0 = arith.muli %arg1, %mul3A : i32
    "tpu.region"() ({
      %run_scoped3A_24 = tpu.sem_alloc : memref<!tpu.dma_semaphore, #tpu.memory_space<semaphore_mem>>
      %dma_start3A_25 = arith.constant 0 : i32
      %dma_start3A_26 = tpu.memref_slice %arg11[%mul3A_0, %dma_start3A_25] : memref<10112x64xf32, #tpu.memory_space<vmem_shared>> -> memref<632x64xf32, #tpu.memory_space<vmem_shared>>
      tpu.enqueue_dma source(%arg5 : memref<632x64xf32, #tpu.memory_space<hbm>>) target(%dma_start3A_26 : memref<632x64xf32, #tpu.memory_space<vmem_shared>>) target_semaphore(%run_scoped3A_24 : memref<!tpu.dma_semaphore, #tpu.memory_space<semaphore_mem>>)
      %dma_wait3A_27 = arith.constant 0 : i32
      %dma_wait3A_28 = tpu.memref_slice %arg11[%mul3A_0, %dma_wait3A_27] : memref<10112x64xf32, #tpu.memory_space<vmem_shared>> -> memref<632x64xf32, #tpu.memory_space<vmem_shared>>
      tpu.wait_dma2 semaphore(%run_scoped3A_24 : memref<!tpu.dma_semaphore, #tpu.memory_space<semaphore_mem>>) src(%arg5 : memref<632x64xf32, #tpu.memory_space<hbm>>) dst(%dma_wait3A_28 : memref<632x64xf32, #tpu.memory_space<vmem_shared>>)
      tpu.yield
    }) : () -> ()
    %mul3A_1 = arith.constant 16 : i32
    %mul3A_2 = arith.muli %arg0, %mul3A_1 : i32
    %add3A = arith.addi %mul3A_2, %arg1 : i32
    "tpu.region"() ({
      %run_scoped3A_24 = tpu.sem_alloc : memref<!tpu.dma_semaphore, #tpu.memory_space<semaphore_mem>>
      %dma_start3A_25 = arith.constant 0 : i32
      %dma_start3A_26 = arith.constant 0 : i32
      %dma_start3A_27 = tpu.memref_slice %arg3[%add3A, %dma_start3A_25, %dma_start3A_26] : memref<32x157x128xi32, #tpu.memory_space<hbm>> -> memref<1x157x128xi32, #tpu.memory_space<hbm>>
      %dma_start3A_28 = tpu.memref_squeeze %dma_start3A_27 : memref<1x157x128xi32, #tpu.memory_space<hbm>> -> memref<157x128xi32, #tpu.memory_space<hbm>>
      %dma_start3A_29 = arith.constant 0 : i32
      %dma_start3A_30 = arith.constant 0 : i32
      %dma_start3A_31 = tpu.memref_slice %arg3[%add3A, %dma_start3A_29, %dma_start3A_30] : memref<32x157x128xi32, #tpu.memory_space<hbm>> -> memref<1x157x128xi32, #tpu.memory_space<hbm>>
      %dma_start3A_32 = tpu.memref_squeeze %dma_start3A_31 : memref<1x157x128xi32, #tpu.memory_space<hbm>> -> memref<157x128xi32, #tpu.memory_space<hbm>>
      tpu.enqueue_dma source(%dma_start3A_32 : memref<157x128xi32, #tpu.memory_space<hbm>>) target(%arg7 : memref<157x128xi32, #tpu.memory_space<vmem>>) target_semaphore(%run_scoped3A_24 : memref<!tpu.dma_semaphore, #tpu.memory_space<semaphore_mem>>)
      %dma_wait3A_33 = arith.constant 0 : i32
      %dma_wait3A_34 = arith.constant 0 : i32
      %dma_wait3A_35 = tpu.memref_slice %arg3[%add3A, %dma_wait3A_33, %dma_wait3A_34] : memref<32x157x128xi32, #tpu.memory_space<hbm>> -> memref<1x157x128xi32, #tpu.memory_space<hbm>>
      %dma_wait3A_36 = tpu.memref_squeeze %dma_wait3A_35 : memref<1x157x128xi32, #tpu.memory_space<hbm>> -> memref<157x128xi32, #tpu.memory_space<hbm>>
      %dma_wait3A_37 = arith.constant 0 : i32
      %dma_wait3A_38 = arith.constant 0 : i32
      %dma_wait3A_39 = tpu.memref_slice %arg3[%add3A, %dma_wait3A_37, %dma_wait3A_38] : memref<32x157x128xi32, #tpu.memory_space<hbm>> -> memref<1x157x128xi32, #tpu.memory_space<hbm>>
      %dma_wait3A_40 = tpu.memref_squeeze %dma_wait3A_39 : memref<1x157x128xi32, #tpu.memory_space<hbm>> -> memref<157x128xi32, #tpu.memory_space<hbm>>
      tpu.wait_dma2 semaphore(%run_scoped3A_24 : memref<!tpu.dma_semaphore, #tpu.memory_space<semaphore_mem>>) src(%dma_wait3A_40 : memref<157x128xi32, #tpu.memory_space<hbm>>) dst(%arg7 : memref<157x128xi32, #tpu.memory_space<vmem>>)
      tpu.yield
    }) : () -> ()
    "tpu.region"() ({
      %run_scoped3A_24 = tpu.sem_alloc : memref<!tpu.dma_semaphore, #tpu.memory_space<semaphore_mem>>
      %dma_start3A_25 = arith.constant 0 : i32
      %dma_start3A_26 = arith.constant 0 : i32
      %dma_start3A_27 = tpu.memref_slice %arg4[%arg1, %dma_start3A_25, %dma_start3A_26] : memref<16x157x128xi32, #tpu.memory_space<hbm>> -> memref<1x157x128xi32, #tpu.memory_space<hbm>>
      %dma_start3A_28 = tpu.memref_squeeze %dma_start3A_27 : memref<1x157x128xi32, #tpu.memory_space<hbm>> -> memref<157x128xi32, #tpu.memory_space<hbm>>
      %dma_start3A_29 = arith.constant 0 : i32
      %dma_start3A_30 = arith.constant 0 : i32
      %dma_start3A_31 = tpu.memref_slice %arg4[%arg1, %dma_start3A_29, %dma_start3A_30] : memref<16x157x128xi32, #tpu.memory_space<hbm>> -> memref<1x157x128xi32, #tpu.memory_space<hbm>>
      %dma_start3A_32 = tpu.memref_squeeze %dma_start3A_31 : memref<1x157x128xi32, #tpu.memory_space<hbm>> -> memref<157x128xi32, #tpu.memory_space<hbm>>
      tpu.enqueue_dma source(%dma_start3A_32 : memref<157x128xi32, #tpu.memory_space<hbm>>) target(%arg8 : memref<157x128xi32, #tpu.memory_space<vmem>>) target_semaphore(%run_scoped3A_24 : memref<!tpu.dma_semaphore, #tpu.memory_space<semaphore_mem>>)
      %dma_wait3A_33 = arith.constant 0 : i32
      %dma_wait3A_34 = arith.constant 0 : i32
      %dma_wait3A_35 = tpu.memref_slice %arg4[%arg1, %dma_wait3A_33, %dma_wait3A_34] : memref<16x157x128xi32, #tpu.memory_space<hbm>> -> memref<1x157x128xi32, #tpu.memory_space<hbm>>
      %dma_wait3A_36 = tpu.memref_squeeze %dma_wait3A_35 : memref<1x157x128xi32, #tpu.memory_space<hbm>> -> memref<157x128xi32, #tpu.memory_space<hbm>>
      %dma_wait3A_37 = arith.constant 0 : i32
      %dma_wait3A_38 = arith.constant 0 : i32
      %dma_wait3A_39 = tpu.memref_slice %arg4[%arg1, %dma_wait3A_37, %dma_wait3A_38] : memref<16x157x128xi32, #tpu.memory_space<hbm>> -> memref<1x157x128xi32, #tpu.memory_space<hbm>>
      %dma_wait3A_40 = tpu.memref_squeeze %dma_wait3A_39 : memref<1x157x128xi32, #tpu.memory_space<hbm>> -> memref<157x128xi32, #tpu.memory_space<hbm>>
      tpu.wait_dma2 semaphore(%run_scoped3A_24 : memref<!tpu.dma_semaphore, #tpu.memory_space<semaphore_mem>>) src(%dma_wait3A_40 : memref<157x128xi32, #tpu.memory_space<hbm>>) dst(%arg8 : memref<157x128xi32, #tpu.memory_space<vmem>>)
      tpu.yield
    }) : () -> ()
    %dma_start3A = arith.constant 0 : i32
    %dma_start3A_3 = arith.constant 0 : i32
    %dma_start3A_4 = tpu.memref_slice %arg7[%dma_start3A, %dma_start3A_3] : memref<157x128xi32, #tpu.memory_space<vmem>> -> memref<1x128xi32, #tpu.memory_space<vmem>>
    %dma_start3A_5 = tpu.memref_squeeze %dma_start3A_4 : memref<1x128xi32, #tpu.memory_space<vmem>> -> memref<128xi32, #tpu.memory_space<vmem>>
    %dma_start3A_6 = arith.constant 0 : i32
    %dma_start3A_7 = arith.constant 0 : i32
    %dma_start3A_8 = tpu.memref_slice %arg2[%dma_start3A_6, %dma_start3A_7] : memref<20000x64xf32, #tpu.memory_space<hbm>> -> memref<20000x64xf32, #tpu.memory_space<hbm>>
    tpu.enqueue_indirect_dma source(%dma_start3A_8 : memref<20000x64xf32, #tpu.memory_space<hbm>>) target(%arg9 : memref<128x64xf32, #tpu.memory_space<vmem>>) offsets(%dma_start3A_5 : memref<128xi32, #tpu.memory_space<vmem>>) semaphore(%arg12 : memref<!tpu.dma_semaphore, #tpu.memory_space<semaphore_mem>>)
    %barrier3A = arith.constant 0 : index
    tpu.barrier barrier_id(%barrier3A)
    %scan3A = arith.constant 0 : i32
    %scan3A_9 = arith.constant 78 : i32
    %scan3A_10 = arith.addi %scan3A, %scan3A_9 : i32
    %scan3A_11 = arith.constant 1 : i32
    scf.for %scan3A_24 = %scan3A to %scan3A_10 step %scan3A_11  : i32 {
      %mul3A_25 = arith.constant 1 : i32
      %mul3A_26 = arith.muli %scan3A_24, %mul3A_25 : i32
      %add3A_27 = arith.constant 0 : i32
      %add3A_28 = arith.addi %add3A_27, %mul3A_26 : i32
      %mul3A_29 = arith.constant 2 : i32
      %mul3A_30 = arith.muli %mul3A_29, %add3A_28 : i32
      %add3A_31 = arith.constant 1 : i32
      %add3A_32 = arith.addi %mul3A_30, %add3A_31 : i32
      %dma_start3A_33 = arith.constant 0 : i32
      %dma_start3A_34 = tpu.memref_slice %arg7[%add3A_32, %dma_start3A_33] : memref<157x128xi32, #tpu.memory_space<vmem>> -> memref<1x128xi32, #tpu.memory_space<vmem>>
      %dma_start3A_35 = tpu.memref_squeeze %dma_start3A_34 : memref<1x128xi32, #tpu.memory_space<vmem>> -> memref<128xi32, #tpu.memory_space<vmem>>
      %dma_start3A_36 = arith.constant 0 : i32
      %dma_start3A_37 = arith.constant 0 : i32
      %dma_start3A_38 = tpu.memref_slice %arg2[%dma_start3A_36, %dma_start3A_37] : memref<20000x64xf32, #tpu.memory_space<hbm>> -> memref<20000x64xf32, #tpu.memory_space<hbm>>
      tpu.enqueue_indirect_dma source(%dma_start3A_38 : memref<20000x64xf32, #tpu.memory_space<hbm>>) target(%arg10 : memref<128x64xf32, #tpu.memory_space<vmem>>) offsets(%dma_start3A_35 : memref<128xi32, #tpu.memory_space<vmem>>) semaphore(%arg13 : memref<!tpu.dma_semaphore, #tpu.memory_space<semaphore_mem>>)
      %dma_wait3A_39 = arith.constant 0 : i32
      %dma_wait3A_40 = tpu.memref_slice %arg7[%mul3A_30, %dma_wait3A_39] : memref<157x128xi32, #tpu.memory_space<vmem>> -> memref<1x128xi32, #tpu.memory_space<vmem>>
      %dma_wait3A_41 = tpu.memref_squeeze %dma_wait3A_40 : memref<1x128xi32, #tpu.memory_space<vmem>> -> memref<128xi32, #tpu.memory_space<vmem>>
      %dma_wait3A_42 = arith.constant 0 : i32
      %dma_wait3A_43 = arith.constant 0 : i32
      %dma_wait3A_44 = tpu.memref_slice %arg2[%dma_wait3A_42, %dma_wait3A_43] : memref<20000x64xf32, #tpu.memory_space<hbm>> -> memref<20000x64xf32, #tpu.memory_space<hbm>>
      tpu.wait_indirect_dma semaphore(%arg12 : memref<!tpu.dma_semaphore, #tpu.memory_space<semaphore_mem>>) src(%dma_wait3A_44 : memref<20000x64xf32, #tpu.memory_space<hbm>>) dst(%arg9 : memref<128x64xf32, #tpu.memory_space<vmem>>)
      "tpu.region"() ({
        %run_scoped3A_63 = tpu.sem_alloc : memref<!tpu.dma_semaphore, #tpu.memory_space<semaphore_mem>>
        %dma_start3A_64 = arith.constant 0 : i32
        %dma_start3A_65 = tpu.memref_slice %arg8[%mul3A_30, %dma_start3A_64] : memref<157x128xi32, #tpu.memory_space<vmem>> -> memref<1x128xi32, #tpu.memory_space<vmem>>
        %dma_start3A_66 = tpu.memref_squeeze %dma_start3A_65 : memref<1x128xi32, #tpu.memory_space<vmem>> -> memref<128xi32, #tpu.memory_space<vmem>>
        %dma_start3A_67 = arith.constant 0 : i32
        %dma_start3A_68 = arith.constant 0 : i32
        %dma_start3A_69 = tpu.memref_slice %arg11[%dma_start3A_67, %dma_start3A_68] : memref<10112x64xf32, #tpu.memory_space<vmem_shared>> -> memref<10112x64xf32, #tpu.memory_space<vmem_shared>>
        tpu.enqueue_indirect_dma source(%arg9 : memref<128x64xf32, #tpu.memory_space<vmem>>) target(%dma_start3A_69 : memref<10112x64xf32, #tpu.memory_space<vmem_shared>>) offsets(%dma_start3A_66 : memref<128xi32, #tpu.memory_space<vmem>>) semaphore(%run_scoped3A_63 : memref<!tpu.dma_semaphore, #tpu.memory_space<semaphore_mem>>) {add = true}
        %dma_wait3A_70 = arith.constant 0 : i32
        %dma_wait3A_71 = tpu.memref_slice %arg8[%mul3A_30, %dma_wait3A_70] : memref<157x128xi32, #tpu.memory_space<vmem>> -> memref<1x128xi32, #tpu.memory_space<vmem>>
        %dma_wait3A_72 = tpu.memref_squeeze %dma_wait3A_71 : memref<1x128xi32, #tpu.memory_space<vmem>> -> memref<128xi32, #tpu.memory_space<vmem>>
        %dma_wait3A_73 = arith.constant 0 : i32
        %dma_wait3A_74 = arith.constant 0 : i32
        %dma_wait3A_75 = tpu.memref_slice %arg11[%dma_wait3A_73, %dma_wait3A_74] : memref<10112x64xf32, #tpu.memory_space<vmem_shared>> -> memref<10112x64xf32, #tpu.memory_space<vmem_shared>>
        tpu.wait_indirect_dma semaphore(%run_scoped3A_63 : memref<!tpu.dma_semaphore, #tpu.memory_space<semaphore_mem>>) src(%arg9 : memref<128x64xf32, #tpu.memory_space<vmem>>) dst(%dma_wait3A_75 : memref<10112x64xf32, #tpu.memory_space<vmem_shared>>)
        tpu.yield
      }) : () -> ()
      %add3A_45 = arith.constant 2 : i32
      %add3A_46 = arith.addi %mul3A_30, %add3A_45 : i32
      %dma_start3A_47 = arith.constant 0 : i32
      %dma_start3A_48 = tpu.memref_slice %arg7[%add3A_46, %dma_start3A_47] : memref<157x128xi32, #tpu.memory_space<vmem>> -> memref<1x128xi32, #tpu.memory_space<vmem>>
      %dma_start3A_49 = tpu.memref_squeeze %dma_start3A_48 : memref<1x128xi32, #tpu.memory_space<vmem>> -> memref<128xi32, #tpu.memory_space<vmem>>
      %dma_start3A_50 = arith.constant 0 : i32
      %dma_start3A_51 = arith.constant 0 : i32
      %dma_start3A_52 = tpu.memref_slice %arg2[%dma_start3A_50, %dma_start3A_51] : memref<20000x64xf32, #tpu.memory_space<hbm>> -> memref<20000x64xf32, #tpu.memory_space<hbm>>
      tpu.enqueue_indirect_dma source(%dma_start3A_52 : memref<20000x64xf32, #tpu.memory_space<hbm>>) target(%arg9 : memref<128x64xf32, #tpu.memory_space<vmem>>) offsets(%dma_start3A_49 : memref<128xi32, #tpu.memory_space<vmem>>) semaphore(%arg12 : memref<!tpu.dma_semaphore, #tpu.memory_space<semaphore_mem>>)
      %add3A_53 = arith.constant 1 : i32
      %add3A_54 = arith.addi %mul3A_30, %add3A_53 : i32
      %dma_wait3A_55 = arith.constant 0 : i32
      %dma_wait3A_56 = tpu.memref_slice %arg7[%add3A_54, %dma_wait3A_55] : memref<157x128xi32, #tpu.memory_space<vmem>> -> memref<1x128xi32, #tpu.memory_space<vmem>>
      %dma_wait3A_57 = tpu.memref_squeeze %dma_wait3A_56 : memref<1x128xi32, #tpu.memory_space<vmem>> -> memref<128xi32, #tpu.memory_space<vmem>>
      %dma_wait3A_58 = arith.constant 0 : i32
      %dma_wait3A_59 = arith.constant 0 : i32
      %dma_wait3A_60 = tpu.memref_slice %arg2[%dma_wait3A_58, %dma_wait3A_59] : memref<20000x64xf32, #tpu.memory_space<hbm>> -> memref<20000x64xf32, #tpu.memory_space<hbm>>
      tpu.wait_indirect_dma semaphore(%arg13 : memref<!tpu.dma_semaphore, #tpu.memory_space<semaphore_mem>>) src(%dma_wait3A_60 : memref<20000x64xf32, #tpu.memory_space<hbm>>) dst(%arg10 : memref<128x64xf32, #tpu.memory_space<vmem>>)
      %add3A_61 = arith.constant 1 : i32
      %add3A_62 = arith.addi %mul3A_30, %add3A_61 : i32
      "tpu.region"() ({
        %run_scoped3A_63 = tpu.sem_alloc : memref<!tpu.dma_semaphore, #tpu.memory_space<semaphore_mem>>
        %dma_start3A_64 = arith.constant 0 : i32
        %dma_start3A_65 = tpu.memref_slice %arg8[%add3A_62, %dma_start3A_64] : memref<157x128xi32, #tpu.memory_space<vmem>> -> memref<1x128xi32, #tpu.memory_space<vmem>>
        %dma_start3A_66 = tpu.memref_squeeze %dma_start3A_65 : memref<1x128xi32, #tpu.memory_space<vmem>> -> memref<128xi32, #tpu.memory_space<vmem>>
        %dma_start3A_67 = arith.constant 0 : i32
        %dma_start3A_68 = arith.constant 0 : i32
        %dma_start3A_69 = tpu.memref_slice %arg11[%dma_start3A_67, %dma_start3A_68] : memref<10112x64xf32, #tpu.memory_space<vmem_shared>> -> memref<10112x64xf32, #tpu.memory_space<vmem_shared>>
        tpu.enqueue_indirect_dma source(%arg10 : memref<128x64xf32, #tpu.memory_space<vmem>>) target(%dma_start3A_69 : memref<10112x64xf32, #tpu.memory_space<vmem_shared>>) offsets(%dma_start3A_66 : memref<128xi32, #tpu.memory_space<vmem>>) semaphore(%run_scoped3A_63 : memref<!tpu.dma_semaphore, #tpu.memory_space<semaphore_mem>>) {add = true}
        %dma_wait3A_70 = arith.constant 0 : i32
        %dma_wait3A_71 = tpu.memref_slice %arg8[%add3A_62, %dma_wait3A_70] : memref<157x128xi32, #tpu.memory_space<vmem>> -> memref<1x128xi32, #tpu.memory_space<vmem>>
        %dma_wait3A_72 = tpu.memref_squeeze %dma_wait3A_71 : memref<1x128xi32, #tpu.memory_space<vmem>> -> memref<128xi32, #tpu.memory_space<vmem>>
        %dma_wait3A_73 = arith.constant 0 : i32
        %dma_wait3A_74 = arith.constant 0 : i32
        %dma_wait3A_75 = tpu.memref_slice %arg11[%dma_wait3A_73, %dma_wait3A_74] : memref<10112x64xf32, #tpu.memory_space<vmem_shared>> -> memref<10112x64xf32, #tpu.memory_space<vmem_shared>>
        tpu.wait_indirect_dma semaphore(%run_scoped3A_63 : memref<!tpu.dma_semaphore, #tpu.memory_space<semaphore_mem>>) src(%arg10 : memref<128x64xf32, #tpu.memory_space<vmem>>) dst(%dma_wait3A_75 : memref<10112x64xf32, #tpu.memory_space<vmem_shared>>)
        tpu.yield
      }) : () -> ()
    }
    %scan3A_12 = arith.constant 78 : i32
    %dma_wait3A = arith.constant 156 : i32
    %dma_wait3A_13 = arith.constant 0 : i32
    %dma_wait3A_14 = tpu.memref_slice %arg7[%dma_wait3A, %dma_wait3A_13] : memref<157x128xi32, #tpu.memory_space<vmem>> -> memref<1x128xi32, #tpu.memory_space<vmem>>
    %dma_wait3A_15 = tpu.memref_squeeze %dma_wait3A_14 : memref<1x128xi32, #tpu.memory_space<vmem>> -> memref<128xi32, #tpu.memory_space<vmem>>
    %dma_wait3A_16 = arith.constant 0 : i32
    %dma_wait3A_17 = arith.constant 0 : i32
    %dma_wait3A_18 = tpu.memref_slice %arg2[%dma_wait3A_16, %dma_wait3A_17] : memref<20000x64xf32, #tpu.memory_space<hbm>> -> memref<20000x64xf32, #tpu.memory_space<hbm>>
    tpu.wait_indirect_dma semaphore(%arg12 : memref<!tpu.dma_semaphore, #tpu.memory_space<semaphore_mem>>) src(%dma_wait3A_18 : memref<20000x64xf32, #tpu.memory_space<hbm>>) dst(%arg9 : memref<128x64xf32, #tpu.memory_space<vmem>>)
    %run_scoped3A = arith.constant 156 : i32
    "tpu.region"() ({
      %run_scoped3A_24 = tpu.sem_alloc : memref<!tpu.dma_semaphore, #tpu.memory_space<semaphore_mem>>
      %dma_start3A_25 = arith.constant 0 : i32
      %dma_start3A_26 = tpu.memref_slice %arg8[%run_scoped3A, %dma_start3A_25] : memref<157x128xi32, #tpu.memory_space<vmem>> -> memref<1x128xi32, #tpu.memory_space<vmem>>
      %dma_start3A_27 = tpu.memref_squeeze %dma_start3A_26 : memref<1x128xi32, #tpu.memory_space<vmem>> -> memref<128xi32, #tpu.memory_space<vmem>>
      %dma_start3A_28 = arith.constant 0 : i32
      %dma_start3A_29 = arith.constant 0 : i32
      %dma_start3A_30 = tpu.memref_slice %arg11[%dma_start3A_28, %dma_start3A_29] : memref<10112x64xf32, #tpu.memory_space<vmem_shared>> -> memref<10112x64xf32, #tpu.memory_space<vmem_shared>>
      tpu.enqueue_indirect_dma source(%arg9 : memref<128x64xf32, #tpu.memory_space<vmem>>) target(%dma_start3A_30 : memref<10112x64xf32, #tpu.memory_space<vmem_shared>>) offsets(%dma_start3A_27 : memref<128xi32, #tpu.memory_space<vmem>>) semaphore(%run_scoped3A_24 : memref<!tpu.dma_semaphore, #tpu.memory_space<semaphore_mem>>) {add = true}
      %dma_wait3A_31 = arith.constant 0 : i32
      %dma_wait3A_32 = tpu.memref_slice %arg8[%run_scoped3A, %dma_wait3A_31] : memref<157x128xi32, #tpu.memory_space<vmem>> -> memref<1x128xi32, #tpu.memory_space<vmem>>
      %dma_wait3A_33 = tpu.memref_squeeze %dma_wait3A_32 : memref<1x128xi32, #tpu.memory_space<vmem>> -> memref<128xi32, #tpu.memory_space<vmem>>
      %dma_wait3A_34 = arith.constant 0 : i32
      %dma_wait3A_35 = arith.constant 0 : i32
      %dma_wait3A_36 = tpu.memref_slice %arg11[%dma_wait3A_34, %dma_wait3A_35] : memref<10112x64xf32, #tpu.memory_space<vmem_shared>> -> memref<10112x64xf32, #tpu.memory_space<vmem_shared>>
      tpu.wait_indirect_dma semaphore(%run_scoped3A_24 : memref<!tpu.dma_semaphore, #tpu.memory_space<semaphore_mem>>) src(%arg9 : memref<128x64xf32, #tpu.memory_space<vmem>>) dst(%dma_wait3A_36 : memref<10112x64xf32, #tpu.memory_space<vmem_shared>>)
      tpu.yield
    }) : () -> ()
    %barrier3A_19 = arith.constant 0 : index
    tpu.barrier barrier_id(%barrier3A_19)
    %mul3A_20 = arith.constant 632 : i32
    %mul3A_21 = arith.muli %arg1, %mul3A_20 : i32
    %mul3A_22 = arith.constant 632 : i32
    %mul3A_23 = arith.muli %arg1, %mul3A_22 : i32
    "tpu.region"() ({
      %run_scoped3A_24 = tpu.sem_alloc : memref<!tpu.dma_semaphore, #tpu.memory_space<semaphore_mem>>
      %dma_start3A_25 = arith.constant 0 : i32
      %dma_start3A_26 = tpu.memref_slice %arg6[%arg0, %mul3A_23, %dma_start3A_25] : memref<2x10112x64xf32, #tpu.memory_space<hbm>> -> memref<1x632x64xf32, #tpu.memory_space<hbm>>
      %dma_start3A_27 = tpu.memref_squeeze %dma_start3A_26 : memref<1x632x64xf32, #tpu.memory_space<hbm>> -> memref<632x64xf32, #tpu.memory_space<hbm>>
      %dma_start3A_28 = arith.constant 0 : i32
      %dma_start3A_29 = tpu.memref_slice %arg11[%mul3A_21, %dma_start3A_28] : memref<10112x64xf32, #tpu.memory_space<vmem_shared>> -> memref<632x64xf32, #tpu.memory_space<vmem_shared>>
      tpu.enqueue_dma source(%dma_start3A_29 : memref<632x64xf32, #tpu.memory_space<vmem_shared>>) target(%dma_start3A_27 : memref<632x64xf32, #tpu.memory_space<hbm>>) target_semaphore(%run_scoped3A_24 : memref<!tpu.dma_semaphore, #tpu.memory_space<semaphore_mem>>)
      %dma_wait3A_30 = arith.constant 0 : i32
      %dma_wait3A_31 = tpu.memref_slice %arg6[%arg0, %mul3A_23, %dma_wait3A_30] : memref<2x10112x64xf32, #tpu.memory_space<hbm>> -> memref<1x632x64xf32, #tpu.memory_space<hbm>>
      %dma_wait3A_32 = tpu.memref_squeeze %dma_wait3A_31 : memref<1x632x64xf32, #tpu.memory_space<hbm>> -> memref<632x64xf32, #tpu.memory_space<hbm>>
      %dma_wait3A_33 = arith.constant 0 : i32
      %dma_wait3A_34 = tpu.memref_slice %arg11[%mul3A_21, %dma_wait3A_33] : memref<10112x64xf32, #tpu.memory_space<vmem_shared>> -> memref<632x64xf32, #tpu.memory_space<vmem_shared>>
      tpu.wait_dma2 semaphore(%run_scoped3A_24 : memref<!tpu.dma_semaphore, #tpu.memory_space<semaphore_mem>>) src(%dma_wait3A_34 : memref<632x64xf32, #tpu.memory_space<vmem_shared>>) dst(%dma_wait3A_32 : memref<632x64xf32, #tpu.memory_space<hbm>>)
      tpu.yield
    }) : () -> ()
    return
  }
}

#map = affine_map<(d0, d1) -> (0, 0)>
#map1 = affine_map<(d0, d1) -> (0, 0, 0)>
module attributes {stable_mosaic.version = 14 : i64} {
  func.func @body(%arg0: i32, %arg1: i32, %arg2: memref<20000x64xf32, #tpu.memory_space<hbm>>, %arg3: memref<32x157x128xi32, #tpu.memory_space<hbm>>, %arg4: memref<16x157x128xi32, #tpu.memory_space<hbm>>, %arg5: memref<632x64xf32, #tpu.memory_space<hbm>>, %arg6: memref<2x10112x64xf32, #tpu.memory_space<hbm>>, %arg7: memref<157x128xi32, #tpu.memory_space<vmem>>, %arg8: memref<157x128xi32, #tpu.memory_space<vmem>>, %arg9: memref<128x64xf32, #tpu.memory_space<vmem>>, %arg10: memref<128x64xf32, #tpu.memory_space<vmem>>, %arg11: memref<10112x64xf32, #tpu.memory_space<vmem_shared>>, %arg12: memref<!tpu.dma_semaphore, #tpu.memory_space<semaphore_mem>>, %arg13: memref<!tpu.dma_semaphore, #tpu.memory_space<semaphore_mem>>) attributes {dimension_semantics = [#tpu.dimension_semantics<core_parallel>, #tpu.dimension_semantics<subcore_parallel>], iteration_bounds = array<i64: 2, 16>, scalar_prefetch = 0 : i64, scratch_operands = 7 : i64, tpu.core_type = #tpu.core_type<sc_vector_subcore>, window_params = [{transform_indices = #map}, {transform_indices = #map1}, {transform_indices = #map1}, {transform_indices = #map}, {transform_indices = #map1}]} {
    %mul3A = arith.constant 632 : i32
    %mul3A_0 = arith.muli %arg1, %mul3A : i32
    "tpu.region"() ({
      %run_scoped3A_24 = tpu.sem_alloc : memref<!tpu.dma_semaphore, #tpu.memory_space<semaphore_mem>>
      %dma_start3A_25 = arith.constant 0 : i32
      %dma_start3A_26 = tpu.memref_slice %arg11[%mul3A_0, %dma_start3A_25] : memref<10112x64xf32, #tpu.memory_space<vmem_shared>> -> memref<632x64xf32, #tpu.memory_space<vmem_shared>>
      tpu.enqueue_dma source(%arg5 : memref<632x64xf32, #tpu.memory_space<hbm>>) target(%dma_start3A_26 : memref<632x64xf32, #tpu.memory_space<vmem_shared>>) target_semaphore(%run_scoped3A_24 : memref<!tpu.dma_semaphore, #tpu.memory_space<semaphore_mem>>)
      %dma_wait3A_27 = arith.constant 0 : i32
      %dma_wait3A_28 = tpu.memref_slice %arg11[%mul3A_0, %dma_wait3A_27] : memref<10112x64xf32, #tpu.memory_space<vmem_shared>> -> memref<632x64xf32, #tpu.memory_space<vmem_shared>>
      tpu.wait_dma2 semaphore(%run_scoped3A_24 : memref<!tpu.dma_semaphore, #tpu.memory_space<semaphore_mem>>) src(%arg5 : memref<632x64xf32, #tpu.memory_space<hbm>>) dst(%dma_wait3A_28 : memref<632x64xf32, #tpu.memory_space<vmem_shared>>)
      tpu.yield
    }) : () -> ()
    %mul3A_1 = arith.constant 16 : i32
    %mul3A_2 = arith.muli %arg0, %mul3A_1 : i32
    %add3A = arith.addi %mul3A_2, %arg1 : i32
    "tpu.region"() ({
      %run_scoped3A_24 = tpu.sem_alloc : memref<!tpu.dma_semaphore, #tpu.memory_space<semaphore_mem>>
      %dma_start3A_25 = arith.constant 0 : i32
      %dma_start3A_26 = arith.constant 0 : i32
      %dma_start3A_27 = tpu.memref_slice %arg3[%add3A, %dma_start3A_25, %dma_start3A_26] : memref<32x157x128xi32, #tpu.memory_space<hbm>> -> memref<1x157x128xi32, #tpu.memory_space<hbm>>
      %dma_start3A_28 = tpu.memref_squeeze %dma_start3A_27 : memref<1x157x128xi32, #tpu.memory_space<hbm>> -> memref<157x128xi32, #tpu.memory_space<hbm>>
      %dma_start3A_29 = arith.constant 0 : i32
      %dma_start3A_30 = arith.constant 0 : i32
      %dma_start3A_31 = tpu.memref_slice %arg3[%add3A, %dma_start3A_29, %dma_start3A_30] : memref<32x157x128xi32, #tpu.memory_space<hbm>> -> memref<1x157x128xi32, #tpu.memory_space<hbm>>
      %dma_start3A_32 = tpu.memref_squeeze %dma_start3A_31 : memref<1x157x128xi32, #tpu.memory_space<hbm>> -> memref<157x128xi32, #tpu.memory_space<hbm>>
      tpu.enqueue_dma source(%dma_start3A_32 : memref<157x128xi32, #tpu.memory_space<hbm>>) target(%arg7 : memref<157x128xi32, #tpu.memory_space<vmem>>) target_semaphore(%run_scoped3A_24 : memref<!tpu.dma_semaphore, #tpu.memory_space<semaphore_mem>>)
      %dma_wait3A_33 = arith.constant 0 : i32
      %dma_wait3A_34 = arith.constant 0 : i32
      %dma_wait3A_35 = tpu.memref_slice %arg3[%add3A, %dma_wait3A_33, %dma_wait3A_34] : memref<32x157x128xi32, #tpu.memory_space<hbm>> -> memref<1x157x128xi32, #tpu.memory_space<hbm>>
      %dma_wait3A_36 = tpu.memref_squeeze %dma_wait3A_35 : memref<1x157x128xi32, #tpu.memory_space<hbm>> -> memref<157x128xi32, #tpu.memory_space<hbm>>
      %dma_wait3A_37 = arith.constant 0 : i32
      %dma_wait3A_38 = arith.constant 0 : i32
      %dma_wait3A_39 = tpu.memref_slice %arg3[%add3A, %dma_wait3A_37, %dma_wait3A_38] : memref<32x157x128xi32, #tpu.memory_space<hbm>> -> memref<1x157x128xi32, #tpu.memory_space<hbm>>
      %dma_wait3A_40 = tpu.memref_squeeze %dma_wait3A_39 : memref<1x157x128xi32, #tpu.memory_space<hbm>> -> memref<157x128xi32, #tpu.memory_space<hbm>>
      tpu.wait_dma2 semaphore(%run_scoped3A_24 : memref<!tpu.dma_semaphore, #tpu.memory_space<semaphore_mem>>) src(%dma_wait3A_40 : memref<157x128xi32, #tpu.memory_space<hbm>>) dst(%arg7 : memref<157x128xi32, #tpu.memory_space<vmem>>)
      tpu.yield
    }) : () -> ()
    "tpu.region"() ({
      %run_scoped3A_24 = tpu.sem_alloc : memref<!tpu.dma_semaphore, #tpu.memory_space<semaphore_mem>>
      %dma_start3A_25 = arith.constant 0 : i32
      %dma_start3A_26 = arith.constant 0 : i32
      %dma_start3A_27 = tpu.memref_slice %arg4[%arg1, %dma_start3A_25, %dma_start3A_26] : memref<16x157x128xi32, #tpu.memory_space<hbm>> -> memref<1x157x128xi32, #tpu.memory_space<hbm>>
      %dma_start3A_28 = tpu.memref_squeeze %dma_start3A_27 : memref<1x157x128xi32, #tpu.memory_space<hbm>> -> memref<157x128xi32, #tpu.memory_space<hbm>>
      %dma_start3A_29 = arith.constant 0 : i32
      %dma_start3A_30 = arith.constant 0 : i32
      %dma_start3A_31 = tpu.memref_slice %arg4[%arg1, %dma_start3A_29, %dma_start3A_30] : memref<16x157x128xi32, #tpu.memory_space<hbm>> -> memref<1x157x128xi32, #tpu.memory_space<hbm>>
      %dma_start3A_32 = tpu.memref_squeeze %dma_start3A_31 : memref<1x157x128xi32, #tpu.memory_space<hbm>> -> memref<157x128xi32, #tpu.memory_space<hbm>>
      tpu.enqueue_dma source(%dma_start3A_32 : memref<157x128xi32, #tpu.memory_space<hbm>>) target(%arg8 : memref<157x128xi32, #tpu.memory_space<vmem>>) target_semaphore(%run_scoped3A_24 : memref<!tpu.dma_semaphore, #tpu.memory_space<semaphore_mem>>)
      %dma_wait3A_33 = arith.constant 0 : i32
      %dma_wait3A_34 = arith.constant 0 : i32
      %dma_wait3A_35 = tpu.memref_slice %arg4[%arg1, %dma_wait3A_33, %dma_wait3A_34] : memref<16x157x128xi32, #tpu.memory_space<hbm>> -> memref<1x157x128xi32, #tpu.memory_space<hbm>>
      %dma_wait3A_36 = tpu.memref_squeeze %dma_wait3A_35 : memref<1x157x128xi32, #tpu.memory_space<hbm>> -> memref<157x128xi32, #tpu.memory_space<hbm>>
      %dma_wait3A_37 = arith.constant 0 : i32
      %dma_wait3A_38 = arith.constant 0 : i32
      %dma_wait3A_39 = tpu.memref_slice %arg4[%arg1, %dma_wait3A_37, %dma_wait3A_38] : memref<16x157x128xi32, #tpu.memory_space<hbm>> -> memref<1x157x128xi32, #tpu.memory_space<hbm>>
      %dma_wait3A_40 = tpu.memref_squeeze %dma_wait3A_39 : memref<1x157x128xi32, #tpu.memory_space<hbm>> -> memref<157x128xi32, #tpu.memory_space<hbm>>
      tpu.wait_dma2 semaphore(%run_scoped3A_24 : memref<!tpu.dma_semaphore, #tpu.memory_space<semaphore_mem>>) src(%dma_wait3A_40 : memref<157x128xi32, #tpu.memory_space<hbm>>) dst(%arg8 : memref<157x128xi32, #tpu.memory_space<vmem>>)
      tpu.yield
    }) : () -> ()
    %dma_start3A = arith.constant 0 : i32
    %dma_start3A_3 = arith.constant 0 : i32
    %dma_start3A_4 = tpu.memref_slice %arg7[%dma_start3A, %dma_start3A_3] : memref<157x128xi32, #tpu.memory_space<vmem>> -> memref<1x128xi32, #tpu.memory_space<vmem>>
    %dma_start3A_5 = tpu.memref_squeeze %dma_start3A_4 : memref<1x128xi32, #tpu.memory_space<vmem>> -> memref<128xi32, #tpu.memory_space<vmem>>
    %dma_start3A_6 = arith.constant 0 : i32
    %dma_start3A_7 = arith.constant 0 : i32
    %dma_start3A_8 = tpu.memref_slice %arg2[%dma_start3A_6, %dma_start3A_7] : memref<20000x64xf32, #tpu.memory_space<hbm>> -> memref<20000x64xf32, #tpu.memory_space<hbm>>
    tpu.enqueue_indirect_dma source(%dma_start3A_8 : memref<20000x64xf32, #tpu.memory_space<hbm>>) target(%arg9 : memref<128x64xf32, #tpu.memory_space<vmem>>) offsets(%dma_start3A_5 : memref<128xi32, #tpu.memory_space<vmem>>) semaphore(%arg12 : memref<!tpu.dma_semaphore, #tpu.memory_space<semaphore_mem>>)
    %barrier3A = arith.constant 0 : index
    tpu.barrier barrier_id(%barrier3A)
    %scan3A = arith.constant 0 : i32
    %scan3A_9 = arith.constant 78 : i32
    %scan3A_10 = arith.addi %scan3A, %scan3A_9 : i32
    %scan3A_11 = arith.constant 1 : i32
    scf.for %scan3A_24 = %scan3A to %scan3A_10 step %scan3A_11  : i32 {
      %mul3A_25 = arith.constant 1 : i32
      %mul3A_26 = arith.muli %scan3A_24, %mul3A_25 : i32
      %add3A_27 = arith.constant 0 : i32
      %add3A_28 = arith.addi %add3A_27, %mul3A_26 : i32
      %mul3A_29 = arith.constant 2 : i32
      %mul3A_30 = arith.muli %mul3A_29, %add3A_28 : i32
      %add3A_31 = arith.constant 1 : i32
      %add3A_32 = arith.addi %mul3A_30, %add3A_31 : i32
      %dma_start3A_33 = arith.constant 0 : i32
      %dma_start3A_34 = tpu.memref_slice %arg7[%add3A_32, %dma_start3A_33] : memref<157x128xi32, #tpu.memory_space<vmem>> -> memref<1x128xi32, #tpu.memory_space<vmem>>
      %dma_start3A_35 = tpu.memref_squeeze %dma_start3A_34 : memref<1x128xi32, #tpu.memory_space<vmem>> -> memref<128xi32, #tpu.memory_space<vmem>>
      %dma_start3A_36 = arith.constant 0 : i32
      %dma_start3A_37 = arith.constant 0 : i32
      %dma_start3A_38 = tpu.memref_slice %arg2[%dma_start3A_36, %dma_start3A_37] : memref<20000x64xf32, #tpu.memory_space<hbm>> -> memref<20000x64xf32, #tpu.memory_space<hbm>>
      tpu.enqueue_indirect_dma source(%dma_start3A_38 : memref<20000x64xf32, #tpu.memory_space<hbm>>) target(%arg10 : memref<128x64xf32, #tpu.memory_space<vmem>>) offsets(%dma_start3A_35 : memref<128xi32, #tpu.memory_space<vmem>>) semaphore(%arg13 : memref<!tpu.dma_semaphore, #tpu.memory_space<semaphore_mem>>)
      %dma_wait3A_39 = arith.constant 0 : i32
      %dma_wait3A_40 = tpu.memref_slice %arg7[%mul3A_30, %dma_wait3A_39] : memref<157x128xi32, #tpu.memory_space<vmem>> -> memref<1x128xi32, #tpu.memory_space<vmem>>
      %dma_wait3A_41 = tpu.memref_squeeze %dma_wait3A_40 : memref<1x128xi32, #tpu.memory_space<vmem>> -> memref<128xi32, #tpu.memory_space<vmem>>
      %dma_wait3A_42 = arith.constant 0 : i32
      %dma_wait3A_43 = arith.constant 0 : i32
      %dma_wait3A_44 = tpu.memref_slice %arg2[%dma_wait3A_42, %dma_wait3A_43] : memref<20000x64xf32, #tpu.memory_space<hbm>> -> memref<20000x64xf32, #tpu.memory_space<hbm>>
      tpu.wait_indirect_dma semaphore(%arg12 : memref<!tpu.dma_semaphore, #tpu.memory_space<semaphore_mem>>) src(%dma_wait3A_44 : memref<20000x64xf32, #tpu.memory_space<hbm>>) dst(%arg9 : memref<128x64xf32, #tpu.memory_space<vmem>>)
      "tpu.region"() ({
        %run_scoped3A_63 = tpu.sem_alloc : memref<!tpu.dma_semaphore, #tpu.memory_space<semaphore_mem>>
        %dma_start3A_64 = arith.constant 0 : i32
        %dma_start3A_65 = tpu.memref_slice %arg8[%mul3A_30, %dma_start3A_64] : memref<157x128xi32, #tpu.memory_space<vmem>> -> memref<1x128xi32, #tpu.memory_space<vmem>>
        %dma_start3A_66 = tpu.memref_squeeze %dma_start3A_65 : memref<1x128xi32, #tpu.memory_space<vmem>> -> memref<128xi32, #tpu.memory_space<vmem>>
        %dma_start3A_67 = arith.constant 0 : i32
        %dma_start3A_68 = arith.constant 0 : i32
        %dma_start3A_69 = tpu.memref_slice %arg11[%dma_start3A_67, %dma_start3A_68] : memref<10112x64xf32, #tpu.memory_space<vmem_shared>> -> memref<10112x64xf32, #tpu.memory_space<vmem_shared>>
        tpu.enqueue_indirect_dma source(%arg9 : memref<128x64xf32, #tpu.memory_space<vmem>>) target(%dma_start3A_69 : memref<10112x64xf32, #tpu.memory_space<vmem_shared>>) offsets(%dma_start3A_66 : memref<128xi32, #tpu.memory_space<vmem>>) semaphore(%run_scoped3A_63 : memref<!tpu.dma_semaphore, #tpu.memory_space<semaphore_mem>>) {add = true}
        %dma_wait3A_70 = arith.constant 0 : i32
        %dma_wait3A_71 = tpu.memref_slice %arg8[%mul3A_30, %dma_wait3A_70] : memref<157x128xi32, #tpu.memory_space<vmem>> -> memref<1x128xi32, #tpu.memory_space<vmem>>
        %dma_wait3A_72 = tpu.memref_squeeze %dma_wait3A_71 : memref<1x128xi32, #tpu.memory_space<vmem>> -> memref<128xi32, #tpu.memory_space<vmem>>
        %dma_wait3A_73 = arith.constant 0 : i32
        %dma_wait3A_74 = arith.constant 0 : i32
        %dma_wait3A_75 = tpu.memref_slice %arg11[%dma_wait3A_73, %dma_wait3A_74] : memref<10112x64xf32, #tpu.memory_space<vmem_shared>> -> memref<10112x64xf32, #tpu.memory_space<vmem_shared>>
        tpu.wait_indirect_dma semaphore(%run_scoped3A_63 : memref<!tpu.dma_semaphore, #tpu.memory_space<semaphore_mem>>) src(%arg9 : memref<128x64xf32, #tpu.memory_space<vmem>>) dst(%dma_wait3A_75 : memref<10112x64xf32, #tpu.memory_space<vmem_shared>>)
        tpu.yield
      }) : () -> ()
      %add3A_45 = arith.constant 2 : i32
      %add3A_46 = arith.addi %mul3A_30, %add3A_45 : i32
      %dma_start3A_47 = arith.constant 0 : i32
      %dma_start3A_48 = tpu.memref_slice %arg7[%add3A_46, %dma_start3A_47] : memref<157x128xi32, #tpu.memory_space<vmem>> -> memref<1x128xi32, #tpu.memory_space<vmem>>
      %dma_start3A_49 = tpu.memref_squeeze %dma_start3A_48 : memref<1x128xi32, #tpu.memory_space<vmem>> -> memref<128xi32, #tpu.memory_space<vmem>>
      %dma_start3A_50 = arith.constant 0 : i32
      %dma_start3A_51 = arith.constant 0 : i32
      %dma_start3A_52 = tpu.memref_slice %arg2[%dma_start3A_50, %dma_start3A_51] : memref<20000x64xf32, #tpu.memory_space<hbm>> -> memref<20000x64xf32, #tpu.memory_space<hbm>>
      tpu.enqueue_indirect_dma source(%dma_start3A_52 : memref<20000x64xf32, #tpu.memory_space<hbm>>) target(%arg9 : memref<128x64xf32, #tpu.memory_space<vmem>>) offsets(%dma_start3A_49 : memref<128xi32, #tpu.memory_space<vmem>>) semaphore(%arg12 : memref<!tpu.dma_semaphore, #tpu.memory_space<semaphore_mem>>)
      %add3A_53 = arith.constant 1 : i32
      %add3A_54 = arith.addi %mul3A_30, %add3A_53 : i32
      %dma_wait3A_55 = arith.constant 0 : i32
      %dma_wait3A_56 = tpu.memref_slice %arg7[%add3A_54, %dma_wait3A_55] : memref<157x128xi32, #tpu.memory_space<vmem>> -> memref<1x128xi32, #tpu.memory_space<vmem>>
      %dma_wait3A_57 = tpu.memref_squeeze %dma_wait3A_56 : memref<1x128xi32, #tpu.memory_space<vmem>> -> memref<128xi32, #tpu.memory_space<vmem>>
      %dma_wait3A_58 = arith.constant 0 : i32
      %dma_wait3A_59 = arith.constant 0 : i32
      %dma_wait3A_60 = tpu.memref_slice %arg2[%dma_wait3A_58, %dma_wait3A_59] : memref<20000x64xf32, #tpu.memory_space<hbm>> -> memref<20000x64xf32, #tpu.memory_space<hbm>>
      tpu.wait_indirect_dma semaphore(%arg13 : memref<!tpu.dma_semaphore, #tpu.memory_space<semaphore_mem>>) src(%dma_wait3A_60 : memref<20000x64xf32, #tpu.memory_space<hbm>>) dst(%arg10 : memref<128x64xf32, #tpu.memory_space<vmem>>)
      %add3A_61 = arith.constant 1 : i32
      %add3A_62 = arith.addi %mul3A_30, %add3A_61 : i32
      "tpu.region"() ({
        %run_scoped3A_63 = tpu.sem_alloc : memref<!tpu.dma_semaphore, #tpu.memory_space<semaphore_mem>>
        %dma_start3A_64 = arith.constant 0 : i32
        %dma_start3A_65 = tpu.memref_slice %arg8[%add3A_62, %dma_start3A_64] : memref<157x128xi32, #tpu.memory_space<vmem>> -> memref<1x128xi32, #tpu.memory_space<vmem>>
        %dma_start3A_66 = tpu.memref_squeeze %dma_start3A_65 : memref<1x128xi32, #tpu.memory_space<vmem>> -> memref<128xi32, #tpu.memory_space<vmem>>
        %dma_start3A_67 = arith.constant 0 : i32
        %dma_start3A_68 = arith.constant 0 : i32
        %dma_start3A_69 = tpu.memref_slice %arg11[%dma_start3A_67, %dma_start3A_68] : memref<10112x64xf32, #tpu.memory_space<vmem_shared>> -> memref<10112x64xf32, #tpu.memory_space<vmem_shared>>
        tpu.enqueue_indirect_dma source(%arg10 : memref<128x64xf32, #tpu.memory_space<vmem>>) target(%dma_start3A_69 : memref<10112x64xf32, #tpu.memory_space<vmem_shared>>) offsets(%dma_start3A_66 : memref<128xi32, #tpu.memory_space<vmem>>) semaphore(%run_scoped3A_63 : memref<!tpu.dma_semaphore, #tpu.memory_space<semaphore_mem>>) {add = true}
        %dma_wait3A_70 = arith.constant 0 : i32
        %dma_wait3A_71 = tpu.memref_slice %arg8[%add3A_62, %dma_wait3A_70] : memref<157x128xi32, #tpu.memory_space<vmem>> -> memref<1x128xi32, #tpu.memory_space<vmem>>
        %dma_wait3A_72 = tpu.memref_squeeze %dma_wait3A_71 : memref<1x128xi32, #tpu.memory_space<vmem>> -> memref<128xi32, #tpu.memory_space<vmem>>
        %dma_wait3A_73 = arith.constant 0 : i32
        %dma_wait3A_74 = arith.constant 0 : i32
        %dma_wait3A_75 = tpu.memref_slice %arg11[%dma_wait3A_73, %dma_wait3A_74] : memref<10112x64xf32, #tpu.memory_space<vmem_shared>> -> memref<10112x64xf32, #tpu.memory_space<vmem_shared>>
        tpu.wait_indirect_dma semaphore(%run_scoped3A_63 : memref<!tpu.dma_semaphore, #tpu.memory_space<semaphore_mem>>) src(%arg10 : memref<128x64xf32, #tpu.memory_space<vmem>>) dst(%dma_wait3A_75 : memref<10112x64xf32, #tpu.memory_space<vmem_shared>>)
        tpu.yield
      }) : () -> ()
    }
    %scan3A_12 = arith.constant 78 : i32
    %dma_wait3A = arith.constant 156 : i32
    %dma_wait3A_13 = arith.constant 0 : i32
    %dma_wait3A_14 = tpu.memref_slice %arg7[%dma_wait3A, %dma_wait3A_13] : memref<157x128xi32, #tpu.memory_space<vmem>> -> memref<1x128xi32, #tpu.memory_space<vmem>>
    %dma_wait3A_15 = tpu.memref_squeeze %dma_wait3A_14 : memref<1x128xi32, #tpu.memory_space<vmem>> -> memref<128xi32, #tpu.memory_space<vmem>>
    %dma_wait3A_16 = arith.constant 0 : i32
    %dma_wait3A_17 = arith.constant 0 : i32
    %dma_wait3A_18 = tpu.memref_slice %arg2[%dma_wait3A_16, %dma_wait3A_17] : memref<20000x64xf32, #tpu.memory_space<hbm>> -> memref<20000x64xf32, #tpu.memory_space<hbm>>
    tpu.wait_indirect_dma semaphore(%arg12 : memref<!tpu.dma_semaphore, #tpu.memory_space<semaphore_mem>>) src(%dma_wait3A_18 : memref<20000x64xf32, #tpu.memory_space<hbm>>) dst(%arg9 : memref<128x64xf32, #tpu.memory_space<vmem>>)
    %run_scoped3A = arith.constant 156 : i32
    "tpu.region"() ({
      %run_scoped3A_24 = tpu.sem_alloc : memref<!tpu.dma_semaphore, #tpu.memory_space<semaphore_mem>>
      %dma_start3A_25 = arith.constant 0 : i32
      %dma_start3A_26 = tpu.memref_slice %arg8[%run_scoped3A, %dma_start3A_25] : memref<157x128xi32, #tpu.memory_space<vmem>> -> memref<1x128xi32, #tpu.memory_space<vmem>>
      %dma_start3A_27 = tpu.memref_squeeze %dma_start3A_26 : memref<1x128xi32, #tpu.memory_space<vmem>> -> memref<128xi32, #tpu.memory_space<vmem>>
      %dma_start3A_28 = arith.constant 0 : i32
      %dma_start3A_29 = arith.constant 0 : i32
      %dma_start3A_30 = tpu.memref_slice %arg11[%dma_start3A_28, %dma_start3A_29] : memref<10112x64xf32, #tpu.memory_space<vmem_shared>> -> memref<10112x64xf32, #tpu.memory_space<vmem_shared>>
      tpu.enqueue_indirect_dma source(%arg9 : memref<128x64xf32, #tpu.memory_space<vmem>>) target(%dma_start3A_30 : memref<10112x64xf32, #tpu.memory_space<vmem_shared>>) offsets(%dma_start3A_27 : memref<128xi32, #tpu.memory_space<vmem>>) semaphore(%run_scoped3A_24 : memref<!tpu.dma_semaphore, #tpu.memory_space<semaphore_mem>>) {add = true}
      %dma_wait3A_31 = arith.constant 0 : i32
      %dma_wait3A_32 = tpu.memref_slice %arg8[%run_scoped3A, %dma_wait3A_31] : memref<157x128xi32, #tpu.memory_space<vmem>> -> memref<1x128xi32, #tpu.memory_space<vmem>>
      %dma_wait3A_33 = tpu.memref_squeeze %dma_wait3A_32 : memref<1x128xi32, #tpu.memory_space<vmem>> -> memref<128xi32, #tpu.memory_space<vmem>>
      %dma_wait3A_34 = arith.constant 0 : i32
      %dma_wait3A_35 = arith.constant 0 : i32
      %dma_wait3A_36 = tpu.memref_slice %arg11[%dma_wait3A_34, %dma_wait3A_35] : memref<10112x64xf32, #tpu.memory_space<vmem_shared>> -> memref<10112x64xf32, #tpu.memory_space<vmem_shared>>
      tpu.wait_indirect_dma semaphore(%run_scoped3A_24 : memref<!tpu.dma_semaphore, #tpu.memory_space<semaphore_mem>>) src(%arg9 : memref<128x64xf32, #tpu.memory_space<vmem>>) dst(%dma_wait3A_36 : memref<10112x64xf32, #tpu.memory_space<vmem_shared>>)
      tpu.yield
    }) : () -> ()
    %barrier3A_19 = arith.constant 0 : index
    tpu.barrier barrier_id(%barrier3A_19)
    %mul3A_20 = arith.constant 632 : i32
    %mul3A_21 = arith.muli %arg1, %mul3A_20 : i32
    %mul3A_22 = arith.constant 632 : i32
    %mul3A_23 = arith.muli %arg1, %mul3A_22 : i32
    "tpu.region"() ({
      %run_scoped3A_24 = tpu.sem_alloc : memref<!tpu.dma_semaphore, #tpu.memory_space<semaphore_mem>>
      %dma_start3A_25 = arith.constant 0 : i32
      %dma_start3A_26 = tpu.memref_slice %arg6[%arg0, %mul3A_23, %dma_start3A_25] : memref<2x10112x64xf32, #tpu.memory_space<hbm>> -> memref<1x632x64xf32, #tpu.memory_space<hbm>>
      %dma_start3A_27 = tpu.memref_squeeze %dma_start3A_26 : memref<1x632x64xf32, #tpu.memory_space<hbm>> -> memref<632x64xf32, #tpu.memory_space<hbm>>
      %dma_start3A_28 = arith.constant 0 : i32
      %dma_start3A_29 = tpu.memref_slice %arg11[%mul3A_21, %dma_start3A_28] : memref<10112x64xf32, #tpu.memory_space<vmem_shared>> -> memref<632x64xf32, #tpu.memory_space<vmem_shared>>
      tpu.enqueue_dma source(%dma_start3A_29 : memref<632x64xf32, #tpu.memory_space<vmem_shared>>) target(%dma_start3A_27 : memref<632x64xf32, #tpu.memory_space<hbm>>) target_semaphore(%run_scoped3A_24 : memref<!tpu.dma_semaphore, #tpu.memory_space<semaphore_mem>>)
      %dma_wait3A_30 = arith.constant 0 : i32
      %dma_wait3A_31 = tpu.memref_slice %arg6[%arg0, %mul3A_23, %dma_wait3A_30] : memref<2x10112x64xf32, #tpu.memory_space<hbm>> -> memref<1x632x64xf32, #tpu.memory_space<hbm>>
      %dma_wait3A_32 = tpu.memref_squeeze %dma_wait3A_31 : memref<1x632x64xf32, #tpu.memory_space<hbm>> -> memref<632x64xf32, #tpu.memory_space<hbm>>
      %dma_wait3A_33 = arith.constant 0 : i32
      %dma_wait3A_34 = tpu.memref_slice %arg11[%mul3A_21, %dma_wait3A_33] : memref<10112x64xf32, #tpu.memory_space<vmem_shared>> -> memref<632x64xf32, #tpu.memory_space<vmem_shared>>
      tpu.wait_dma2 semaphore(%run_scoped3A_24 : memref<!tpu.dma_semaphore, #tpu.memory_space<semaphore_mem>>) src(%dma_wait3A_34 : memref<632x64xf32, #tpu.memory_space<vmem_shared>>) dst(%dma_wait3A_32 : memref<632x64xf32, #tpu.memory_space<hbm>>)
      tpu.yield
    }) : () -> ()
    return
  }
}

module attributes {stable_mosaic.version = 14 : i64} {
  func.func @_mm_body(%arg0: i32, %arg1: i32, %arg2: memref<2000x128xf32, #tpu.memory_space<vmem>>, %arg3: memref<1x128x128xf32, #tpu.memory_space<vmem>>, %arg4: memref<2x1x2000x64xf32, #tpu.memory_space<vmem>>) attributes {dimension_semantics = [#tpu.dimension_semantics<arbitrary>, #tpu.dimension_semantics<arbitrary>], iteration_bounds = array<i64: 5, 5>, scalar_prefetch = 0 : i64, scratch_operands = 0 : i64, tpu.core_type = #tpu.core_type<tc>, window_params = [{transform_indices = @transform_0, window_bounds = array<i64: 2000, 128>}, {transform_indices = @transform_1, window_bounds = array<i64: 1, 128, 128>}, {transform_indices = @transform_2, window_bounds = array<i64: 2, 1, 2000, 64>}]} {
    %get3A = arith.constant 0 : index
    %get3A_0 = arith.constant 0 : index
    %get3A_1 = vector.load %arg2[%get3A, %get3A_0] : memref<2000x128xf32, #tpu.memory_space<vmem>>, vector<2000x128xf32>
    %get3A_2 = arith.constant 0 : index
    %get3A_3 = arith.constant 0 : index
    %get3A_4 = arith.constant 0 : index
    %get3A_5 = vector.load %arg3[%get3A_2, %get3A_3, %get3A_4] : memref<1x128x128xf32, #tpu.memory_space<vmem>>, vector<1x128x128xf32>
    %get3A_6 = vector.shape_cast %get3A_5 : vector<1x128x128xf32> to vector<128x128xf32>
    %dot_general3A = arith.constant dense<0.000000e+00> : vector<2000x128xf32>
    %dot_general3A_7 = tpu.matmul %get3A_1, %get3A_6, %dot_general3A {dimension_numbers = #tpu.dot_dimension_numbers<[1], [0], [0], [1], [0, 0, 1, 1], [], []>, transpose_lhs_hint = false} : vector<2000x128xf32>, vector<128x128xf32>, vector<2000x128xf32> -> vector<2000x128xf32>
    %slice3A = vector.extract_strided_slice %dot_general3A_7 {offsets = [0, 0], sizes = [2000, 64], strides = [1, 1]} : vector<2000x128xf32> to vector<2000x64xf32>
    %swap3A = arith.constant 0 : index
    %swap3A_8 = arith.constant 0 : index
    %swap3A_9 = arith.constant 0 : index
    %swap3A_10 = arith.constant 0 : index
    %swap3A_11 = vector.load %arg4[%swap3A, %swap3A_8, %swap3A_9, %swap3A_10] : memref<2x1x2000x64xf32, #tpu.memory_space<vmem>>, vector<1x1x2000x64xf32>
    %swap3A_12 = vector.shape_cast %swap3A_11 : vector<1x1x2000x64xf32> to vector<2000x64xf32>
    %swap3A_13 = vector.shape_cast %slice3A : vector<2000x64xf32> to vector<1x1x2000x64xf32>
    tpu.vector_store %arg4[%swap3A, %swap3A_8, %swap3A_9, %swap3A_10], %swap3A_13 {strides = array<i32>} : memref<2x1x2000x64xf32, #tpu.memory_space<vmem>>, vector<1x1x2000x64xf32>,
    %slice3A_14 = vector.extract_strided_slice %dot_general3A_7 {offsets = [0, 64], sizes = [2000, 64], strides = [1, 1]} : vector<2000x128xf32> to vector<2000x64xf32>
    %swap3A_15 = arith.constant 1 : index
    %swap3A_16 = arith.constant 0 : index
    %swap3A_17 = arith.constant 0 : index
    %swap3A_18 = arith.constant 0 : index
    %swap3A_19 = vector.load %arg4[%swap3A_15, %swap3A_16, %swap3A_17, %swap3A_18] : memref<2x1x2000x64xf32, #tpu.memory_space<vmem>>, vector<1x1x2000x64xf32>
    %swap3A_20 = vector.shape_cast %swap3A_19 : vector<1x1x2000x64xf32> to vector<2000x64xf32>
    %swap3A_21 = vector.shape_cast %slice3A_14 : vector<2000x64xf32> to vector<1x1x2000x64xf32>
    tpu.vector_store %arg4[%swap3A_15, %swap3A_16, %swap3A_17, %swap3A_18], %swap3A_21 {strides = array<i32>} : memref<2x1x2000x64xf32, #tpu.memory_space<vmem>>, vector<1x1x2000x64xf32>,
    return
  }
  func.func @transform_0(%arg0: i32, %arg1: i32) -> (i32, i32) {
    %c0_i32 = arith.constant 0 : i32
    %c0_i32_0 = arith.constant 0 : i32
    return %arg1, %c0_i32 : i32, i32
  }
  func.func @transform_1(%arg0: i32, %arg1: i32) -> (i32, i32, i32) {
    %c0_i32 = arith.constant 0 : i32
    %c0_i32_0 = arith.constant 0 : i32
    %c0_i32_1 = arith.constant 0 : i32
    return %arg0, %c0_i32, %c0_i32_0 : i32, i32, i32
  }
  func.func @transform_2(%arg0: i32, %arg1: i32) -> (i32, i32, i32, i32) {
    %c0_i32 = arith.constant 0 : i32
    %c0_i32_0 = arith.constant 0 : i32
    %c0_i32_1 = arith.constant 0 : i32
    return %c0_i32, %arg0, %arg1, %c0_i32_0 : i32, i32, i32, i32
  }
}

module attributes {stable_mosaic.version = 14 : i64} {
  func.func @_relu_body(%arg0: i32, %arg1: memref<1x1x2000x64xf32, #tpu.memory_space<vmem>>, %arg2: memref<1x1x2000x64xf32, #tpu.memory_space<vmem>>, %arg3: memref<1x2000x64xf32, #tpu.memory_space<vmem>>, %arg4: memref<1x2000x64xf32, #tpu.memory_space<vmem>>, %arg5: memref<1x2000x16xf32, #tpu.memory_space<vmem>>, %arg6: memref<2x2000x64xf32, #tpu.memory_space<vmem>>) attributes {dimension_semantics = [#tpu.dimension_semantics<arbitrary>], iteration_bounds = array<i64: 5>, scalar_prefetch = 0 : i64, scratch_operands = 0 : i64, tpu.core_type = #tpu.core_type<tc>, window_params = [{transform_indices = @transform_0, window_bounds = array<i64: 1, 1, 2000, 64>}, {transform_indices = @transform_1, window_bounds = array<i64: 1, 1, 2000, 64>}, {transform_indices = @transform_2, window_bounds = array<i64: 1, 2000, 64>}, {transform_indices = @transform_3, window_bounds = array<i64: 1, 2000, 64>}, {transform_indices = @transform_4, window_bounds = array<i64: 1, 2000, 16>}, {transform_indices = @transform_5, window_bounds = array<i64: 2, 2000, 64>}]} {
    %get3A = arith.constant 0 : index
    %get3A_0 = arith.constant 0 : index
    %get3A_1 = arith.constant 0 : index
    %get3A_2 = vector.load %arg5[%get3A, %get3A_0, %get3A_1] : memref<1x2000x16xf32, #tpu.memory_space<vmem>>, vector<1x2000x16xf32>
    %get3A_3 = vector.shape_cast %get3A_2 : vector<1x2000x16xf32> to vector<2000x16xf32>
    %slice3A = vector.extract_strided_slice %get3A_3 {offsets = [0, 0], sizes = [2000, 1], strides = [1, 1]} : vector<2000x16xf32> to vector<2000x1xf32>
    %max3A = arith.constant 1.000000e+00 : f32
    %max3A_4 = vector.broadcast %max3A : f32 to vector<2000x1xf32>
    %max3A_5 = arith.maximumf %slice3A, %max3A_4 : vector<2000x1xf32>
    %div3A = arith.constant 1.000000e+00 : f32
    %div3A_6 = vector.broadcast %div3A : f32 to vector<2000x1xf32>
    %div3A_7 = arith.divf %div3A_6, %max3A_5 : vector<2000x1xf32>
    %get3A_8 = arith.constant 0 : index
    %get3A_9 = arith.constant 0 : index
    %get3A_10 = arith.constant 0 : index
    %get3A_11 = arith.constant 0 : index
    %get3A_12 = vector.load %arg1[%get3A_8, %get3A_9, %get3A_10, %get3A_11] : memref<1x1x2000x64xf32, #tpu.memory_space<vmem>>, vector<1x1x2000x64xf32>
    %get3A_13 = vector.shape_cast %get3A_12 : vector<1x1x2000x64xf32> to vector<2000x64xf32>
    %get3A_14 = arith.constant 0 : index
    %get3A_15 = arith.constant 0 : index
    %get3A_16 = arith.constant 0 : index
    %get3A_17 = vector.load %arg3[%get3A_14, %get3A_15, %get3A_16] : memref<1x2000x64xf32, #tpu.memory_space<vmem>>, vector<1x2000x64xf32>
    %get3A_18 = vector.shape_cast %get3A_17 : vector<1x2000x64xf32> to vector<2000x64xf32>
    %add3A = arith.addf %get3A_13, %get3A_18 : vector<2000x64xf32>
    %mul3A = vector.broadcast %div3A_7 : vector<2000x1xf32> to vector<2000x64xf32>
    %mul3A_19 = arith.mulf %add3A, %mul3A : vector<2000x64xf32>
    %max3A_20 = arith.constant 0.000000e+00 : f32
    %max3A_21 = vector.broadcast %max3A_20 : f32 to vector<2000x64xf32>
    %max3A_22 = arith.maximumf %mul3A_19, %max3A_21 : vector<2000x64xf32>
    %swap3A = arith.constant 0 : index
    %swap3A_23 = arith.constant 0 : index
    %swap3A_24 = arith.constant 0 : index
    %swap3A_25 = vector.load %arg6[%swap3A, %swap3A_23, %swap3A_24] : memref<2x2000x64xf32, #tpu.memory_space<vmem>>, vector<1x2000x64xf32>
    %swap3A_26 = vector.shape_cast %swap3A_25 : vector<1x2000x64xf32> to vector<2000x64xf32>
    %swap3A_27 = vector.shape_cast %max3A_22 : vector<2000x64xf32> to vector<1x2000x64xf32>
    tpu.vector_store %arg6[%swap3A, %swap3A_23, %swap3A_24], %swap3A_27 {strides = array<i32>} : memref<2x2000x64xf32, #tpu.memory_space<vmem>>, vector<1x2000x64xf32>,
    %get3A_28 = arith.constant 0 : index
    %get3A_29 = arith.constant 0 : index
    %get3A_30 = arith.constant 0 : index
    %get3A_31 = arith.constant 0 : index
    %get3A_32 = vector.load %arg2[%get3A_28, %get3A_29, %get3A_30, %get3A_31] : memref<1x1x2000x64xf32, #tpu.memory_space<vmem>>, vector<1x1x2000x64xf32>
    %get3A_33 = vector.shape_cast %get3A_32 : vector<1x1x2000x64xf32> to vector<2000x64xf32>
    %get3A_34 = arith.constant 0 : index
    %get3A_35 = arith.constant 0 : index
    %get3A_36 = arith.constant 0 : index
    %get3A_37 = vector.load %arg4[%get3A_34, %get3A_35, %get3A_36] : memref<1x2000x64xf32, #tpu.memory_space<vmem>>, vector<1x2000x64xf32>
    %get3A_38 = vector.shape_cast %get3A_37 : vector<1x2000x64xf32> to vector<2000x64xf32>
    %add3A_39 = arith.addf %get3A_33, %get3A_38 : vector<2000x64xf32>
    %mul3A_40 = vector.broadcast %div3A_7 : vector<2000x1xf32> to vector<2000x64xf32>
    %mul3A_41 = arith.mulf %add3A_39, %mul3A_40 : vector<2000x64xf32>
    %max3A_42 = arith.constant 0.000000e+00 : f32
    %max3A_43 = vector.broadcast %max3A_42 : f32 to vector<2000x64xf32>
    %max3A_44 = arith.maximumf %mul3A_41, %max3A_43 : vector<2000x64xf32>
    %swap3A_45 = arith.constant 1 : index
    %swap3A_46 = arith.constant 0 : index
    %swap3A_47 = arith.constant 0 : index
    %swap3A_48 = vector.load %arg6[%swap3A_45, %swap3A_46, %swap3A_47] : memref<2x2000x64xf32, #tpu.memory_space<vmem>>, vector<1x2000x64xf32>
    %swap3A_49 = vector.shape_cast %swap3A_48 : vector<1x2000x64xf32> to vector<2000x64xf32>
    %swap3A_50 = vector.shape_cast %max3A_44 : vector<2000x64xf32> to vector<1x2000x64xf32>
    tpu.vector_store %arg6[%swap3A_45, %swap3A_46, %swap3A_47], %swap3A_50 {strides = array<i32>} : memref<2x2000x64xf32, #tpu.memory_space<vmem>>, vector<1x2000x64xf32>,
    return
  }
  func.func @transform_0(%arg0: i32) -> (i32, i32, i32, i32) {
    %c0_i32 = arith.constant 0 : i32
    %c0_i32_0 = arith.constant 0 : i32
    %c0_i32_1 = arith.constant 0 : i32
    %c0_i32_2 = arith.constant 0 : i32
    return %c0_i32, %c0_i32_0, %arg0, %c0_i32_1 : i32, i32, i32, i32
  }
  func.func @transform_1(%arg0: i32) -> (i32, i32, i32, i32) {
    %c1_i32 = arith.constant 1 : i32
    %c0_i32 = arith.constant 0 : i32
    %c0_i32_0 = arith.constant 0 : i32
    %c0_i32_1 = arith.constant 0 : i32
    return %c1_i32, %c0_i32, %arg0, %c0_i32_0 : i32, i32, i32, i32
  }
  func.func @transform_2(%arg0: i32) -> (i32, i32, i32) {
    %c0_i32 = arith.constant 0 : i32
    %c0_i32_0 = arith.constant 0 : i32
    %c0_i32_1 = arith.constant 0 : i32
    return %c0_i32, %arg0, %c0_i32_0 : i32, i32, i32
  }
  func.func @transform_3(%arg0: i32) -> (i32, i32, i32) {
    %c1_i32 = arith.constant 1 : i32
    %c0_i32 = arith.constant 0 : i32
    %c0_i32_0 = arith.constant 0 : i32
    return %c1_i32, %arg0, %c0_i32 : i32, i32, i32
  }
  func.func @transform_4(%arg0: i32) -> (i32, i32, i32) {
    %c0_i32 = arith.constant 0 : i32
    %c0_i32_0 = arith.constant 0 : i32
    %c0_i32_1 = arith.constant 0 : i32
    return %c0_i32, %arg0, %c0_i32_0 : i32, i32, i32
  }
  func.func @transform_5(%arg0: i32) -> (i32, i32, i32) {
    %c0_i32 = arith.constant 0 : i32
    %c0_i32_0 = arith.constant 0 : i32
    %c0_i32_1 = arith.constant 0 : i32
    return %c0_i32, %arg0, %c0_i32_0 : i32, i32, i32
  }
}

module attributes {stable_mosaic.version = 14 : i64} {
  func.func @_group_mm_body(%arg0: i32, %arg1: i32, %arg2: memref<2x2000x64xf32, #tpu.memory_space<vmem>>, %arg3: memref<1x2000x64xf32, #tpu.memory_space<vmem>>, %arg4: memref<1x2000x64xf32, #tpu.memory_space<vmem>>, %arg5: memref<1x2000x16xf32, #tpu.memory_space<vmem>>, %arg6: memref<128x128xf32, #tpu.memory_space<vmem>>, %arg7: memref<1x128xf32, #tpu.memory_space<vmem>>, %arg8: memref<1x128x128xf32, #tpu.memory_space<vmem>>, %arg9: memref<2x1x2000x64xf32, #tpu.memory_space<vmem>>) attributes {dimension_semantics = [#tpu.dimension_semantics<arbitrary>, #tpu.dimension_semantics<arbitrary>], iteration_bounds = array<i64: 5, 5>, scalar_prefetch = 0 : i64, scratch_operands = 0 : i64, tpu.core_type = #tpu.core_type<tc>, window_params = [{transform_indices = @transform_0, window_bounds = array<i64: 2, 2000, 64>}, {transform_indices = @transform_1, window_bounds = array<i64: 1, 2000, 64>}, {transform_indices = @transform_2, window_bounds = array<i64: 1, 2000, 64>}, {transform_indices = @transform_3, window_bounds = array<i64: 1, 2000, 16>}, {pipeline_mode = #tpu.pipeline_mode<synchronous>, transform_indices = @transform_4, window_bounds = array<i64: 128, 128>}, {pipeline_mode = #tpu.pipeline_mode<synchronous>, transform_indices = @transform_5, window_bounds = array<i64: 1, 128>}, {transform_indices = @transform_6, window_bounds = array<i64: 1, 128, 128>}, {transform_indices = @transform_7, window_bounds = array<i64: 2, 1, 2000, 64>}]} {
    %get3A = arith.constant 0 : index
    %get3A_0 = arith.constant 0 : index
    %get3A_1 = arith.constant 0 : index
    %get3A_2 = vector.load %arg5[%get3A, %get3A_0, %get3A_1] : memref<1x2000x16xf32, #tpu.memory_space<vmem>>, vector<1x2000x16xf32>
    %get3A_3 = vector.shape_cast %get3A_2 : vector<1x2000x16xf32> to vector<2000x16xf32>
    %slice3A = vector.extract_strided_slice %get3A_3 {offsets = [0, 0], sizes = [2000, 1], strides = [1, 1]} : vector<2000x16xf32> to vector<2000x1xf32>
    %max3A = arith.constant 1.000000e+00 : f32
    %max3A_4 = vector.broadcast %max3A : f32 to vector<2000x1xf32>
    %max3A_5 = arith.maximumf %slice3A, %max3A_4 : vector<2000x1xf32>
    %div3A = arith.constant 1.000000e+00 : f32
    %div3A_6 = vector.broadcast %div3A : f32 to vector<2000x1xf32>
    %div3A_7 = arith.divf %div3A_6, %max3A_5 : vector<2000x1xf32>
    %get3A_8 = arith.constant 0 : index
    %get3A_9 = arith.constant 0 : index
    %get3A_10 = arith.constant 0 : index
    %get3A_11 = vector.load %arg2[%get3A_8, %get3A_9, %get3A_10] : memref<2x2000x64xf32, #tpu.memory_space<vmem>>, vector<1x2000x64xf32>
    %get3A_12 = vector.shape_cast %get3A_11 : vector<1x2000x64xf32> to vector<2000x64xf32>
    %get3A_13 = arith.constant 1 : index
    %get3A_14 = arith.constant 0 : index
    %get3A_15 = arith.constant 0 : index
    %get3A_16 = vector.load %arg2[%get3A_13, %get3A_14, %get3A_15] : memref<2x2000x64xf32, #tpu.memory_space<vmem>>, vector<1x2000x64xf32>
    %get3A_17 = vector.shape_cast %get3A_16 : vector<1x2000x64xf32> to vector<2000x64xf32>
    %concatenate3A = tpu.concatenate %get3A_12, %get3A_17 in 1 : vector<2000x64xf32>, vector<2000x64xf32> -> vector<2000x128xf32>
    %get3A_18 = arith.constant 0 : index
    %get3A_19 = arith.constant 0 : index
    %get3A_20 = arith.constant 0 : index
    %get3A_21 = vector.load %arg3[%get3A_18, %get3A_19, %get3A_20] : memref<1x2000x64xf32, #tpu.memory_space<vmem>>, vector<1x2000x64xf32>
    %get3A_22 = vector.shape_cast %get3A_21 : vector<1x2000x64xf32> to vector<2000x64xf32>
    %get3A_23 = arith.constant 0 : index
    %get3A_24 = arith.constant 0 : index
    %get3A_25 = arith.constant 0 : index
    %get3A_26 = vector.load %arg4[%get3A_23, %get3A_24, %get3A_25] : memref<1x2000x64xf32, #tpu.memory_space<vmem>>, vector<1x2000x64xf32>
    %get3A_27 = vector.shape_cast %get3A_26 : vector<1x2000x64xf32> to vector<2000x64xf32>
    %concatenate3A_28 = tpu.concatenate %get3A_22, %get3A_27 in 1 : vector<2000x64xf32>, vector<2000x64xf32> -> vector<2000x128xf32>
    %mul3A = vector.broadcast %div3A_7 : vector<2000x1xf32> to vector<2000x128xf32>
    %mul3A_29 = arith.mulf %concatenate3A_28, %mul3A : vector<2000x128xf32>
    %get3A_30 = arith.constant 0 : index
    %get3A_31 = arith.constant 0 : index
    %get3A_32 = vector.load %arg7[%get3A_30, %get3A_31] : memref<1x128xf32, #tpu.memory_space<vmem>>, vector<1x128xf32>
    %add3A = vector.broadcast %get3A_32 : vector<1x128xf32> to vector<2000x128xf32>
    %add3A_33 = arith.addf %concatenate3A, %add3A : vector<2000x128xf32>
    %get3A_34 = arith.constant 0 : index
    %get3A_35 = arith.constant 0 : index
    %get3A_36 = vector.load %arg6[%get3A_34, %get3A_35] : memref<128x128xf32, #tpu.memory_space<vmem>>, vector<128x128xf32>
    %dot_general3A = arith.constant dense<0.000000e+00> : vector<2000x128xf32>
    %dot_general3A_37 = tpu.matmul %mul3A_29, %get3A_36, %dot_general3A {dimension_numbers = #tpu.dot_dimension_numbers<[1], [0], [0], [1], [0, 0, 1, 1], [], []>, transpose_lhs_hint = false} : vector<2000x128xf32>, vector<128x128xf32>, vector<2000x128xf32> -> vector<2000x128xf32>
    %add3A_38 = arith.addf %add3A_33, %dot_general3A_37 : vector<2000x128xf32>
    %get3A_39 = arith.constant 0 : index
    %get3A_40 = arith.constant 0 : index
    %get3A_41 = arith.constant 0 : index
    %get3A_42 = vector.load %arg8[%get3A_39, %get3A_40, %get3A_41] : memref<1x128x128xf32, #tpu.memory_space<vmem>>, vector<1x128x128xf32>
    %get3A_43 = vector.shape_cast %get3A_42 : vector<1x128x128xf32> to vector<128x128xf32>
    %dot_general3A_44 = arith.constant dense<0.000000e+00> : vector<2000x128xf32>
    %dot_general3A_45 = tpu.matmul %add3A_38, %get3A_43, %dot_general3A_44 {dimension_numbers = #tpu.dot_dimension_numbers<[1], [0], [0], [1], [0, 0, 1, 1], [], []>, transpose_lhs_hint = false} : vector<2000x128xf32>, vector<128x128xf32>, vector<2000x128xf32> -> vector<2000x128xf32>
    %slice3A_46 = vector.extract_strided_slice %dot_general3A_45 {offsets = [0, 0], sizes = [2000, 64], strides = [1, 1]} : vector<2000x128xf32> to vector<2000x64xf32>
    %swap3A = arith.constant 0 : index
    %swap3A_47 = arith.constant 0 : index
    %swap3A_48 = arith.constant 0 : index
    %swap3A_49 = arith.constant 0 : index
    %swap3A_50 = vector.load %arg9[%swap3A, %swap3A_47, %swap3A_48, %swap3A_49] : memref<2x1x2000x64xf32, #tpu.memory_space<vmem>>, vector<1x1x2000x64xf32>
    %swap3A_51 = vector.shape_cast %swap3A_50 : vector<1x1x2000x64xf32> to vector<2000x64xf32>
    %swap3A_52 = vector.shape_cast %slice3A_46 : vector<2000x64xf32> to vector<1x1x2000x64xf32>
    tpu.vector_store %arg9[%swap3A, %swap3A_47, %swap3A_48, %swap3A_49], %swap3A_52 {strides = array<i32>} : memref<2x1x2000x64xf32, #tpu.memory_space<vmem>>, vector<1x1x2000x64xf32>,
    %slice3A_53 = vector.extract_strided_slice %dot_general3A_45 {offsets = [0, 64], sizes = [2000, 64], strides = [1, 1]} : vector<2000x128xf32> to vector<2000x64xf32>
    %swap3A_54 = arith.constant 1 : index
    %swap3A_55 = arith.constant 0 : index
    %swap3A_56 = arith.constant 0 : index
    %swap3A_57 = arith.constant 0 : index
    %swap3A_58 = vector.load %arg9[%swap3A_54, %swap3A_55, %swap3A_56, %swap3A_57] : memref<2x1x2000x64xf32, #tpu.memory_space<vmem>>, vector<1x1x2000x64xf32>
    %swap3A_59 = vector.shape_cast %swap3A_58 : vector<1x1x2000x64xf32> to vector<2000x64xf32>
    %swap3A_60 = vector.shape_cast %slice3A_53 : vector<2000x64xf32> to vector<1x1x2000x64xf32>
    tpu.vector_store %arg9[%swap3A_54, %swap3A_55, %swap3A_56, %swap3A_57], %swap3A_60 {strides = array<i32>} : memref<2x1x2000x64xf32, #tpu.memory_space<vmem>>, vector<1x1x2000x64xf32>,
    return
  }
  func.func @transform_0(%arg0: i32, %arg1: i32) -> (i32, i32, i32) {
    %c0_i32 = arith.constant 0 : i32
    %c0_i32_0 = arith.constant 0 : i32
    %c0_i32_1 = arith.constant 0 : i32
    return %c0_i32, %arg1, %c0_i32_0 : i32, i32, i32
  }
  func.func @transform_1(%arg0: i32, %arg1: i32) -> (i32, i32, i32) {
    %c0_i32 = arith.constant 0 : i32
    %c0_i32_0 = arith.constant 0 : i32
    %c0_i32_1 = arith.constant 0 : i32
    return %c0_i32, %arg1, %c0_i32_0 : i32, i32, i32
  }
  func.func @transform_2(%arg0: i32, %arg1: i32) -> (i32, i32, i32) {
    %c1_i32 = arith.constant 1 : i32
    %c0_i32 = arith.constant 0 : i32
    %c0_i32_0 = arith.constant 0 : i32
    return %c1_i32, %arg1, %c0_i32 : i32, i32, i32
  }
  func.func @transform_3(%arg0: i32, %arg1: i32) -> (i32, i32, i32) {
    %c0_i32 = arith.constant 0 : i32
    %c0_i32_0 = arith.constant 0 : i32
    %c0_i32_1 = arith.constant 0 : i32
    return %c0_i32, %arg1, %c0_i32_0 : i32, i32, i32
  }
  func.func @transform_4(%arg0: i32, %arg1: i32) -> (i32, i32) {
    %c0_i32 = arith.constant 0 : i32
    %c0_i32_0 = arith.constant 0 : i32
    %c0_i32_1 = arith.constant 0 : i32
    return %c0_i32, %c0_i32_0 : i32, i32
  }
  func.func @transform_5(%arg0: i32, %arg1: i32) -> (i32, i32) {
    %c0_i32 = arith.constant 0 : i32
    %c0_i32_0 = arith.constant 0 : i32
    %c0_i32_1 = arith.constant 0 : i32
    return %c0_i32, %c0_i32_0 : i32, i32
  }
  func.func @transform_6(%arg0: i32, %arg1: i32) -> (i32, i32, i32) {
    %c0_i32 = arith.constant 0 : i32
    %c0_i32_0 = arith.constant 0 : i32
    %c0_i32_1 = arith.constant 0 : i32
    return %arg0, %c0_i32, %c0_i32_0 : i32, i32, i32
  }
  func.func @transform_7(%arg0: i32, %arg1: i32) -> (i32, i32, i32, i32) {
    %c0_i32 = arith.constant 0 : i32
    %c0_i32_0 = arith.constant 0 : i32
    %c0_i32_1 = arith.constant 0 : i32
    return %c0_i32, %arg0, %arg1, %c0_i32_0 : i32, i32, i32, i32
  }
}

module attributes {stable_mosaic.version = 14 : i64} {
  func.func @_final_body(%arg0: i32, %arg1: memref<2x2000x64xf32, #tpu.memory_space<vmem>>, %arg2: memref<1x2000x64xf32, #tpu.memory_space<vmem>>, %arg3: memref<1x2000x64xf32, #tpu.memory_space<vmem>>, %arg4: memref<1x2000x16xf32, #tpu.memory_space<vmem>>, %arg5: memref<128x128xf32, #tpu.memory_space<vmem>>, %arg6: memref<1x128xf32, #tpu.memory_space<vmem>>, %arg7: memref<128x128xf32, #tpu.memory_space<vmem>>, %arg8: memref<1x128xf32, #tpu.memory_space<vmem>>, %arg9: memref<2000x128xf32, #tpu.memory_space<vmem>>) attributes {dimension_semantics = [#tpu.dimension_semantics<arbitrary>], iteration_bounds = array<i64: 5>, scalar_prefetch = 0 : i64, scratch_operands = 0 : i64, tpu.core_type = #tpu.core_type<tc>, window_params = [{transform_indices = @transform_0, window_bounds = array<i64: 2, 2000, 64>}, {transform_indices = @transform_1, window_bounds = array<i64: 1, 2000, 64>}, {transform_indices = @transform_2, window_bounds = array<i64: 1, 2000, 64>}, {transform_indices = @transform_3, window_bounds = array<i64: 1, 2000, 16>}, {pipeline_mode = #tpu.pipeline_mode<synchronous>, transform_indices = @transform_4, window_bounds = array<i64: 128, 128>}, {pipeline_mode = #tpu.pipeline_mode<synchronous>, transform_indices = @transform_5, window_bounds = array<i64: 1, 128>}, {pipeline_mode = #tpu.pipeline_mode<synchronous>, transform_indices = @transform_6, window_bounds = array<i64: 128, 128>}, {pipeline_mode = #tpu.pipeline_mode<synchronous>, transform_indices = @transform_7, window_bounds = array<i64: 1, 128>}, {transform_indices = @transform_8, window_bounds = array<i64: 2000, 128>}]} {
    %get3A = arith.constant 0 : index
    %get3A_0 = arith.constant 0 : index
    %get3A_1 = arith.constant 0 : index
    %get3A_2 = vector.load %arg4[%get3A, %get3A_0, %get3A_1] : memref<1x2000x16xf32, #tpu.memory_space<vmem>>, vector<1x2000x16xf32>
    %get3A_3 = vector.shape_cast %get3A_2 : vector<1x2000x16xf32> to vector<2000x16xf32>
    %slice3A = vector.extract_strided_slice %get3A_3 {offsets = [0, 0], sizes = [2000, 1], strides = [1, 1]} : vector<2000x16xf32> to vector<2000x1xf32>
    %max3A = arith.constant 1.000000e+00 : f32
    %max3A_4 = vector.broadcast %max3A : f32 to vector<2000x1xf32>
    %max3A_5 = arith.maximumf %slice3A, %max3A_4 : vector<2000x1xf32>
    %div3A = arith.constant 1.000000e+00 : f32
    %div3A_6 = vector.broadcast %div3A : f32 to vector<2000x1xf32>
    %div3A_7 = arith.divf %div3A_6, %max3A_5 : vector<2000x1xf32>
    %get3A_8 = arith.constant 0 : index
    %get3A_9 = arith.constant 0 : index
    %get3A_10 = arith.constant 0 : index
    %get3A_11 = vector.load %arg1[%get3A_8, %get3A_9, %get3A_10] : memref<2x2000x64xf32, #tpu.memory_space<vmem>>, vector<1x2000x64xf32>
    %get3A_12 = vector.shape_cast %get3A_11 : vector<1x2000x64xf32> to vector<2000x64xf32>
    %get3A_13 = arith.constant 1 : index
    %get3A_14 = arith.constant 0 : index
    %get3A_15 = arith.constant 0 : index
    %get3A_16 = vector.load %arg1[%get3A_13, %get3A_14, %get3A_15] : memref<2x2000x64xf32, #tpu.memory_space<vmem>>, vector<1x2000x64xf32>
    %get3A_17 = vector.shape_cast %get3A_16 : vector<1x2000x64xf32> to vector<2000x64xf32>
    %concatenate3A = tpu.concatenate %get3A_12, %get3A_17 in 1 : vector<2000x64xf32>, vector<2000x64xf32> -> vector<2000x128xf32>
    %get3A_18 = arith.constant 0 : index
    %get3A_19 = arith.constant 0 : index
    %get3A_20 = arith.constant 0 : index
    %get3A_21 = vector.load %arg2[%get3A_18, %get3A_19, %get3A_20] : memref<1x2000x64xf32, #tpu.memory_space<vmem>>, vector<1x2000x64xf32>
    %get3A_22 = vector.shape_cast %get3A_21 : vector<1x2000x64xf32> to vector<2000x64xf32>
    %get3A_23 = arith.constant 0 : index
    %get3A_24 = arith.constant 0 : index
    %get3A_25 = arith.constant 0 : index
    %get3A_26 = vector.load %arg3[%get3A_23, %get3A_24, %get3A_25] : memref<1x2000x64xf32, #tpu.memory_space<vmem>>, vector<1x2000x64xf32>
    %get3A_27 = vector.shape_cast %get3A_26 : vector<1x2000x64xf32> to vector<2000x64xf32>
    %concatenate3A_28 = tpu.concatenate %get3A_22, %get3A_27 in 1 : vector<2000x64xf32>, vector<2000x64xf32> -> vector<2000x128xf32>
    %mul3A = vector.broadcast %div3A_7 : vector<2000x1xf32> to vector<2000x128xf32>
    %mul3A_29 = arith.mulf %concatenate3A_28, %mul3A : vector<2000x128xf32>
    %get3A_30 = arith.constant 0 : index
    %get3A_31 = arith.constant 0 : index
    %get3A_32 = vector.load %arg6[%get3A_30, %get3A_31] : memref<1x128xf32, #tpu.memory_space<vmem>>, vector<1x128xf32>
    %add3A = vector.broadcast %get3A_32 : vector<1x128xf32> to vector<2000x128xf32>
    %add3A_33 = arith.addf %concatenate3A, %add3A : vector<2000x128xf32>
    %get3A_34 = arith.constant 0 : index
    %get3A_35 = arith.constant 0 : index
    %get3A_36 = vector.load %arg5[%get3A_34, %get3A_35] : memref<128x128xf32, #tpu.memory_space<vmem>>, vector<128x128xf32>
    %dot_general3A = arith.constant dense<0.000000e+00> : vector<2000x128xf32>
    %dot_general3A_37 = tpu.matmul %mul3A_29, %get3A_36, %dot_general3A {dimension_numbers = #tpu.dot_dimension_numbers<[1], [0], [0], [1], [0, 0, 1, 1], [], []>, transpose_lhs_hint = false} : vector<2000x128xf32>, vector<128x128xf32>, vector<2000x128xf32> -> vector<2000x128xf32>
    %add3A_38 = arith.addf %add3A_33, %dot_general3A_37 : vector<2000x128xf32>
    %get3A_39 = arith.constant 0 : index
    %get3A_40 = arith.constant 0 : index
    %get3A_41 = vector.load %arg7[%get3A_39, %get3A_40] : memref<128x128xf32, #tpu.memory_space<vmem>>, vector<128x128xf32>
    %dot_general3A_42 = arith.constant dense<0.000000e+00> : vector<2000x128xf32>
    %dot_general3A_43 = tpu.matmul %add3A_38, %get3A_41, %dot_general3A_42 {dimension_numbers = #tpu.dot_dimension_numbers<[1], [0], [0], [1], [0, 0, 1, 1], [], []>, transpose_lhs_hint = false} : vector<2000x128xf32>, vector<128x128xf32>, vector<2000x128xf32> -> vector<2000x128xf32>
    %get3A_44 = arith.constant 0 : index
    %get3A_45 = arith.constant 0 : index
    %get3A_46 = vector.load %arg8[%get3A_44, %get3A_45] : memref<1x128xf32, #tpu.memory_space<vmem>>, vector<1x128xf32>
    %add3A_47 = vector.broadcast %get3A_46 : vector<1x128xf32> to vector<2000x128xf32>
    %add3A_48 = arith.addf %dot_general3A_43, %add3A_47 : vector<2000x128xf32>
    %swap3A = arith.constant 0 : index
    %swap3A_49 = arith.constant 0 : index
    %swap3A_50 = vector.load %arg9[%swap3A, %swap3A_49] : memref<2000x128xf32, #tpu.memory_space<vmem>>, vector<2000x128xf32>
    tpu.vector_store %arg9[%swap3A, %swap3A_49], %add3A_48 {strides = array<i32>} : memref<2000x128xf32, #tpu.memory_space<vmem>>, vector<2000x128xf32>,
    return
  }
  func.func @transform_0(%arg0: i32) -> (i32, i32, i32) {
    %c0_i32 = arith.constant 0 : i32
    %c0_i32_0 = arith.constant 0 : i32
    %c0_i32_1 = arith.constant 0 : i32
    return %c0_i32, %arg0, %c0_i32_0 : i32, i32, i32
  }
  func.func @transform_1(%arg0: i32) -> (i32, i32, i32) {
    %c0_i32 = arith.constant 0 : i32
    %c0_i32_0 = arith.constant 0 : i32
    %c0_i32_1 = arith.constant 0 : i32
    return %c0_i32, %arg0, %c0_i32_0 : i32, i32, i32
  }
  func.func @transform_2(%arg0: i32) -> (i32, i32, i32) {
    %c1_i32 = arith.constant 1 : i32
    %c0_i32 = arith.constant 0 : i32
    %c0_i32_0 = arith.constant 0 : i32
    return %c1_i32, %arg0, %c0_i32 : i32, i32, i32
  }
  func.func @transform_3(%arg0: i32) -> (i32, i32, i32) {
    %c0_i32 = arith.constant 0 : i32
    %c0_i32_0 = arith.constant 0 : i32
    %c0_i32_1 = arith.constant 0 : i32
    return %c0_i32, %arg0, %c0_i32_0 : i32, i32, i32
  }
  func.func @transform_4(%arg0: i32) -> (i32, i32) {
    %c0_i32 = arith.constant 0 : i32
    %c0_i32_0 = arith.constant 0 : i32
    %c0_i32_1 = arith.constant 0 : i32
    return %c0_i32, %c0_i32_0 : i32, i32
  }
  func.func @transform_5(%arg0: i32) -> (i32, i32) {
    %c0_i32 = arith.constant 0 : i32
    %c0_i32_0 = arith.constant 0 : i32
    %c0_i32_1 = arith.constant 0 : i32
    return %c0_i32, %c0_i32_0 : i32, i32
  }
  func.func @transform_6(%arg0: i32) -> (i32, i32) {
    %c0_i32 = arith.constant 0 : i32
    %c0_i32_0 = arith.constant 0 : i32
    %c0_i32_1 = arith.constant 0 : i32
    return %c0_i32, %c0_i32_0 : i32, i32
  }
  func.func @transform_7(%arg0: i32) -> (i32, i32) {
    %c0_i32 = arith.constant 0 : i32
    %c0_i32_0 = arith.constant 0 : i32
    %c0_i32_1 = arith.constant 0 : i32
    return %c0_i32, %c0_i32_0 : i32, i32
  }
  func.func @transform_8(%arg0: i32) -> (i32, i32) {
    %c0_i32 = arith.constant 0 : i32
    %c0_i32_0 = arith.constant 0 : i32
    return %arg0, %c0_i32 : i32, i32
  }
}

</mosaic_0001>

<sc_bundles>
// kernel: kernel.12.cloned.1.call-start
scs
__scs_entry_jumppad:
0x0: {  	(pc) =	sbr.rel $0x88, $3  }
0x1: {  	(tag) =	ssettag $0x0;
	lr =	simm.s32 $0x1  }
0x2: {  	[smem:$0x3F92] =	sst lr;
	_ =	strace $0xD0000000  }
0x3: {  	_ = 	snop  }
0x4: {  	_ = 	snop  }
0x5: {  	_ = 	snop  }
0x6: {  	_ = 	snop  }
0x7: {  	_ = 	snop  }
__scs_overlays_trampoline_lowered:
0x8: {  	[smem:$0x3FA1] =	sst s0  }
0x9: {  	[smem:$0x3FA2] =	sst s1  }
0xa: {  	[smem:$0x3FA3] =	sst s2  }
0xb: {  	[smem:$0x3FA4] =	sst s3  }
0xc: {  	[smem:$0x3FA5] =	sst s4  }
0xd: {  	[smem:$0x3FA6] =	sst s5  }
0xe: {  	[smem:$0x3FA7] =	sst s6  }
0xf: {  	[smem:$0x3FA8] =	sst s7  }
0x10: {  	[smem:$0x3FA9] =	sst s8  }
0x11: {  	[smem:$0x3FAA] =	sst s9;
	s0 =	simm.s32 @!p0 $0x0  }
0x12: {  	s1 =	sld [smem:$0x3F90];
	s0 =	simm.s32 @p0 $0x1  }
0x13: {  	[smem:$0x3FAB] =	sst s0;
	s0 =	simm.s32 @!p1 $0x0  }
0x14: {  	s2 =	sld [smem:$0x3F8F];
	s0 =	simm.s32 @p1 $0x1  }
0x15: {  	[smem:$0x3FAC] =	sst s0;
	s0 =	simm.s32 @!p2 $0x0  }
0x16: {  	s3 =	sld [smem:$0x3FDB];
	s0 =	simm.s32 @p2 $0x1  }
0x17: {  	s4 =	simm.s32 $0x1BF5;
	[smem:$0x3FAE] =	sst s0  }
0x18: {  	s0 =	sld [smem:$0x3F91];
	_ =	swait.ge [sflag:s4], $0x0  }
0x19: {  	s7 =	sld [smem:$0x3F92]  }
0x1a: {  	s8 =	sadd.s32 $0xFFFFE003, lr  }
0x1b: {  	s9 =	sadd.s32 $0xFFFFFEF7, lr;
	s5 =	simm.s32 $0xFFFFFFFF;
	p2 =	slt.u32 s8, $0xFFFFF086  }
0x1c: {  	p1 =	slt.u32 s9, $0xF7A;
	s5 =	simm.s32 @!p2 $0x0  }
0x1d: {  	s5 =	simm.s32 @p1 $0x1;
	p0 =	seq.s32 s7, s2  }
0x1e: {  	s7 =	smul.u32 @!p0 $0xF7A, s2;
	p2 =	seq.s32 @!p0 s5, $0x0  }
0x1f: {  	s9 =	smul.u32 $0xF7A, s1;
	s8 =	simm.s32 @!p0 $0x1BF5;
	p2 =	por !p2, p0  }
0x20: {  	[sflag:s8] =	ssyncset.s32 @!p0 $0xFFFFF086;
	s6 =	sadd.s32 @!p0 s3, s7;
	s7 =	simm.s32 @!p0 $0x108  }
0x21: {  	s3 =	sadd.s32 s3, s9;
	s6 =	sadd.s32 @!p0 $0x88, s6;
	s7 =	simm.s32 @p2 $0x1082  }
0x22: {  	[simem:s7], [sflag:s8] =	dma.local @!p0 [hbm:s6], $0xF7A  }
0x23: {  	s9 =	sor.u32 $0xD0000000, s2;
	s6 =	simm.s32 $0x108;
	_ =	swait.ge @!p0 [sflag:s8], $0x0  }
0x24: {  	s3 =	sadd.s32 $0x88, s3;
	s6 =	simm.s32 @!p1 $0x1082;
	[sflag:s4] =	ssyncset.s32 $0xFFFFF086  }
0x25: {  	[simem:s6], [sflag:s4] =	dma.local [hbm:s3], $0xF7A  }
0x26: {  	[smem:$0x3F92] =	sst s1;
	(tag) =	ssettag s2;
	_ =	strace s9  }
0x27: {  	s1 =	sld [smem:$0x3FA2]  }
0x28: {  	s2 =	sld [smem:$0x3FA3]  }
0x29: {  	s4 =	sld [smem:$0x3FA5]  }
0x2a: {  	p0 =	seq.s32 s5, $0x0;
	s5 =	sld [smem:$0x3FA6]  }
0x2b: {  	s6 =	sld [smem:$0x3FA7]  }
0x2c: {  	s7 =	sld [smem:$0x3FA8]  }
0x2d: {  	s3 =	simm.s32 $0x108;
	s8 =	sld [smem:$0x3FA9]  }
0x2e: {  	s3 =	simm.s32 @!p0 $0x1082;
	s9 =	sld [smem:$0x3FAA]  }
0x2f: {  	lr =	sadd.s32 s0, s3;
	s0 =	sld [smem:$0x3FA1]  }
0x30: {  	s3 =	sld [smem:$0x3FA4]  }
0x31: {  	[smem:$0x3FAD] =	sst s10  }
0x32: {  	s10 =	sld [smem:$0x3FAB];
	_ =	sdelay $0x3  }
0x33: {  	p0 =	seq.s32 s10, $0x1;
	s10 =	sld [smem:$0x3FAD];
	_ =	sdelay $0x3  }
0x34: {  	[smem:$0x3FAD] =	sst s10  }
0x35: {  	s10 =	sld [smem:$0x3FAC];
	_ =	sdelay $0x3  }
0x36: {  	p1 =	seq.s32 s10, $0x1;
	s10 =	sld [smem:$0x3FAD];
	_ =	sdelay $0x3  }
0x37: {  	[smem:$0x3FAD] =	sst s10  }
0x38: {  	s10 =	sld [smem:$0x3FAE]  }
0x39: {  	_ = 	snop;
	(pc) =	sbr.ind lr, $3  }
0x3a: {  	_ = 	snop  }
0x3b: {  	_ = 	snop  }
0x3c: {  	p2 =	seq.s32 s10, $0x1;
	s10 =	sld [smem:$0x3FAD]  }
0x3d: {  	_ =	shalt  }
0x3e: {  	_ =	shalt  }
0x3f: {  	_ =	shalt  }
0x40: {  	_ =	shalt  }
0x41: {  	_ =	shalt  }
0x42: {  	_ =	shalt  }
0x43: {  	_ =	shalt  }
0x44: {  	_ =	shalt  }
0x45: {  	_ =	shalt  }
0x46: {  	_ =	shalt  }
0x47: {  	_ =	shalt  }
0x48: {  	_ =	shalt  }
0x49: {  	_ =	shalt  }
0x4a: {  	_ =	shalt  }
0x4b: {  	_ =	shalt  }
0x4c: {  	_ =	shalt  }
0x4d: {  	_ =	shalt  }
0x4e: {  	_ =	shalt  }
0x4f: {  	_ =	shalt  }
0x50: {  	_ =	shalt  }
0x51: {  	_ =	shalt  }
0x52: {  	_ =	shalt  }
0x53: {  	_ =	shalt  }
0x54: {  	_ =	shalt  }
0x55: {  	_ =	shalt  }
0x56: {  	_ =	shalt  }
0x57: {  	_ =	shalt  }
0x58: {  	_ =	shalt  }
0x59: {  	_ =	shalt  }
0x5a: {  	_ =	shalt  }
0x5b: {  	_ =	shalt  }
0x5c: {  	_ =	shalt  }
0x5d: {  	_ =	shalt  }
0x5e: {  	_ =	shalt  }
0x5f: {  	_ =	shalt  }
0x60: {  	_ =	shalt  }
0x61: {  	_ =	shalt  }
0x62: {  	_ =	shalt  }
0x63: {  	_ =	shalt  }
0x64: {  	_ =	shalt  }
0x65: {  	_ =	shalt  }
0x66: {  	_ =	shalt  }
0x67: {  	_ =	shalt  }
0x68: {  	_ =	shalt  }
0x69: {  	_ =	shalt  }
0x6a: {  	_ =	shalt  }
0x6b: {  	_ =	shalt  }
0x6c: {  	_ =	shalt  }
0x6d: {  	_ =	shalt  }
0x6e: {  	_ =	shalt  }
0x6f: {  	_ =	shalt  }
0x70: {  	_ =	shalt  }
0x71: {  	_ =	shalt  }
0x72: {  	_ =	shalt  }
0x73: {  	_ =	shalt  }
0x74: {  	_ =	shalt  }
0x75: {  	_ =	shalt  }
0x76: {  	_ =	shalt  }
0x77: {  	_ =	shalt  }
0x78: {  	_ =	shalt  }
0x79: {  	_ =	shalt  }
0x7a: {  	_ =	shalt  }
0x7b: {  	_ =	shalt  }
0x7c: {  	_ =	shalt  }
0x7d: {  	_ =	shalt  }
0x7e: {  	_ =	shalt  }
0x7f: {  	_ =	shalt  }
0x80: {  	_ =	shalt  }
0x81: {  	_ =	shalt  }
0x82: {  	_ =	shalt  }
0x83: {  	_ =	shalt  }
0x84: {  	_ =	shalt  }
0x85: {  	_ =	shalt  }
0x86: {  	_ =	shalt  }
0x87: {  	_ =	shalt  }
.Lfunc_end0:
.L_simem_size_0:
called_computation_lowered:
.L_overlay_start_0:
0x88: {  	s2 =	sld [smem:$0x3FD9]  }
0x89: {  	s3 =	sld [smem:$0x3FFE];
	_ =	sdelay $0x1  }
0x8a: {  	s1 =	srdreg.scid  }
0x8b: {  	s0 =	sand.u32 $0x1, s1  }
0x8c: {  	s17 =	sshll.u32 s0, $0xA;
	s2 =	sadd.s32 s3, s2  }
0x8d: {  	s2 =	sadd.s32 s2, s17  }
0x8e: {  	[smem:$0x3FB9] =	sst s2  }
0x8f: {  	_ = 	snop  }
0x90: {  	s18 =	sld [smem:$0x3FD0];
	(tm) =	ssettm $0x1  }
0x91: {  	s19 =	sld [smem:$0x3FFB];
	_ =	sdelay $0x3  }
0x92: {  	_ =	strace s19  }
0x93: {  	s2 =	sld [smem:$0x3FFC];
	_ =	sdelay $0x3  }
0x94: {  	_ =	strace s2  }
0x95: {  	s2 =	sld [smem:$0x3FFD];
	_ =	sdelay $0x3  }
0x96: {  	_ =	strace s2  }
0x97: {  	_ =	strace $0x8FFFFFFF  }
0x98: {  	s20 =	sld [smem:$0x3FDB];
	_ =	sdelay $0x1  }
0x99: {  	s4 =	simm.s32 $_scs_section_size  }
0x9a: {  	s5 =	simm.s32 $_size__tile_overlayer_lowered;
	s6 =	simm.s32 $_tile_overlayer_lowered  }
0x9b: {  	s7 =	simm.s32 $0x1BFF;
	s21 =	sshll.u32 s6, $0x1;
	s4 =	sadd.s32 s4, s20  }
0x9c: {  	s22 =	simm.s32 $0x0;
	s5 =	sshll.u32 s5, $0x1;
	s6 =	sadd.s32 s21, s4  }
0x9d: {  	[timem:s22], [sflag:s7] =	dma.local [hbm:s6], s5  }
0x9e: {  	_ =	swait.ge [sflag:s7], s5  }
0x9f: {  	s5 =	ssub.s32 $0x0, s5;
	[sflag:s7] =	ssyncset.done $0x0  }
0xa0: {  	[sflag:s7] =	ssyncadd.s32 s5;
	_ =	sdelay $0x1  }
0xa1: {  	s23 =	simm.s32 $0x1B8B  }
0xa2: {  	_ =	swait.ge [sflag:s23], $0x1  }
0xa3: {  	[sflag:s23] =	ssyncset.done $0x0  }
0xa4: {  	[sflag:s23] =	ssyncadd.s32 $0xFFFFFFFF  }
0xa5: {  	s5 =	sld [smem:$0x0]  }
0xa6: {  	s6 =	sand.u32 $0xFFFFFFFE, s1  }
0xa7: {  	p0 =	sne.s32 s1, s6  }
0xa8: {  	s6 =	sshll.u32 @p0 s6, $0xE  }
0xa9: {  	s6 =	sadd.s32 @p0 $0x11B8D, s6;
	s7 =	sshll.u32 @p0 s5, $0x11  }
0xaa: {  	s6 =	sor.u32 @p0 s7, s6  }
0xab: {  	[sflag:s6] =	ssyncadd.remote.s32 @p0 $0x1;
	_ =	sdelay $0x1  }
0xac: {  	s6 =	simm.s32 @p0 $0x1B8D  }
0xad: {  	_ =	swait.eq @p0 [sflag:s6], $0x1  }
0xae: {  	[sflag:s6] =	ssyncadd.s32 @p0 $0xFFFFFFFF  }
0xaf: {  	s7 =	sshll.u32 @!p0 s1, $0xE  }
0xb0: {  	s7 =	sor.u32 @!p0 $0x4000, s7;
	s6 =	simm.s32 @!p0 $0x1B8D  }
0xb1: {  	s5 =	sshll.u32 @!p0 s5, $0x11;
	s7 =	sadd.s32 @!p0 $0x11B8D, s7;
	_ =	swait.eq @!p0 [sflag:s6], $0x1  }
0xb2: {  	s5 =	sor.u32 @!p0 s5, s7;
	[sflag:s6] =	ssyncadd.s32 @!p0 $0xFFFFFFFF  }
0xb3: {  	s25 =	simm.s32 $0x1B8E;
	s24 =	sld [smem:$0x3FFE];
	[sflag:s5] =	ssyncadd.remote.s32 @!p0 $0x1  }
0xb4: {  	s26 =	simm.s32 $execute0_lowered;
	[smem:$0x3FD2] =	sst s25  }
0xb5: {  	s6 =	sshll.u32 s26, $0x1;
	_ =	strace $0x80000049;
	[dreg:$0x1] =	wrdreg $0xFFFFFFFF  }
0xb6: {  	s28 =	simm.s32 $_size_execute0_lowered;
	s4 =	sadd.s32 s4, s6;
	[dreg:$0x0] =	wrdreg $0x0  }
0xb7: {  	s6 =	sshll.u32 s28, $0x1;
	[dreg:$0x2] =	wrdreg s4  }
0xb8: {  	[dreg:$0x3] =	wrdreg s6  }
0xb9: {  	[dreg:$0x4] =	wrdreg $0xC0  }
0xba: {  	_ =	task [dreg:s22], $0x5FFFF  }
0xbb: {  	[dreg:$0x1] =	wrdreg $0xFFFFFFFF  }
0xbc: {  	[dreg:$0x0] =	wrdreg $0x60  }
0xbd: {  	[dreg:$0x2] =	wrdreg s24  }
0xbe: {  	[dreg:$0x3] =	wrdreg s18  }
0xbf: {  	[dreg:$0x4] =	wrdreg $0x56800  }
0xc0: {  	[dreg:$0x5] =	wrdreg $0x9  }
0xc1: {  	_ =	task.clear_ibuf [dreg:s22], $0x6FFFF;
	_ =	strace $0x90000049  }
0xc2: {  	s29 =	simm.s32 $0x9;
	_ =	strace $0x8000004B  }
0xc3: {  	_ =	swait.ge [sflag:s29], $0x1  }
0xc4: {  	[sflag:s29] =	ssyncadd.s32 $0xFFFFFFFF  }
0xc5: {  	_ =	strace $0x9000004B  }
0xc6: {  	_ =	sfence  }
0xc7: {  	s30 =	sld [smem:$0x0];
	_ =	sdelay $0x2  }
0xc8: {  	s31 =	sshll.u32 s1, $0xD;
	s1 =	sshrl.u32 s1, $0x2  }
0xc9: {  	s4 =	sand.u32 $0x4000, s31;
	s1 =	sadd.s32 s1, s30  }
0xca: {  	s0 =	sor.u32 s4, s0;
	s1 =	sshll.u32 s1, $0x11  }
0xcb: {  	s0 =	sor.u32 s1, s0  }
0xcc: {  	s0 =	sadd.s32 $0x8F2B, s0  }
0xcd: {  	[sflag:s0] =	ssyncadd.remote.s32 $0x1  }
0xce: {  	_ =	sfence.sel $0xFFFF  }
0xcf: {  	[dreg:$0x0] =	wrdreg $0xFFFFFFFF;
	(pc) =	sbr.abs _section_cstart, $3  }
0xd0: {  	[dreg:$0x1] =	wrdreg $0xFFFFFFFF  }
0xd1: {  	_ =	task.clear_ibuf [dreg:s22], $0x2FFFF;
	_ =	strace $0x9FFFFFFF  }
0xd2: {  	(tm) =	ssettm $0x7FFFFFFF  }
0xd3: {  	_ =	shalt  }
tec
execute0_lowered:
.L_overlay_start_1:
0x0: {  	(tag) =	ssettag $0x1  }
0x1: {  	s5 =	rddreg [dreg:$0x0]  }
0x2: {  	s8 =	rddreg [dreg:$0x1]  }
0x3: {  	s2 =	rddreg [dreg:$0x2]  }
0x4: {  	s0 =	rddreg [dreg:$0x3];
	s1 =	stileid.u32  }
0x5: {  	s3 =	simm.s32 $0x0;
	s6 =	srdreg.scid;
	s13 =	simm.s32 $0x80  }
0x6: {  	s14 =	simm.s32 $0x0;
	s4 =	smul.u32 $0x9D0, s1;
	[smem:$0x7FF] =	sst s3  }
0x7: {  	s6 =	sand.u32 $0x1, s6;
	s7 =	smul.u32 $0x2780, s1;
	s31 =	sshll.u32 s1, $0x6  }
0x8: {  	_ =	strace $0x8000004A;
	s9 =	ssub.s32 $0x2, s6;
	s6 =	smul.u32 $0x27800, s6  }
0x9: {  	s10 =	sadd.s32 s4, s5;
	s4 =	sadd.s32 $0x293000, s5;
	s11 =	sshrl.u32 s9, $0x1  }
0xa: {  	s5 =	sadd.s32 $0x293600, s5;
	s30 =	sadd.s32 s7, s2;
	s9 =	ssub.s32 s9, s11  }
0xb: {  	s6 =	sadd.s32 s7, s6;
	s7 =	sadd.s32 $0x260600, s10;
	s10 =	sshrl.u32 s30, $0x3  }
0xc: {  	s11 =	simm.s32 $0x1;
	s12 =	sshrl.u32 s6, $0x3;
	s6 =	sor.u32 $0x1C01, s31  }
0xd: {  	s9 =	smax.u32 s9, $0x1;
	s8 =	sadd.s32 s8, s12;
	s12 =	simm.s32 $0x4E80  }
.LBB2_1:
0xe: {  	[spmem:s10], [sflag:s6] =	dma.local [hbm:s4], $0x4F0  }
0xf: {  	_ =	swait.ge [sflag:s11], $0x4F0  }
0x10: {  	[sflag:s11] =	ssyncset.done $0x0  }
0x11: {  	[sflag:s11] =	ssyncadd.s32 $0xFFFFFB10  }
0x12: {  	[tilespmem:s12], [sflag:$0x1] =	stream.linear.gather [hbm4b:s5+s3], $0x800, $0x38;
	[tilespmem:$0x7E00] =	vst v63  }
0x13: {  	_ =	swait.ge [sflag:s11], $0x800  }
0x14: {  	[sflag:s11] =	ssyncset.done $0x0  }
0x15: {  	[sflag:s11] =	ssyncadd.s32 $0xFFFFF800  }
0x16: {  	[tilespmem:s3], [sflag:$0x1] =	stream.linear.gather [hbm4b:s7+s3], $0x4E80, $0x38;
	[tilespmem:$0x7E00] =	vst v63  }
0x17: {  	_ =	swait.ge [sflag:s11], $0x4E80  }
0x18: {  	[sflag:s11] =	ssyncset.done $0x0  }
0x19: {  	[sflag:s11] =	ssyncadd.s32 $0xFFFFB180  }
0x1a: {  	s15 =	simm.s32 $0x0;
	[bflag:$0x0] =	sbarrier.arrive $0xFFFF  }
0x1b: {  	[spmem:s2] =	stream.indirect.scatter.add.f32 [tilespmem:s12], [sflag:$0x1], $0x10, s15, s13, $0xb8;
	[tilespmem:$0x7E00] =	vst v63  }
0x1c: {  	_ =	swait.ge [sflag:s11], $0x800  }
0x1d: {  	s15 =	simm.s32 $0x200;
	[sflag:s11] =	ssyncset.done $0x0  }
.LBB2_2:
0x1e: {  	s16 =	sshra.s32 s15, $0x2;
	[sflag:s11] =	ssyncadd.s32 $0xFFFFF800;
	p0 =	sne.s32 s15, $0x13800  }
0x1f: {  	[spmem:s2] =	stream.indirect.scatter.add.f32 [tilespmem:s12], [sflag:$0x1], $0x10, s16, s13, $0xb8;
	[tilespmem:$0x7E00] =	vst v63  }
.Ltmp0:
0x20: {  	_ = 	snop;
	(pc) =	sbr.rel @p0 .LBB2_2-.Ltmp0, $4  }
0x21: {  	_ = 	snop  }
0x22: {  	s15 =	sadd.s32 $0x200, s15  }
0x23: {  	_ =	swait.ge [sflag:s11], $0x800  }
0x24: {  	[sflag:s11] =	ssyncset.done $0x0  }
0x25: {  	s14 =	sadd.s32 $0x1, s14  }
0x26: {  	[sflag:s11] =	ssyncadd.s32 $0xFFFFF800;
	p0 =	sne.s32 s14, s9  }
.Ltmp1:
0x27: {  	[bflag:$0x0] =	sbarrier.arrive $0xFFFF;
	(pc) =	sbr.rel @p0 .LBB2_1-.Ltmp1, $4  }
0x28: {  	[hbm:s8], [sflag:s6] =	dma.local [spmem:s10], $0x4F0  }
0x29: {  	_ =	swait.ge [sflag:s11], $0x4F0  }
0x2a: {  	[sflag:s11] =	ssyncset.done $0x0  }
0x2b: {  	[sflag:s11] =	ssyncadd.s32 $0xFFFFFB10  }
0x2c: {  	_ =	sfence.sel $0x180000  }
0x2d: {  	[bflag:$0x0] =	sbarrier.arrive $0xFFFF  }
0x2e: {  	p0 =	sne.s32 s1, $0x0;
	_ =	strace $0x9000004A  }
0x2f: {  	s0 =	sadd.s32 @!p0 $0x100000, s0;
	[bflag:$0x2] =	sbarrier.arrive $0xFFFF  }
0x30: {  	[sflag:s0] =	ssyncadd.tile.s32 @!p0 $0x1;
	_ =	shalt  }
.Lfunc_end2:
_tile_overlayer_lowered:
.L_overlay_start_2:
0x31: {  	(tag) =	ssettag $0x2  }
0x32: {  	s0 =	rddreg [dreg:$0x0];
	s2 =	stileid.u32  }
0x33: {  	s1 =	rddreg [dreg:$0x1];
	p0 =	sne.s32 s2, $0x0  }
0x34: {  	s3 =	rddreg [dreg:$0x2];
	[bflag:$0x3] =	sbarrier.arrive $0xFFFF;
	s2 =	simm.s32 @!p0 $0x1C01  }
0x35: {  	[timem:s3], [sflag:s2] =	dma.local @!p0 [hbm:s0], s1  }
0x36: {  	s0 =	simm.s32 @!p0 $0x1  }
0x37: {  	_ =	swait.ge @!p0 [sflag:s0], s1  }
0x38: {  	s1 =	ssub.s32 @!p0 $0x0, s1;
	[sflag:s0] =	ssyncset.done @!p0 $0x0  }
0x39: {  	[sflag:s0] =	ssyncadd.s32 @!p0 s1  }
0x3a: {  	[bflag:$0x3] =	sbarrier.arrive $0xFFFF  }
0x3b: {  	_ =	shalt  }

// kernel: kernel.15.cloned.1.call-start
scs
__scs_entry_jumppad:
0x0: {  	(pc) =	sbr.rel $0x88, $3  }
0x1: {  	(tag) =	ssettag $0x0;
	lr =	simm.s32 $0x1  }
0x2: {  	[smem:$0x3F92] =	sst lr;
	_ =	strace $0xD0000000  }
0x3: {  	_ = 	snop  }
0x4: {  	_ = 	snop  }
0x5: {  	_ = 	snop  }
0x6: {  	_ = 	snop  }
0x7: {  	_ = 	snop  }
__scs_overlays_trampoline_lowered:
0x8: {  	[smem:$0x3FA1] =	sst s0  }
0x9: {  	[smem:$0x3FA2] =	sst s1  }
0xa: {  	[smem:$0x3FA3] =	sst s2  }
0xb: {  	[smem:$0x3FA4] =	sst s3  }
0xc: {  	[smem:$0x3FA5] =	sst s4  }
0xd: {  	[smem:$0x3FA6] =	sst s5  }
0xe: {  	[smem:$0x3FA7] =	sst s6  }
0xf: {  	[smem:$0x3FA8] =	sst s7  }
0x10: {  	[smem:$0x3FA9] =	sst s8  }
0x11: {  	[smem:$0x3FAA] =	sst s9;
	s0 =	simm.s32 @!p0 $0x0  }
0x12: {  	s1 =	sld [smem:$0x3F90];
	s0 =	simm.s32 @p0 $0x1  }
0x13: {  	[smem:$0x3FAB] =	sst s0;
	s0 =	simm.s32 @!p1 $0x0  }
0x14: {  	s2 =	sld [smem:$0x3F8F];
	s0 =	simm.s32 @p1 $0x1  }
0x15: {  	[smem:$0x3FAC] =	sst s0;
	s0 =	simm.s32 @!p2 $0x0  }
0x16: {  	s3 =	sld [smem:$0x3FDB];
	s0 =	simm.s32 @p2 $0x1  }
0x17: {  	s4 =	simm.s32 $0x1BF5;
	[smem:$0x3FAE] =	sst s0  }
0x18: {  	s0 =	sld [smem:$0x3F91];
	_ =	swait.ge [sflag:s4], $0x0  }
0x19: {  	s7 =	sld [smem:$0x3F92]  }
0x1a: {  	s8 =	sadd.s32 $0xFFFFE003, lr  }
0x1b: {  	s9 =	sadd.s32 $0xFFFFFEF7, lr;
	s5 =	simm.s32 $0xFFFFFFFF;
	p2 =	slt.u32 s8, $0xFFFFF086  }
0x1c: {  	p1 =	slt.u32 s9, $0xF7A;
	s5 =	simm.s32 @!p2 $0x0  }
0x1d: {  	s5 =	simm.s32 @p1 $0x1;
	p0 =	seq.s32 s7, s2  }
0x1e: {  	s7 =	smul.u32 @!p0 $0xF7A, s2;
	p2 =	seq.s32 @!p0 s5, $0x0  }
0x1f: {  	s9 =	smul.u32 $0xF7A, s1;
	s8 =	simm.s32 @!p0 $0x1BF5;
	p2 =	por !p2, p0  }
0x20: {  	[sflag:s8] =	ssyncset.s32 @!p0 $0xFFFFF086;
	s6 =	sadd.s32 @!p0 s3, s7;
	s7 =	simm.s32 @!p0 $0x108  }
0x21: {  	s3 =	sadd.s32 s3, s9;
	s6 =	sadd.s32 @!p0 $0x88, s6;
	s7 =	simm.s32 @p2 $0x1082  }
0x22: {  	[simem:s7], [sflag:s8] =	dma.local @!p0 [hbm:s6], $0xF7A  }
0x23: {  	s9 =	sor.u32 $0xD0000000, s2;
	s6 =	simm.s32 $0x108;
	_ =	swait.ge @!p0 [sflag:s8], $0x0  }
0x24: {  	s3 =	sadd.s32 $0x88, s3;
	s6 =	simm.s32 @!p1 $0x1082;
	[sflag:s4] =	ssyncset.s32 $0xFFFFF086  }
0x25: {  	[simem:s6], [sflag:s4] =	dma.local [hbm:s3], $0xF7A  }
0x26: {  	[smem:$0x3F92] =	sst s1;
	(tag) =	ssettag s2;
	_ =	strace s9  }
0x27: {  	s1 =	sld [smem:$0x3FA2]  }
0x28: {  	s2 =	sld [smem:$0x3FA3]  }
0x29: {  	s4 =	sld [smem:$0x3FA5]  }
0x2a: {  	p0 =	seq.s32 s5, $0x0;
	s5 =	sld [smem:$0x3FA6]  }
0x2b: {  	s6 =	sld [smem:$0x3FA7]  }
0x2c: {  	s7 =	sld [smem:$0x3FA8]  }
0x2d: {  	s3 =	simm.s32 $0x108;
	s8 =	sld [smem:$0x3FA9]  }
0x2e: {  	s3 =	simm.s32 @!p0 $0x1082;
	s9 =	sld [smem:$0x3FAA]  }
0x2f: {  	lr =	sadd.s32 s0, s3;
	s0 =	sld [smem:$0x3FA1]  }
0x30: {  	s3 =	sld [smem:$0x3FA4]  }
0x31: {  	[smem:$0x3FAD] =	sst s10  }
0x32: {  	s10 =	sld [smem:$0x3FAB];
	_ =	sdelay $0x3  }
0x33: {  	p0 =	seq.s32 s10, $0x1;
	s10 =	sld [smem:$0x3FAD];
	_ =	sdelay $0x3  }
0x34: {  	[smem:$0x3FAD] =	sst s10  }
0x35: {  	s10 =	sld [smem:$0x3FAC];
	_ =	sdelay $0x3  }
0x36: {  	p1 =	seq.s32 s10, $0x1;
	s10 =	sld [smem:$0x3FAD];
	_ =	sdelay $0x3  }
0x37: {  	[smem:$0x3FAD] =	sst s10  }
0x38: {  	s10 =	sld [smem:$0x3FAE]  }
0x39: {  	_ = 	snop;
	(pc) =	sbr.ind lr, $3  }
0x3a: {  	_ = 	snop  }
0x3b: {  	_ = 	snop  }
0x3c: {  	p2 =	seq.s32 s10, $0x1;
	s10 =	sld [smem:$0x3FAD]  }
0x3d: {  	_ =	shalt  }
0x3e: {  	_ =	shalt  }
0x3f: {  	_ =	shalt  }
0x40: {  	_ =	shalt  }
0x41: {  	_ =	shalt  }
0x42: {  	_ =	shalt  }
0x43: {  	_ =	shalt  }
0x44: {  	_ =	shalt  }
0x45: {  	_ =	shalt  }
0x46: {  	_ =	shalt  }
0x47: {  	_ =	shalt  }
0x48: {  	_ =	shalt  }
0x49: {  	_ =	shalt  }
0x4a: {  	_ =	shalt  }
0x4b: {  	_ =	shalt  }
0x4c: {  	_ =	shalt  }
0x4d: {  	_ =	shalt  }
0x4e: {  	_ =	shalt  }
0x4f: {  	_ =	shalt  }
0x50: {  	_ =	shalt  }
0x51: {  	_ =	shalt  }
0x52: {  	_ =	shalt  }
0x53: {  	_ =	shalt  }
0x54: {  	_ =	shalt  }
0x55: {  	_ =	shalt  }
0x56: {  	_ =	shalt  }
0x57: {  	_ =	shalt  }
0x58: {  	_ =	shalt  }
0x59: {  	_ =	shalt  }
0x5a: {  	_ =	shalt  }
0x5b: {  	_ =	shalt  }
0x5c: {  	_ =	shalt  }
0x5d: {  	_ =	shalt  }
0x5e: {  	_ =	shalt  }
0x5f: {  	_ =	shalt  }
0x60: {  	_ =	shalt  }
0x61: {  	_ =	shalt  }
0x62: {  	_ =	shalt  }
0x63: {  	_ =	shalt  }
0x64: {  	_ =	shalt  }
0x65: {  	_ =	shalt  }
0x66: {  	_ =	shalt  }
0x67: {  	_ =	shalt  }
0x68: {  	_ =	shalt  }
0x69: {  	_ =	shalt  }
0x6a: {  	_ =	shalt  }
0x6b: {  	_ =	shalt  }
0x6c: {  	_ =	shalt  }
0x6d: {  	_ =	shalt  }
0x6e: {  	_ =	shalt  }
0x6f: {  	_ =	shalt  }
0x70: {  	_ =	shalt  }
0x71: {  	_ =	shalt  }
0x72: {  	_ =	shalt  }
0x73: {  	_ =	shalt  }
0x74: {  	_ =	shalt  }
0x75: {  	_ =	shalt  }
0x76: {  	_ =	shalt  }
0x77: {  	_ =	shalt  }
0x78: {  	_ =	shalt  }
0x79: {  	_ =	shalt  }
0x7a: {  	_ =	shalt  }
0x7b: {  	_ =	shalt  }
0x7c: {  	_ =	shalt  }
0x7d: {  	_ =	shalt  }
0x7e: {  	_ =	shalt  }
0x7f: {  	_ =	shalt  }
0x80: {  	_ =	shalt  }
0x81: {  	_ =	shalt  }
0x82: {  	_ =	shalt  }
0x83: {  	_ =	shalt  }
0x84: {  	_ =	shalt  }
0x85: {  	_ =	shalt  }
0x86: {  	_ =	shalt  }
0x87: {  	_ =	shalt  }
.Lfunc_end0:
.L_simem_size_0:
called_computation.1_lowered:
.L_overlay_start_0:
0x88: {  	s2 =	sld [smem:$0x3FD9]  }
0x89: {  	s3 =	sld [smem:$0x3FFE];
	_ =	sdelay $0x1  }
0x8a: {  	s1 =	srdreg.scid  }
0x8b: {  	s0 =	sand.u32 $0x1, s1  }
0x8c: {  	s16 =	sshll.u32 s0, $0xA;
	s2 =	sadd.s32 s3, s2  }
0x8d: {  	s2 =	sadd.s32 s2, s16  }
0x8e: {  	[smem:$0x3FB9] =	sst s2  }
0x8f: {  	_ = 	snop  }
0x90: {  	(tm) =	ssettm $0x1  }
0x91: {  	s17 =	sld [smem:$0x3FFB];
	_ =	sdelay $0x3  }
0x92: {  	_ =	strace s17  }
0x93: {  	s2 =	sld [smem:$0x3FFC];
	_ =	sdelay $0x3  }
0x94: {  	_ =	strace s2  }
0x95: {  	s2 =	sld [smem:$0x3FFD];
	_ =	sdelay $0x3  }
0x96: {  	_ =	strace s2  }
0x97: {  	_ =	strace $0x8FFFFFFF  }
0x98: {  	s18 =	sld [smem:$0x3FDB];
	_ =	sdelay $0x1  }
0x99: {  	s19 =	simm.s32 $_scs_section_size  }
0x9a: {  	s4 =	simm.s32 $_size__tile_overlayer_lowered;
	s5 =	simm.s32 $_tile_overlayer_lowered  }
0x9b: {  	s22 =	simm.s32 $0x1BFF;
	s21 =	sshll.u32 s5, $0x1;
	s2 =	sadd.s32 s19, s18  }
0x9c: {  	s6 =	simm.s32 $0x0;
	s20 =	sshll.u32 s4, $0x1;
	s4 =	sadd.s32 s21, s2  }
0x9d: {  	[timem:s6], [sflag:s22] =	dma.local [hbm:s4], s20  }
0x9e: {  	_ =	swait.ge [sflag:s22], s20  }
0x9f: {  	s3 =	ssub.s32 $0x0, s20;
	[sflag:s22] =	ssyncset.done $0x0  }
0xa0: {  	[sflag:s22] =	ssyncadd.s32 s3;
	_ =	sdelay $0x1  }
0xa1: {  	s23 =	simm.s32 $0x1B8B  }
0xa2: {  	_ =	swait.ge [sflag:s23], $0x1  }
0xa3: {  	[sflag:s23] =	ssyncset.done $0x0  }
0xa4: {  	s25 =	simm.s32 $0x1B8E;
	s24 =	sld [smem:$0x3FFE];
	[sflag:s23] =	ssyncadd.s32 $0xFFFFFFFF  }
0xa5: {  	s26 =	simm.s32 $execute0_lowered;
	[smem:$0x3FD2] =	sst s25  }
0xa6: {  	s4 =	sshll.u32 s26, $0x1;
	_ =	strace $0x80000046;
	[dreg:$0x1] =	wrdreg $0xFFFFFFFF  }
0xa7: {  	s28 =	simm.s32 $_size_execute0_lowered;
	s2 =	sadd.s32 s2, s4;
	[dreg:$0x0] =	wrdreg $0x0  }
0xa8: {  	s4 =	sshll.u32 s28, $0x1;
	[dreg:$0x2] =	wrdreg s2  }
0xa9: {  	[dreg:$0x3] =	wrdreg s4  }
0xaa: {  	[dreg:$0x4] =	wrdreg $0xC0  }
0xab: {  	_ =	task [dreg:s6], $0x5FFFF  }
0xac: {  	[dreg:$0x1] =	wrdreg $0xFFFFFFFF  }
0xad: {  	[dreg:$0x0] =	wrdreg $0x60  }
0xae: {  	[dreg:$0x2] =	wrdreg s24  }
0xaf: {  	[dreg:$0x3] =	wrdreg $0xDD000  }
0xb0: {  	[dreg:$0x4] =	wrdreg $0xA  }
0xb1: {  	_ =	task.clear_ibuf [dreg:s6], $0x5FFFF;
	_ =	strace $0x90000046  }
0xb2: {  	s29 =	simm.s32 $0xA;
	_ =	strace $0x80000048  }
0xb3: {  	_ =	swait.ge [sflag:s29], $0x1  }
0xb4: {  	[sflag:s29] =	ssyncadd.s32 $0xFFFFFFFF  }
0xb5: {  	_ =	strace $0x90000048  }
0xb6: {  	_ =	sfence  }
0xb7: {  	s30 =	sld [smem:$0x0];
	_ =	sdelay $0x2  }
0xb8: {  	s31 =	sshll.u32 s1, $0xD;
	s1 =	sshrl.u32 s1, $0x2  }
0xb9: {  	s3 =	sand.u32 $0x4000, s31;
	s1 =	sadd.s32 s1, s30  }
0xba: {  	s0 =	sor.u32 s3, s0;
	s1 =	sshll.u32 s1, $0x11  }
0xbb: {  	s0 =	sor.u32 s1, s0  }
0xbc: {  	s0 =	sadd.s32 $0x8F2B, s0  }
0xbd: {  	[sflag:s0] =	ssyncadd.remote.s32 $0x1  }
0xbe: {  	_ =	sfence.sel $0xFFFF  }
0xbf: {  	[dreg:$0x0] =	wrdreg $0xFFFFFFFF;
	(pc) =	sbr.abs _section_cstart, $3  }
0xc0: {  	[dreg:$0x1] =	wrdreg $0xFFFFFFFF  }
0xc1: {  	_ =	task.clear_ibuf [dreg:s6], $0x2FFFF;
	_ =	strace $0x9FFFFFFF  }
0xc2: {  	(tm) =	ssettm $0x7FFFFFFF  }
0xc3: {  	_ =	shalt  }
tec
execute0_lowered:
.L_overlay_start_1:
0x0: {  	(tag) =	ssettag $0x1  }
0x1: {  	s6 =	rddreg [dreg:$0x0]  }
0x2: {  	s0 =	srdreg.scid;
	s2 =	rddreg [dreg:$0x1]  }
0x3: {  	s3 =	simm.s32 $0x0;
	s13 =	simm.s32 $0x4E80;
	s14 =	simm.s32 $0x80  }
0x4: {  	s15 =	simm.s32 $0x9D00;
	s16 =	simm.s32 $0xBD00;
	s17 =	simm.s32 $0x1  }
0x5: {  	s18 =	simm.s32 $0x2;
	s5 =	sand.u32 $0x1, s0;
	s0 =	stileid.u32  }
0x6: {  	s19 =	simm.s32 $0x9C80;
	s20 =	simm.s32 $0x0;
	s8 =	smul.u32 $0x9E00, s0  }
0x7: {  	[smem:$0x7FF] =	sst s3;
	s4 =	sadd.s32 $0x19D000, s6;
	s9 =	smul.u32 $0x9E000, s5  }
0x8: {  	s1 =	sshll.u32 s5, $0x4;
	s10 =	smul.u32 $0x9D0, s0;
	s11 =	ssub.s32 $0x2, s5  }
0x9: {  	s5 =	sadd.s32 $0x26A400, s6;
	s31 =	sshll.u32 s0, $0x6;
	s1 =	sor.u32 s0, s1  }
0xa: {  	s30 =	sshrl.u32 s11, $0x1;
	s7 =	smul.u32 $0x9D0, s1;
	s1 =	rddreg [dreg:$0x2]  }
0xb: {  	_ =	strace $0x80000047;
	s9 =	sadd.s32 s8, s9;
	s10 =	sadd.s32 s10, s6  }
0xc: {  	s11 =	ssub.s32 s11, s30;
	s12 =	sadd.s32 s8, s2;
	s9 =	sshrl.u32 s9, $0x3  }
0xd: {  	s8 =	sadd.s32 $0x260600, s10;
	s10 =	smax.u32 s11, $0x1;
	s11 =	sshrl.u32 s12, $0x3  }
0xe: {  	s12 =	simm.s32 $0x3;
	s7 =	sadd.s32 s7, s6;
	s9 =	sadd.s32 s9, s6  }
0xf: {  	s6 =	sor.u32 $0x1C03, s31;
	s7 =	sadd.s32 $0x2C00, s7;
	s9 =	sadd.s32 $0x26B800, s9  }
.LBB2_1:
0x10: {  	[spmem:s11], [sflag:s6] =	dma.local [hbm:s5], $0x13C0  }
0x11: {  	_ =	swait.ge [sflag:s12], $0x13C0  }
0x12: {  	[sflag:s12] =	ssyncset.done $0x0  }
0x13: {  	[sflag:s12] =	ssyncadd.s32 $0xFFFFEC40  }
0x14: {  	[tilespmem:s3], [sflag:$0x3] =	stream.linear.gather [hbm4b:s7+s3], $0x4E80, $0x38;
	[tilespmem:$0x17B00] =	vst v63  }
0x15: {  	_ =	swait.ge [sflag:s12], $0x4E80  }
0x16: {  	[sflag:s12] =	ssyncset.done $0x0  }
0x17: {  	[sflag:s12] =	ssyncadd.s32 $0xFFFFB180  }
0x18: {  	[tilespmem:s13], [sflag:$0x3] =	stream.linear.gather [hbm4b:s8+s3], $0x4E80, $0x38;
	[tilespmem:$0x17B00] =	vst v63  }
0x19: {  	_ =	swait.ge [sflag:s12], $0x4E80  }
0x1a: {  	[sflag:s12] =	ssyncset.done $0x0  }
0x1b: {  	[sflag:s12] =	ssyncadd.s32 $0xFFFFB180  }
0x1c: {  	[tilespmem:s15], [sflag:$0x1] =	stream.indirect.gather [hbm4b:s4+s14], $0x40, s3, s14, $0xb8;
	[tilespmem:$0x17B00] =	vst v63  }
0x1d: {  	s21 =	simm.s32 $0x80;
	[bflag:$0x0] =	sbarrier.arrive $0xFFFF  }
0x1e: {  	[tilespmem:s16], [sflag:$0x2] =	stream.indirect.gather [hbm4b:s4+s14], $0x40, s21, s14, $0xb8;
	[tilespmem:$0x17B00] =	vst v63  }
0x1f: {  	_ =	swait.ge [sflag:s17], $0x2000  }
0x20: {  	[sflag:s17] =	ssyncset.done $0x0  }
0x21: {  	s29 =	simm.s32 $0x4E80;
	[sflag:s17] =	ssyncadd.s32 $0xFFFFE000  }
0x22: {  	[spmem:s2] =	stream.indirect.scatter.add.f32 [tilespmem:s15], [sflag:$0x3], $0x40, s29, s14, $0xb8;
	[tilespmem:$0x17B00] =	vst v63  }
0x23: {  	_ =	swait.ge [sflag:s12], $0x2000  }
0x24: {  	[sflag:s12] =	ssyncset.done $0x0  }
0x25: {  	s30 =	simm.s32 $0x100;
	[sflag:s12] =	ssyncadd.s32 $0xFFFFE000  }
0x26: {  	[tilespmem:s15], [sflag:$0x1] =	stream.indirect.gather [hbm4b:s4+s14], $0x40, s30, s14, $0xb8;
	[tilespmem:$0x17B00] =	vst v63  }
0x27: {  	_ =	swait.ge [sflag:s18], $0x2000  }
0x28: {  	[sflag:s18] =	ssyncset.done $0x0  }
0x29: {  	s31 =	simm.s32 $0x4F00;
	[sflag:s18] =	ssyncadd.s32 $0xFFFFE000  }
0x2a: {  	[spmem:s2] =	stream.indirect.scatter.add.f32 [tilespmem:s16], [sflag:$0x3], $0x40, s31, s14, $0xb8;
	[tilespmem:$0x17B00] =	vst v63  }
0x2b: {  	_ =	swait.ge [sflag:s12], $0x2000  }
0x2c: {  	s22 =	simm.s32 $0x800;
	s21 =	simm.s32 $0x100;
	[sflag:s12] =	ssyncset.done $0x0  }
.LBB2_2:
0x2d: {  	s23 =	sadd.s32 $0x80, s21  }
0x2e: {  	[sflag:s12] =	ssyncadd.s32 $0xFFFFE000;
	s24 =	smov.u32 s22;
	s25 =	sadd.s32 $0x400, s22  }
0x2f: {  	[tilespmem:s16], [sflag:$0x2] =	stream.indirect.gather [hbm4b:s4+s14], $0x40, s23, s14, $0xb8;
	[tilespmem:$0x17B00] =	vst v63  }
0x30: {  	p0 =	sne.s32 s22, $0x13400;
	_ =	swait.ge [sflag:s17], $0x2000  }
0x31: {  	[sflag:s17] =	ssyncset.done $0x0  }
0x32: {  	s22 =	sadd.s32 $0x4E80, s21;
	[sflag:s17] =	ssyncadd.s32 $0xFFFFE000  }
0x33: {  	[spmem:s2] =	stream.indirect.scatter.add.f32 [tilespmem:s15], [sflag:$0x3], $0x40, s22, s14, $0xb8;
	[tilespmem:$0x17B00] =	vst v63  }
0x34: {  	_ =	swait.ge [sflag:s12], $0x2000  }
0x35: {  	[sflag:s12] =	ssyncset.done $0x0  }
0x36: {  	s22 =	sadd.s32 $0x100, s21;
	[sflag:s12] =	ssyncadd.s32 $0xFFFFE000  }
0x37: {  	[tilespmem:s15], [sflag:$0x1] =	stream.indirect.gather [hbm4b:s4+s14], $0x40, s22, s14, $0xb8;
	[tilespmem:$0x17B00] =	vst v63  }
0x38: {  	_ =	swait.ge [sflag:s18], $0x2000  }
.Ltmp0:
0x39: {  	[sflag:s18] =	ssyncset.done $0x0;
	(pc) =	sbr.rel @p0 .LBB2_2-.Ltmp0, $4  }
0x3a: {  	s21 =	sadd.s32 $0x4F00, s21;
	[sflag:s18] =	ssyncadd.s32 $0xFFFFE000  }
0x3b: {  	[spmem:s2] =	stream.indirect.scatter.add.f32 [tilespmem:s16], [sflag:$0x3], $0x40, s21, s14, $0xb8;
	[tilespmem:$0x17B00] =	vst v63  }
0x3c: {  	_ =	swait.ge [sflag:s12], $0x2000  }
0x3d: {  	s22 =	smov.u32 s25;
	s21 =	sshra.s32 s24, $0x2;
	[sflag:s12] =	ssyncset.done $0x0  }
0x3e: {  	s22 =	sadd.s32 $0x80, s21;
	[sflag:s12] =	ssyncadd.s32 $0xFFFFE000  }
0x3f: {  	[tilespmem:s16], [sflag:$0x2] =	stream.indirect.gather [hbm4b:s4+s14], $0x40, s22, s14, $0xb8;
	[tilespmem:$0x17B00] =	vst v63  }
0x40: {  	_ =	swait.ge [sflag:s17], $0x2000  }
0x41: {  	[sflag:s17] =	ssyncset.done $0x0  }
0x42: {  	s29 =	sadd.s32 $0x4E80, s21;
	[sflag:s17] =	ssyncadd.s32 $0xFFFFE000  }
0x43: {  	[spmem:s2] =	stream.indirect.scatter.add.f32 [tilespmem:s15], [sflag:$0x3], $0x40, s29, s14, $0xb8;
	[tilespmem:$0x17B00] =	vst v63  }
0x44: {  	_ =	swait.ge [sflag:s12], $0x2000  }
0x45: {  	[sflag:s12] =	ssyncset.done $0x0  }
0x46: {  	s30 =	sadd.s32 $0x100, s21;
	[sflag:s12] =	ssyncadd.s32 $0xFFFFE000  }
0x47: {  	[tilespmem:s15], [sflag:$0x1] =	stream.indirect.gather [hbm4b:s4+s14], $0x40, s30, s14, $0xb8;
	[tilespmem:$0x17B00] =	vst v63  }
0x48: {  	_ =	swait.ge [sflag:s18], $0x2000  }
0x49: {  	[sflag:s18] =	ssyncset.done $0x0  }
0x4a: {  	s31 =	sadd.s32 $0x4F00, s21;
	[sflag:s18] =	ssyncadd.s32 $0xFFFFE000  }
0x4b: {  	[spmem:s2] =	stream.indirect.scatter.add.f32 [tilespmem:s16], [sflag:$0x3], $0x40, s31, s14, $0xb8;
	[tilespmem:$0x17B00] =	vst v63  }
0x4c: {  	_ =	swait.ge [sflag:s12], $0x2000  }
0x4d: {  	[sflag:s12] =	ssyncset.done $0x0  }
0x4e: {  	[sflag:s12] =	ssyncadd.s32 $0xFFFFE000  }
0x4f: {  	_ =	swait.ge [sflag:s17], $0x2000  }
0x50: {  	[sflag:s17] =	ssyncset.done $0x0  }
0x51: {  	[sflag:s17] =	ssyncadd.s32 $0xFFFFE000  }
0x52: {  	[spmem:s2] =	stream.indirect.scatter.add.f32 [tilespmem:s15], [sflag:$0x3], $0x40, s19, s14, $0xb8;
	[tilespmem:$0x17B00] =	vst v63  }
0x53: {  	_ =	swait.ge [sflag:s12], $0x2000  }
0x54: {  	s20 =	sadd.s32 $0x1, s20;
	[sflag:s12] =	ssyncset.done $0x0  }
0x55: {  	p0 =	sne.s32 s20, s10;
	[sflag:s12] =	ssyncadd.s32 $0xFFFFE000  }
.Ltmp1:
0x56: {  	[bflag:$0x0] =	sbarrier.arrive $0xFFFF;
	(pc) =	sbr.rel @p0 .LBB2_1-.Ltmp1, $4  }
0x57: {  	[hbm:s9], [sflag:s6] =	dma.local [spmem:s11], $0x13C0  }
0x58: {  	_ =	swait.ge [sflag:s12], $0x13C0  }
0x59: {  	[sflag:s12] =	ssyncset.done $0x0  }
0x5a: {  	[sflag:s12] =	ssyncadd.s32 $0xFFFFEC40  }
0x5b: {  	_ =	sfence.sel $0x180000  }
0x5c: {  	[bflag:$0x0] =	sbarrier.arrive $0xFFFF  }
0x5d: {  	p0 =	sne.s32 s0, $0x0;
	_ =	strace $0x90000047  }
0x5e: {  	s0 =	sadd.s32 @!p0 $0x100000, s1;
	[bflag:$0x2] =	sbarrier.arrive $0xFFFF  }
0x5f: {  	[sflag:s0] =	ssyncadd.tile.s32 @!p0 $0x1;
	_ =	shalt  }
.Lfunc_end2:
_tile_overlayer_lowered:
.L_overlay_start_2:
0x60: {  	(tag) =	ssettag $0x2  }
0x61: {  	s0 =	rddreg [dreg:$0x0];
	s2 =	stileid.u32  }
0x62: {  	s1 =	rddreg [dreg:$0x1];
	p0 =	sne.s32 s2, $0x0  }
0x63: {  	s3 =	rddreg [dreg:$0x2];
	[bflag:$0x3] =	sbarrier.arrive $0xFFFF;
	s2 =	simm.s32 @!p0 $0x1C03  }
0x64: {  	[timem:s3], [sflag:s2] =	dma.local @!p0 [hbm:s0], s1  }
0x65: {  	s0 =	simm.s32 @!p0 $0x3  }
0x66: {  	_ =	swait.ge @!p0 [sflag:s0], s1  }
0x67: {  	s1 =	ssub.s32 @!p0 $0x0, s1;
	[sflag:s0] =	ssyncset.done @!p0 $0x0  }
0x68: {  	[sflag:s0] =	ssyncadd.s32 @!p0 s1  }
0x69: {  	[bflag:$0x3] =	sbarrier.arrive $0xFFFF  }
0x6a: {  	_ =	shalt  }

// kernel: kernel.18.cloned.1.call-start
scs
__scs_entry_jumppad:
0x0: {  	(pc) =	sbr.rel $0x88, $3  }
0x1: {  	(tag) =	ssettag $0x0;
	lr =	simm.s32 $0x1  }
0x2: {  	[smem:$0x3F92] =	sst lr;
	_ =	strace $0xD0000000  }
0x3: {  	_ = 	snop  }
0x4: {  	_ = 	snop  }
0x5: {  	_ = 	snop  }
0x6: {  	_ = 	snop  }
0x7: {  	_ = 	snop  }
__scs_overlays_trampoline_lowered:
0x8: {  	[smem:$0x3FA1] =	sst s0  }
0x9: {  	[smem:$0x3FA2] =	sst s1  }
0xa: {  	[smem:$0x3FA3] =	sst s2  }
0xb: {  	[smem:$0x3FA4] =	sst s3  }
0xc: {  	[smem:$0x3FA5] =	sst s4  }
0xd: {  	[smem:$0x3FA6] =	sst s5  }
0xe: {  	[smem:$0x3FA7] =	sst s6  }
0xf: {  	[smem:$0x3FA8] =	sst s7  }
0x10: {  	[smem:$0x3FA9] =	sst s8  }
0x11: {  	[smem:$0x3FAA] =	sst s9;
	s0 =	simm.s32 @!p0 $0x0  }
0x12: {  	s1 =	sld [smem:$0x3F90];
	s0 =	simm.s32 @p0 $0x1  }
0x13: {  	[smem:$0x3FAB] =	sst s0;
	s0 =	simm.s32 @!p1 $0x0  }
0x14: {  	s2 =	sld [smem:$0x3F8F];
	s0 =	simm.s32 @p1 $0x1  }
0x15: {  	[smem:$0x3FAC] =	sst s0;
	s0 =	simm.s32 @!p2 $0x0  }
0x16: {  	s3 =	sld [smem:$0x3FDB];
	s0 =	simm.s32 @p2 $0x1  }
0x17: {  	s4 =	simm.s32 $0x1BF5;
	[smem:$0x3FAE] =	sst s0  }
0x18: {  	s0 =	sld [smem:$0x3F91];
	_ =	swait.ge [sflag:s4], $0x0  }
0x19: {  	s7 =	sld [smem:$0x3F92]  }
0x1a: {  	s8 =	sadd.s32 $0xFFFFE003, lr  }
0x1b: {  	s9 =	sadd.s32 $0xFFFFFEF7, lr;
	s5 =	simm.s32 $0xFFFFFFFF;
	p2 =	slt.u32 s8, $0xFFFFF086  }
0x1c: {  	p1 =	slt.u32 s9, $0xF7A;
	s5 =	simm.s32 @!p2 $0x0  }
0x1d: {  	s5 =	simm.s32 @p1 $0x1;
	p0 =	seq.s32 s7, s2  }
0x1e: {  	s7 =	smul.u32 @!p0 $0xF7A, s2;
	p2 =	seq.s32 @!p0 s5, $0x0  }
0x1f: {  	s9 =	smul.u32 $0xF7A, s1;
	s8 =	simm.s32 @!p0 $0x1BF5;
	p2 =	por !p2, p0  }
0x20: {  	[sflag:s8] =	ssyncset.s32 @!p0 $0xFFFFF086;
	s6 =	sadd.s32 @!p0 s3, s7;
	s7 =	simm.s32 @!p0 $0x108  }
0x21: {  	s3 =	sadd.s32 s3, s9;
	s6 =	sadd.s32 @!p0 $0x88, s6;
	s7 =	simm.s32 @p2 $0x1082  }
0x22: {  	[simem:s7], [sflag:s8] =	dma.local @!p0 [hbm:s6], $0xF7A  }
0x23: {  	s9 =	sor.u32 $0xD0000000, s2;
	s6 =	simm.s32 $0x108;
	_ =	swait.ge @!p0 [sflag:s8], $0x0  }
0x24: {  	s3 =	sadd.s32 $0x88, s3;
	s6 =	simm.s32 @!p1 $0x1082;
	[sflag:s4] =	ssyncset.s32 $0xFFFFF086  }
0x25: {  	[simem:s6], [sflag:s4] =	dma.local [hbm:s3], $0xF7A  }
0x26: {  	[smem:$0x3F92] =	sst s1;
	(tag) =	ssettag s2;
	_ =	strace s9  }
0x27: {  	s1 =	sld [smem:$0x3FA2]  }
0x28: {  	s2 =	sld [smem:$0x3FA3]  }
0x29: {  	s4 =	sld [smem:$0x3FA5]  }
0x2a: {  	p0 =	seq.s32 s5, $0x0;
	s5 =	sld [smem:$0x3FA6]  }
0x2b: {  	s6 =	sld [smem:$0x3FA7]  }
0x2c: {  	s7 =	sld [smem:$0x3FA8]  }
0x2d: {  	s3 =	simm.s32 $0x108;
	s8 =	sld [smem:$0x3FA9]  }
0x2e: {  	s3 =	simm.s32 @!p0 $0x1082;
	s9 =	sld [smem:$0x3FAA]  }
0x2f: {  	lr =	sadd.s32 s0, s3;
	s0 =	sld [smem:$0x3FA1]  }
0x30: {  	s3 =	sld [smem:$0x3FA4]  }
0x31: {  	[smem:$0x3FAD] =	sst s10  }
0x32: {  	s10 =	sld [smem:$0x3FAB];
	_ =	sdelay $0x3  }
0x33: {  	p0 =	seq.s32 s10, $0x1;
	s10 =	sld [smem:$0x3FAD];
	_ =	sdelay $0x3  }
0x34: {  	[smem:$0x3FAD] =	sst s10  }
0x35: {  	s10 =	sld [smem:$0x3FAC];
	_ =	sdelay $0x3  }
0x36: {  	p1 =	seq.s32 s10, $0x1;
	s10 =	sld [smem:$0x3FAD];
	_ =	sdelay $0x3  }
0x37: {  	[smem:$0x3FAD] =	sst s10  }
0x38: {  	s10 =	sld [smem:$0x3FAE]  }
0x39: {  	_ = 	snop;
	(pc) =	sbr.ind lr, $3  }
0x3a: {  	_ = 	snop  }
0x3b: {  	_ = 	snop  }
0x3c: {  	p2 =	seq.s32 s10, $0x1;
	s10 =	sld [smem:$0x3FAD]  }
0x3d: {  	_ =	shalt  }
0x3e: {  	_ =	shalt  }
0x3f: {  	_ =	shalt  }
0x40: {  	_ =	shalt  }
0x41: {  	_ =	shalt  }
0x42: {  	_ =	shalt  }
0x43: {  	_ =	shalt  }
0x44: {  	_ =	shalt  }
0x45: {  	_ =	shalt  }
0x46: {  	_ =	shalt  }
0x47: {  	_ =	shalt  }
0x48: {  	_ =	shalt  }
0x49: {  	_ =	shalt  }
0x4a: {  	_ =	shalt  }
0x4b: {  	_ =	shalt  }
0x4c: {  	_ =	shalt  }
0x4d: {  	_ =	shalt  }
0x4e: {  	_ =	shalt  }
0x4f: {  	_ =	shalt  }
0x50: {  	_ =	shalt  }
0x51: {  	_ =	shalt  }
0x52: {  	_ =	shalt  }
0x53: {  	_ =	shalt  }
0x54: {  	_ =	shalt  }
0x55: {  	_ =	shalt  }
0x56: {  	_ =	shalt  }
0x57: {  	_ =	shalt  }
0x58: {  	_ =	shalt  }
0x59: {  	_ =	shalt  }
0x5a: {  	_ =	shalt  }
0x5b: {  	_ =	shalt  }
0x5c: {  	_ =	shalt  }
0x5d: {  	_ =	shalt  }
0x5e: {  	_ =	shalt  }
0x5f: {  	_ =	shalt  }
0x60: {  	_ =	shalt  }
0x61: {  	_ =	shalt  }
0x62: {  	_ =	shalt  }
0x63: {  	_ =	shalt  }
0x64: {  	_ =	shalt  }
0x65: {  	_ =	shalt  }
0x66: {  	_ =	shalt  }
0x67: {  	_ =	shalt  }
0x68: {  	_ =	shalt  }
0x69: {  	_ =	shalt  }
0x6a: {  	_ =	shalt  }
0x6b: {  	_ =	shalt  }
0x6c: {  	_ =	shalt  }
0x6d: {  	_ =	shalt  }
0x6e: {  	_ =	shalt  }
0x6f: {  	_ =	shalt  }
0x70: {  	_ =	shalt  }
0x71: {  	_ =	shalt  }
0x72: {  	_ =	shalt  }
0x73: {  	_ =	shalt  }
0x74: {  	_ =	shalt  }
0x75: {  	_ =	shalt  }
0x76: {  	_ =	shalt  }
0x77: {  	_ =	shalt  }
0x78: {  	_ =	shalt  }
0x79: {  	_ =	shalt  }
0x7a: {  	_ =	shalt  }
0x7b: {  	_ =	shalt  }
0x7c: {  	_ =	shalt  }
0x7d: {  	_ =	shalt  }
0x7e: {  	_ =	shalt  }
0x7f: {  	_ =	shalt  }
0x80: {  	_ =	shalt  }
0x81: {  	_ =	shalt  }
0x82: {  	_ =	shalt  }
0x83: {  	_ =	shalt  }
0x84: {  	_ =	shalt  }
0x85: {  	_ =	shalt  }
0x86: {  	_ =	shalt  }
0x87: {  	_ =	shalt  }
.Lfunc_end0:
.L_simem_size_0:
called_computation.2_lowered:
.L_overlay_start_0:
0x88: {  	s2 =	sld [smem:$0x3FD9]  }
0x89: {  	s3 =	sld [smem:$0x3FFE];
	_ =	sdelay $0x1  }
0x8a: {  	s1 =	srdreg.scid  }
0x8b: {  	s0 =	sand.u32 $0x1, s1  }
0x8c: {  	s17 =	sshll.u32 s0, $0xA;
	s2 =	sadd.s32 s3, s2  }
0x8d: {  	s2 =	sadd.s32 s2, s17  }
0x8e: {  	[smem:$0x3FB9] =	sst s2  }
0x8f: {  	_ = 	snop  }
0x90: {  	s2 =	sld [smem:$0x3FD0];
	(tm) =	ssettm $0x1  }
0x91: {  	s18 =	sld [smem:$0x3FFB];
	_ =	sdelay $0x3  }
0x92: {  	_ =	strace s18  }
0x93: {  	s3 =	sld [smem:$0x3FFC];
	_ =	sdelay $0x3  }
0x94: {  	_ =	strace s3  }
0x95: {  	s3 =	sld [smem:$0x3FFD];
	_ =	sdelay $0x3  }
0x96: {  	_ =	strace s3  }
0x97: {  	_ =	strace $0x8FFFFFFF  }
0x98: {  	s19 =	sld [smem:$0x3FDB];
	_ =	sdelay $0x1  }
0x99: {  	s4 =	simm.s32 $_scs_section_size  }
0x9a: {  	s5 =	simm.s32 $_size__tile_overlayer_lowered;
	s6 =	simm.s32 $_tile_overlayer_lowered  }
0x9b: {  	s22 =	simm.s32 $0x1BFF;
	s21 =	sshll.u32 s6, $0x1;
	s3 =	sadd.s32 s4, s19  }
0x9c: {  	s7 =	simm.s32 $0x0;
	s20 =	sshll.u32 s5, $0x1;
	s5 =	sadd.s32 s21, s3  }
0x9d: {  	[timem:s7], [sflag:s22] =	dma.local [hbm:s5], s20  }
0x9e: {  	_ =	swait.ge [sflag:s22], s20  }
0x9f: {  	s4 =	ssub.s32 $0x0, s20;
	[sflag:s22] =	ssyncset.done $0x0  }
0xa0: {  	[sflag:s22] =	ssyncadd.s32 s4;
	_ =	sdelay $0x1  }
0xa1: {  	s23 =	simm.s32 $0x1B8B  }
0xa2: {  	_ =	swait.ge [sflag:s23], $0x1  }
0xa3: {  	[sflag:s23] =	ssyncset.done $0x0  }
0xa4: {  	s25 =	simm.s32 $0x1B8E;
	s24 =	sld [smem:$0x3FFE];
	[sflag:s23] =	ssyncadd.s32 $0xFFFFFFFF  }
0xa5: {  	s26 =	simm.s32 $execute0_lowered;
	[smem:$0x3FD2] =	sst s25  }
0xa6: {  	s5 =	sshll.u32 s26, $0x1;
	_ =	strace $0x8000004C;
	[dreg:$0x1] =	wrdreg $0xFFFFFFFF  }
0xa7: {  	s28 =	simm.s32 $_size_execute0_lowered;
	s3 =	sadd.s32 s3, s5;
	[dreg:$0x0] =	wrdreg $0x0  }
0xa8: {  	s5 =	sshll.u32 s28, $0x1;
	[dreg:$0x2] =	wrdreg s3  }
0xa9: {  	[dreg:$0x3] =	wrdreg s5  }
0xaa: {  	[dreg:$0x4] =	wrdreg $0xC0  }
0xab: {  	_ =	task [dreg:s7], $0x5FFFF  }
0xac: {  	[dreg:$0x1] =	wrdreg $0xFFFFFFFF  }
0xad: {  	[dreg:$0x0] =	wrdreg $0x60  }
0xae: {  	[dreg:$0x2] =	wrdreg s2  }
0xaf: {  	[dreg:$0x3] =	wrdreg s24  }
0xb0: {  	[dreg:$0x4] =	wrdreg $0xDD000  }
0xb1: {  	[dreg:$0x5] =	wrdreg $0x9  }
0xb2: {  	_ =	task.clear_ibuf [dreg:s7], $0x6FFFF;
	_ =	strace $0x9000004C  }
0xb3: {  	s29 =	simm.s32 $0x9;
	_ =	strace $0x8000004E  }
0xb4: {  	_ =	swait.ge [sflag:s29], $0x1  }
0xb5: {  	[sflag:s29] =	ssyncadd.s32 $0xFFFFFFFF  }
0xb6: {  	_ =	strace $0x9000004E  }
0xb7: {  	_ =	sfence  }
0xb8: {  	s30 =	sld [smem:$0x0];
	_ =	sdelay $0x2  }
0xb9: {  	s31 =	sshll.u32 s1, $0xD;
	s1 =	sshrl.u32 s1, $0x2  }
0xba: {  	s3 =	sand.u32 $0x4000, s31;
	s1 =	sadd.s32 s1, s30  }
0xbb: {  	s0 =	sor.u32 s3, s0;
	s1 =	sshll.u32 s1, $0x11  }
0xbc: {  	s0 =	sor.u32 s1, s0  }
0xbd: {  	s0 =	sadd.s32 $0x8F2B, s0  }
0xbe: {  	[sflag:s0] =	ssyncadd.remote.s32 $0x1  }
0xbf: {  	_ =	sfence.sel $0xFFFF  }
0xc0: {  	[dreg:$0x0] =	wrdreg $0xFFFFFFFF;
	(pc) =	sbr.abs _section_cstart, $3  }
0xc1: {  	[dreg:$0x1] =	wrdreg $0xFFFFFFFF  }
0xc2: {  	_ =	task.clear_ibuf [dreg:s7], $0x2FFFF;
	_ =	strace $0x9FFFFFFF  }
0xc3: {  	(tm) =	ssettm $0x7FFFFFFF  }
tec
execute0_lowered:
.L_overlay_start_1:
0x0: {  	(tag) =	ssettag $0x1  }
0x1: {  	s2 =	rddreg [dreg:$0x0]  }
0x2: {  	s0 =	srdreg.scid;
	s7 =	rddreg [dreg:$0x1]  }
0x3: {  	s3 =	rddreg [dreg:$0x2];
	s4 =	simm.s32 $0x0;
	s14 =	simm.s32 $0x80  }
0x4: {  	s15 =	simm.s32 $0x9D00;
	s16 =	simm.s32 $0xBD00;
	s17 =	simm.s32 $0x1  }
0x5: {  	s18 =	simm.s32 $0x2;
	s6 =	sand.u32 $0x1, s0;
	s0 =	stileid.u32  }
0x6: {  	s19 =	simm.s32 $0x9C80;
	s20 =	simm.s32 $0x0;
	s8 =	smul.u32 $0x9D0, s0  }
0x7: {  	[smem:$0x7FF] =	sst s4;
	s1 =	sshll.u32 s6, $0x4;
	s9 =	smul.u32 $0x9E00, s0  }
0x8: {  	s10 =	smul.u32 $0x9E000, s6;
	s6 =	ssub.s32 $0x2, s6;
	s1 =	sor.u32 s0, s1  }
0x9: {  	s13 =	sshll.u32 s0, $0x6;
	s12 =	sshrl.u32 s6, $0x1;
	s5 =	smul.u32 $0x9D0, s1  }
0xa: {  	s1 =	rddreg [dreg:$0x3];
	_ =	strace $0x8000004D;
	s8 =	sadd.s32 s8, s7  }
0xb: {  	s10 =	sadd.s32 s9, s10;
	s12 =	ssub.s32 s6, s12;
	s6 =	sor.u32 $0x1C03, s13  }
0xc: {  	s13 =	simm.s32 $0x4E80;
	s10 =	sshrl.u32 s10, $0x3;
	s8 =	sadd.s32 $0x260600, s8  }
0xd: {  	s11 =	sadd.s32 s5, s7;
	s5 =	sadd.s32 $0x26A400, s7;
	s10 =	sadd.s32 s10, s7  }
0xe: {  	s31 =	sadd.s32 s9, s3;
	s7 =	sadd.s32 $0x293800, s11;
	s9 =	sadd.s32 $0x26B800, s10  }
0xf: {  	s10 =	smax.u32 s12, $0x1;
	s11 =	sshrl.u32 s31, $0x3;
	s12 =	simm.s32 $0x3  }
.LBB2_1:
0x10: {  	[spmem:s11], [sflag:s6] =	dma.local [hbm:s5], $0x13C0  }
0x11: {  	_ =	swait.ge [sflag:s12], $0x13C0  }
0x12: {  	[sflag:s12] =	ssyncset.done $0x0  }
0x13: {  	[sflag:s12] =	ssyncadd.s32 $0xFFFFEC40  }
0x14: {  	[tilespmem:s4], [sflag:$0x3] =	stream.linear.gather [hbm4b:s7+s4], $0x4E80, $0x38;
	[tilespmem:$0x17B00] =	vst v63  }
0x15: {  	_ =	swait.ge [sflag:s12], $0x4E80  }
0x16: {  	[sflag:s12] =	ssyncset.done $0x0  }
0x17: {  	[sflag:s12] =	ssyncadd.s32 $0xFFFFB180  }
0x18: {  	[tilespmem:s13], [sflag:$0x3] =	stream.linear.gather [hbm4b:s8+s4], $0x4E80, $0x38;
	[tilespmem:$0x17B00] =	vst v63  }
0x19: {  	_ =	swait.ge [sflag:s12], $0x4E80  }
0x1a: {  	[sflag:s12] =	ssyncset.done $0x0  }
0x1b: {  	[sflag:s12] =	ssyncadd.s32 $0xFFFFB180  }
0x1c: {  	[tilespmem:s15], [sflag:$0x1] =	stream.indirect.gather [hbm4b:s2+s14], $0x40, s4, s14, $0xb8;
	[tilespmem:$0x17B00] =	vst v63  }
0x1d: {  	s21 =	simm.s32 $0x80;
	[bflag:$0x0] =	sbarrier.arrive $0xFFFF  }
0x1e: {  	[tilespmem:s16], [sflag:$0x2] =	stream.indirect.gather [hbm4b:s2+s14], $0x40, s21, s14, $0xb8;
	[tilespmem:$0x17B00] =	vst v63  }
0x1f: {  	_ =	swait.ge [sflag:s17], $0x2000  }
0x20: {  	[sflag:s17] =	ssyncset.done $0x0  }
0x21: {  	s29 =	simm.s32 $0x4E80;
	[sflag:s17] =	ssyncadd.s32 $0xFFFFE000  }
0x22: {  	[spmem:s3] =	stream.indirect.scatter.add.f32 [tilespmem:s15], [sflag:$0x3], $0x40, s29, s14, $0xb8;
	[tilespmem:$0x17B00] =	vst v63  }
0x23: {  	_ =	swait.ge [sflag:s12], $0x2000  }
0x24: {  	[sflag:s12] =	ssyncset.done $0x0  }
0x25: {  	s30 =	simm.s32 $0x100;
	[sflag:s12] =	ssyncadd.s32 $0xFFFFE000  }
0x26: {  	[tilespmem:s15], [sflag:$0x1] =	stream.indirect.gather [hbm4b:s2+s14], $0x40, s30, s14, $0xb8;
	[tilespmem:$0x17B00] =	vst v63  }
0x27: {  	_ =	swait.ge [sflag:s18], $0x2000  }
0x28: {  	[sflag:s18] =	ssyncset.done $0x0  }
0x29: {  	s31 =	simm.s32 $0x4F00;
	[sflag:s18] =	ssyncadd.s32 $0xFFFFE000  }
0x2a: {  	[spmem:s3] =	stream.indirect.scatter.add.f32 [tilespmem:s16], [sflag:$0x3], $0x40, s31, s14, $0xb8;
	[tilespmem:$0x17B00] =	vst v63  }
0x2b: {  	_ =	swait.ge [sflag:s12], $0x2000  }
0x2c: {  	s22 =	simm.s32 $0x800;
	s21 =	simm.s32 $0x100;
	[sflag:s12] =	ssyncset.done $0x0  }
.LBB2_2:
0x2d: {  	s23 =	sadd.s32 $0x80, s21  }
0x2e: {  	[sflag:s12] =	ssyncadd.s32 $0xFFFFE000;
	s24 =	smov.u32 s22;
	s25 =	sadd.s32 $0x400, s22  }
0x2f: {  	[tilespmem:s16], [sflag:$0x2] =	stream.indirect.gather [hbm4b:s2+s14], $0x40, s23, s14, $0xb8;
	[tilespmem:$0x17B00] =	vst v63  }
0x30: {  	p0 =	sne.s32 s22, $0x13400;
	_ =	swait.ge [sflag:s17], $0x2000  }
0x31: {  	[sflag:s17] =	ssyncset.done $0x0  }
0x32: {  	s22 =	sadd.s32 $0x4E80, s21;
	[sflag:s17] =	ssyncadd.s32 $0xFFFFE000  }
0x33: {  	[spmem:s3] =	stream.indirect.scatter.add.f32 [tilespmem:s15], [sflag:$0x3], $0x40, s22, s14, $0xb8;
	[tilespmem:$0x17B00] =	vst v63  }
0x34: {  	_ =	swait.ge [sflag:s12], $0x2000  }
0x35: {  	[sflag:s12] =	ssyncset.done $0x0  }
0x36: {  	s22 =	sadd.s32 $0x100, s21;
	[sflag:s12] =	ssyncadd.s32 $0xFFFFE000  }
0x37: {  	[tilespmem:s15], [sflag:$0x1] =	stream.indirect.gather [hbm4b:s2+s14], $0x40, s22, s14, $0xb8;
	[tilespmem:$0x17B00] =	vst v63  }
0x38: {  	_ =	swait.ge [sflag:s18], $0x2000  }
.Ltmp0:
0x39: {  	[sflag:s18] =	ssyncset.done $0x0;
	(pc) =	sbr.rel @p0 .LBB2_2-.Ltmp0, $4  }
0x3a: {  	s21 =	sadd.s32 $0x4F00, s21;
	[sflag:s18] =	ssyncadd.s32 $0xFFFFE000  }
0x3b: {  	[spmem:s3] =	stream.indirect.scatter.add.f32 [tilespmem:s16], [sflag:$0x3], $0x40, s21, s14, $0xb8;
	[tilespmem:$0x17B00] =	vst v63  }
0x3c: {  	_ =	swait.ge [sflag:s12], $0x2000  }
0x3d: {  	s22 =	smov.u32 s25;
	s21 =	sshra.s32 s24, $0x2;
	[sflag:s12] =	ssyncset.done $0x0  }
0x3e: {  	s22 =	sadd.s32 $0x80, s21;
	[sflag:s12] =	ssyncadd.s32 $0xFFFFE000  }
0x3f: {  	[tilespmem:s16], [sflag:$0x2] =	stream.indirect.gather [hbm4b:s2+s14], $0x40, s22, s14, $0xb8;
	[tilespmem:$0x17B00] =	vst v63  }
0x40: {  	_ =	swait.ge [sflag:s17], $0x2000  }
0x41: {  	[sflag:s17] =	ssyncset.done $0x0  }
0x42: {  	s29 =	sadd.s32 $0x4E80, s21;
	[sflag:s17] =	ssyncadd.s32 $0xFFFFE000  }
0x43: {  	[spmem:s3] =	stream.indirect.scatter.add.f32 [tilespmem:s15], [sflag:$0x3], $0x40, s29, s14, $0xb8;
	[tilespmem:$0x17B00] =	vst v63  }
0x44: {  	_ =	swait.ge [sflag:s12], $0x2000  }
0x45: {  	[sflag:s12] =	ssyncset.done $0x0  }
0x46: {  	s30 =	sadd.s32 $0x100, s21;
	[sflag:s12] =	ssyncadd.s32 $0xFFFFE000  }
0x47: {  	[tilespmem:s15], [sflag:$0x1] =	stream.indirect.gather [hbm4b:s2+s14], $0x40, s30, s14, $0xb8;
	[tilespmem:$0x17B00] =	vst v63  }
0x48: {  	_ =	swait.ge [sflag:s18], $0x2000  }
0x49: {  	[sflag:s18] =	ssyncset.done $0x0  }
0x4a: {  	s31 =	sadd.s32 $0x4F00, s21;
	[sflag:s18] =	ssyncadd.s32 $0xFFFFE000  }
0x4b: {  	[spmem:s3] =	stream.indirect.scatter.add.f32 [tilespmem:s16], [sflag:$0x3], $0x40, s31, s14, $0xb8;
	[tilespmem:$0x17B00] =	vst v63  }
0x4c: {  	_ =	swait.ge [sflag:s12], $0x2000  }
0x4d: {  	[sflag:s12] =	ssyncset.done $0x0  }
0x4e: {  	[sflag:s12] =	ssyncadd.s32 $0xFFFFE000  }
0x4f: {  	_ =	swait.ge [sflag:s17], $0x2000  }
0x50: {  	[sflag:s17] =	ssyncset.done $0x0  }
0x51: {  	[sflag:s17] =	ssyncadd.s32 $0xFFFFE000  }
0x52: {  	[spmem:s3] =	stream.indirect.scatter.add.f32 [tilespmem:s15], [sflag:$0x3], $0x40, s19, s14, $0xb8;
	[tilespmem:$0x17B00] =	vst v63  }
0x53: {  	_ =	swait.ge [sflag:s12], $0x2000  }
0x54: {  	s20 =	sadd.s32 $0x1, s20;
	[sflag:s12] =	ssyncset.done $0x0  }
0x55: {  	p0 =	sne.s32 s20, s10;
	[sflag:s12] =	ssyncadd.s32 $0xFFFFE000  }
.Ltmp1:
0x56: {  	[bflag:$0x0] =	sbarrier.arrive $0xFFFF;
	(pc) =	sbr.rel @p0 .LBB2_1-.Ltmp1, $4  }
0x57: {  	[hbm:s9], [sflag:s6] =	dma.local [spmem:s11], $0x13C0  }
0x58: {  	_ =	swait.ge [sflag:s12], $0x13C0  }
0x59: {  	[sflag:s12] =	ssyncset.done $0x0  }
0x5a: {  	[sflag:s12] =	ssyncadd.s32 $0xFFFFEC40  }
0x5b: {  	_ =	sfence.sel $0x180000  }
0x5c: {  	[bflag:$0x0] =	sbarrier.arrive $0xFFFF  }
0x5d: {  	p0 =	sne.s32 s0, $0x0;
	_ =	strace $0x9000004D  }
0x5e: {  	s0 =	sadd.s32 @!p0 $0x100000, s1;
	[bflag:$0x2] =	sbarrier.arrive $0xFFFF  }
0x5f: {  	[sflag:s0] =	ssyncadd.tile.s32 @!p0 $0x1;
	_ =	shalt  }
.Lfunc_end2:
_tile_overlayer_lowered:
.L_overlay_start_2:
0x60: {  	(tag) =	ssettag $0x2  }
0x61: {  	s0 =	rddreg [dreg:$0x0];
	s2 =	stileid.u32  }
0x62: {  	s1 =	rddreg [dreg:$0x1];
	p0 =	sne.s32 s2, $0x0  }
0x63: {  	s3 =	rddreg [dreg:$0x2];
	[bflag:$0x3] =	sbarrier.arrive $0xFFFF;
	s2 =	simm.s32 @!p0 $0x1C03  }
0x64: {  	[timem:s3], [sflag:s2] =	dma.local @!p0 [hbm:s0], s1  }
0x65: {  	s0 =	simm.s32 @!p0 $0x3  }
0x66: {  	_ =	swait.ge @!p0 [sflag:s0], s1  }
0x67: {  	s1 =	ssub.s32 @!p0 $0x0, s1;
	[sflag:s0] =	ssyncset.done @!p0 $0x0  }
0x68: {  	[sflag:s0] =	ssyncadd.s32 @!p0 s1  }
0x69: {  	[bflag:$0x3] =	sbarrier.arrive $0xFFFF  }
0x6a: {  	_ =	shalt  }

// kernel: kernel.21.cloned.1.call-start
scs
__scs_entry_jumppad:
0x0: {  	(pc) =	sbr.rel $0x88, $3  }
0x1: {  	(tag) =	ssettag $0x0;
	lr =	simm.s32 $0x1  }
0x2: {  	[smem:$0x3F92] =	sst lr;
	_ =	strace $0xD0000000  }
0x3: {  	_ = 	snop  }
0x4: {  	_ = 	snop  }
0x5: {  	_ = 	snop  }
0x6: {  	_ = 	snop  }
0x7: {  	_ = 	snop  }
__scs_overlays_trampoline_lowered:
0x8: {  	[smem:$0x3FA1] =	sst s0  }
0x9: {  	[smem:$0x3FA2] =	sst s1  }
0xa: {  	[smem:$0x3FA3] =	sst s2  }
0xb: {  	[smem:$0x3FA4] =	sst s3  }
0xc: {  	[smem:$0x3FA5] =	sst s4  }
0xd: {  	[smem:$0x3FA6] =	sst s5  }
0xe: {  	[smem:$0x3FA7] =	sst s6  }
0xf: {  	[smem:$0x3FA8] =	sst s7  }
0x10: {  	[smem:$0x3FA9] =	sst s8  }
0x11: {  	[smem:$0x3FAA] =	sst s9;
	s0 =	simm.s32 @!p0 $0x0  }
0x12: {  	s1 =	sld [smem:$0x3F90];
	s0 =	simm.s32 @p0 $0x1  }
0x13: {  	[smem:$0x3FAB] =	sst s0;
	s0 =	simm.s32 @!p1 $0x0  }
0x14: {  	s2 =	sld [smem:$0x3F8F];
	s0 =	simm.s32 @p1 $0x1  }
0x15: {  	[smem:$0x3FAC] =	sst s0;
	s0 =	simm.s32 @!p2 $0x0  }
0x16: {  	s3 =	sld [smem:$0x3FDB];
	s0 =	simm.s32 @p2 $0x1  }
0x17: {  	s4 =	simm.s32 $0x1BF5;
	[smem:$0x3FAE] =	sst s0  }
0x18: {  	s0 =	sld [smem:$0x3F91];
	_ =	swait.ge [sflag:s4], $0x0  }
0x19: {  	s7 =	sld [smem:$0x3F92]  }
0x1a: {  	s8 =	sadd.s32 $0xFFFFE003, lr  }
0x1b: {  	s9 =	sadd.s32 $0xFFFFFEF7, lr;
	s5 =	simm.s32 $0xFFFFFFFF;
	p2 =	slt.u32 s8, $0xFFFFF086  }
0x1c: {  	p1 =	slt.u32 s9, $0xF7A;
	s5 =	simm.s32 @!p2 $0x0  }
0x1d: {  	s5 =	simm.s32 @p1 $0x1;
	p0 =	seq.s32 s7, s2  }
0x1e: {  	s7 =	smul.u32 @!p0 $0xF7A, s2;
	p2 =	seq.s32 @!p0 s5, $0x0  }
0x1f: {  	s9 =	smul.u32 $0xF7A, s1;
	s8 =	simm.s32 @!p0 $0x1BF5;
	p2 =	por !p2, p0  }
0x20: {  	[sflag:s8] =	ssyncset.s32 @!p0 $0xFFFFF086;
	s6 =	sadd.s32 @!p0 s3, s7;
	s7 =	simm.s32 @!p0 $0x108  }
0x21: {  	s3 =	sadd.s32 s3, s9;
	s6 =	sadd.s32 @!p0 $0x88, s6;
	s7 =	simm.s32 @p2 $0x1082  }
0x22: {  	[simem:s7], [sflag:s8] =	dma.local @!p0 [hbm:s6], $0xF7A  }
0x23: {  	s9 =	sor.u32 $0xD0000000, s2;
	s6 =	simm.s32 $0x108;
	_ =	swait.ge @!p0 [sflag:s8], $0x0  }
0x24: {  	s3 =	sadd.s32 $0x88, s3;
	s6 =	simm.s32 @!p1 $0x1082;
	[sflag:s4] =	ssyncset.s32 $0xFFFFF086  }
0x25: {  	[simem:s6], [sflag:s4] =	dma.local [hbm:s3], $0xF7A  }
0x26: {  	[smem:$0x3F92] =	sst s1;
	(tag) =	ssettag s2;
	_ =	strace s9  }
0x27: {  	s1 =	sld [smem:$0x3FA2]  }
0x28: {  	s2 =	sld [smem:$0x3FA3]  }
0x29: {  	s4 =	sld [smem:$0x3FA5]  }
0x2a: {  	p0 =	seq.s32 s5, $0x0;
	s5 =	sld [smem:$0x3FA6]  }
0x2b: {  	s6 =	sld [smem:$0x3FA7]  }
0x2c: {  	s7 =	sld [smem:$0x3FA8]  }
0x2d: {  	s3 =	simm.s32 $0x108;
	s8 =	sld [smem:$0x3FA9]  }
0x2e: {  	s3 =	simm.s32 @!p0 $0x1082;
	s9 =	sld [smem:$0x3FAA]  }
0x2f: {  	lr =	sadd.s32 s0, s3;
	s0 =	sld [smem:$0x3FA1]  }
0x30: {  	s3 =	sld [smem:$0x3FA4]  }
0x31: {  	[smem:$0x3FAD] =	sst s10  }
0x32: {  	s10 =	sld [smem:$0x3FAB];
	_ =	sdelay $0x3  }
0x33: {  	p0 =	seq.s32 s10, $0x1;
	s10 =	sld [smem:$0x3FAD];
	_ =	sdelay $0x3  }
0x34: {  	[smem:$0x3FAD] =	sst s10  }
0x35: {  	s10 =	sld [smem:$0x3FAC];
	_ =	sdelay $0x3  }
0x36: {  	p1 =	seq.s32 s10, $0x1;
	s10 =	sld [smem:$0x3FAD];
	_ =	sdelay $0x3  }
0x37: {  	[smem:$0x3FAD] =	sst s10  }
0x38: {  	s10 =	sld [smem:$0x3FAE]  }
0x39: {  	_ = 	snop;
	(pc) =	sbr.ind lr, $3  }
0x3a: {  	_ = 	snop  }
0x3b: {  	_ = 	snop  }
0x3c: {  	p2 =	seq.s32 s10, $0x1;
	s10 =	sld [smem:$0x3FAD]  }
0x3d: {  	_ =	shalt  }
0x3e: {  	_ =	shalt  }
0x3f: {  	_ =	shalt  }
0x40: {  	_ =	shalt  }
0x41: {  	_ =	shalt  }
0x42: {  	_ =	shalt  }
0x43: {  	_ =	shalt  }
0x44: {  	_ =	shalt  }
0x45: {  	_ =	shalt  }
0x46: {  	_ =	shalt  }
0x47: {  	_ =	shalt  }
0x48: {  	_ =	shalt  }
0x49: {  	_ =	shalt  }
0x4a: {  	_ =	shalt  }
0x4b: {  	_ =	shalt  }
0x4c: {  	_ =	shalt  }
0x4d: {  	_ =	shalt  }
0x4e: {  	_ =	shalt  }
0x4f: {  	_ =	shalt  }
0x50: {  	_ =	shalt  }
0x51: {  	_ =	shalt  }
0x52: {  	_ =	shalt  }
0x53: {  	_ =	shalt  }
0x54: {  	_ =	shalt  }
0x55: {  	_ =	shalt  }
0x56: {  	_ =	shalt  }
0x57: {  	_ =	shalt  }
0x58: {  	_ =	shalt  }
0x59: {  	_ =	shalt  }
0x5a: {  	_ =	shalt  }
0x5b: {  	_ =	shalt  }
0x5c: {  	_ =	shalt  }
0x5d: {  	_ =	shalt  }
0x5e: {  	_ =	shalt  }
0x5f: {  	_ =	shalt  }
0x60: {  	_ =	shalt  }
0x61: {  	_ =	shalt  }
0x62: {  	_ =	shalt  }
0x63: {  	_ =	shalt  }
0x64: {  	_ =	shalt  }
0x65: {  	_ =	shalt  }
0x66: {  	_ =	shalt  }
0x67: {  	_ =	shalt  }
0x68: {  	_ =	shalt  }
0x69: {  	_ =	shalt  }
0x6a: {  	_ =	shalt  }
0x6b: {  	_ =	shalt  }
0x6c: {  	_ =	shalt  }
0x6d: {  	_ =	shalt  }
0x6e: {  	_ =	shalt  }
0x6f: {  	_ =	shalt  }
0x70: {  	_ =	shalt  }
0x71: {  	_ =	shalt  }
0x72: {  	_ =	shalt  }
0x73: {  	_ =	shalt  }
0x74: {  	_ =	shalt  }
0x75: {  	_ =	shalt  }
0x76: {  	_ =	shalt  }
0x77: {  	_ =	shalt  }
0x78: {  	_ =	shalt  }
0x79: {  	_ =	shalt  }
0x7a: {  	_ =	shalt  }
0x7b: {  	_ =	shalt  }
0x7c: {  	_ =	shalt  }
0x7d: {  	_ =	shalt  }
0x7e: {  	_ =	shalt  }
0x7f: {  	_ =	shalt  }
0x80: {  	_ =	shalt  }
0x81: {  	_ =	shalt  }
0x82: {  	_ =	shalt  }
0x83: {  	_ =	shalt  }
0x84: {  	_ =	shalt  }
0x85: {  	_ =	shalt  }
0x86: {  	_ =	shalt  }
0x87: {  	_ =	shalt  }
.Lfunc_end0:
.L_simem_size_0:
called_computation.3_lowered:
.L_overlay_start_0:
0x88: {  	s2 =	sld [smem:$0x3FD9]  }
0x89: {  	s3 =	sld [smem:$0x3FFE];
	_ =	sdelay $0x1  }
0x8a: {  	s1 =	srdreg.scid  }
0x8b: {  	s0 =	sand.u32 $0x1, s1  }
0x8c: {  	s16 =	sshll.u32 s0, $0xA;
	s2 =	sadd.s32 s3, s2  }
0x8d: {  	s2 =	sadd.s32 s2, s16  }
0x8e: {  	[smem:$0x3FB9] =	sst s2  }
0x8f: {  	_ = 	snop  }
0x90: {  	(tm) =	ssettm $0x1  }
0x91: {  	s17 =	sld [smem:$0x3FFB];
	_ =	sdelay $0x3  }
0x92: {  	_ =	strace s17  }
0x93: {  	s2 =	sld [smem:$0x3FFC];
	_ =	sdelay $0x3  }
0x94: {  	_ =	strace s2  }
0x95: {  	s2 =	sld [smem:$0x3FFD];
	_ =	sdelay $0x3  }
0x96: {  	_ =	strace s2  }
0x97: {  	_ =	strace $0x8FFFFFFF  }
0x98: {  	s18 =	sld [smem:$0x3FDB];
	_ =	sdelay $0x1  }
0x99: {  	s19 =	simm.s32 $_scs_section_size  }
0x9a: {  	s4 =	simm.s32 $_size__tile_overlayer_lowered;
	s5 =	simm.s32 $_tile_overlayer_lowered  }
0x9b: {  	s22 =	simm.s32 $0x1BFF;
	s21 =	sshll.u32 s5, $0x1;
	s2 =	sadd.s32 s19, s18  }
0x9c: {  	s6 =	simm.s32 $0x0;
	s20 =	sshll.u32 s4, $0x1;
	s4 =	sadd.s32 s21, s2  }
0x9d: {  	[timem:s6], [sflag:s22] =	dma.local [hbm:s4], s20  }
0x9e: {  	_ =	swait.ge [sflag:s22], s20  }
0x9f: {  	s3 =	ssub.s32 $0x0, s20;
	[sflag:s22] =	ssyncset.done $0x0  }
0xa0: {  	[sflag:s22] =	ssyncadd.s32 s3;
	_ =	sdelay $0x1  }
0xa1: {  	s23 =	simm.s32 $0x1B8B  }
0xa2: {  	_ =	swait.ge [sflag:s23], $0x1  }
0xa3: {  	[sflag:s23] =	ssyncset.done $0x0  }
0xa4: {  	s25 =	simm.s32 $0x1B8E;
	s24 =	sld [smem:$0x3FFE];
	[sflag:s23] =	ssyncadd.s32 $0xFFFFFFFF  }
0xa5: {  	s26 =	simm.s32 $execute0_lowered;
	[smem:$0x3FD2] =	sst s25  }
0xa6: {  	s4 =	sshll.u32 s26, $0x1;
	_ =	strace $0x8000004F;
	[dreg:$0x1] =	wrdreg $0xFFFFFFFF  }
0xa7: {  	s28 =	simm.s32 $_size_execute0_lowered;
	s2 =	sadd.s32 s2, s4;
	[dreg:$0x0] =	wrdreg $0x0  }
0xa8: {  	s4 =	sshll.u32 s28, $0x1;
	[dreg:$0x2] =	wrdreg s2  }
0xa9: {  	[dreg:$0x3] =	wrdreg s4  }
0xaa: {  	[dreg:$0x4] =	wrdreg $0xC0  }
0xab: {  	_ =	task [dreg:s6], $0x5FFFF  }
0xac: {  	[dreg:$0x1] =	wrdreg $0xFFFFFFFF  }
0xad: {  	[dreg:$0x0] =	wrdreg $0x60  }
0xae: {  	[dreg:$0x2] =	wrdreg s24  }
0xaf: {  	[dreg:$0x3] =	wrdreg $0xDD000  }
0xb0: {  	[dreg:$0x4] =	wrdreg $0x9  }
0xb1: {  	_ =	task.clear_ibuf [dreg:s6], $0x5FFFF;
	_ =	strace $0x9000004F  }
0xb2: {  	s29 =	simm.s32 $0x9;
	_ =	strace $0x80000051  }
0xb3: {  	_ =	swait.ge [sflag:s29], $0x1  }
0xb4: {  	[sflag:s29] =	ssyncadd.s32 $0xFFFFFFFF  }
0xb5: {  	_ =	strace $0x90000051  }
0xb6: {  	_ =	sfence  }
0xb7: {  	s30 =	sld [smem:$0x0];
	_ =	sdelay $0x2  }
0xb8: {  	s31 =	sshll.u32 s1, $0xD;
	s1 =	sshrl.u32 s1, $0x2  }
0xb9: {  	s3 =	sand.u32 $0x4000, s31;
	s1 =	sadd.s32 s1, s30  }
0xba: {  	s0 =	sor.u32 s3, s0;
	s1 =	sshll.u32 s1, $0x11  }
0xbb: {  	s0 =	sor.u32 s1, s0  }
0xbc: {  	s0 =	sadd.s32 $0x8F2B, s0  }
0xbd: {  	[sflag:s0] =	ssyncadd.remote.s32 $0x1  }
0xbe: {  	_ =	sfence.sel $0xFFFF  }
0xbf: {  	[dreg:$0x0] =	wrdreg $0xFFFFFFFF;
	(pc) =	sbr.abs _section_cstart, $3  }
0xc0: {  	[dreg:$0x1] =	wrdreg $0xFFFFFFFF  }
0xc1: {  	_ =	task.clear_ibuf [dreg:s6], $0x2FFFF;
	_ =	strace $0x9FFFFFFF  }
0xc2: {  	(tm) =	ssettm $0x7FFFFFFF  }
0xc3: {  	_ =	shalt  }
tec
execute0_lowered:
.L_overlay_start_1:
0x0: {  	(tag) =	ssettag $0x1  }
0x1: {  	s6 =	rddreg [dreg:$0x0]  }
0x2: {  	s0 =	srdreg.scid;
	s2 =	rddreg [dreg:$0x1]  }
0x3: {  	s3 =	simm.s32 $0x0;
	s13 =	simm.s32 $0x4E80;
	s14 =	simm.s32 $0x80  }
0x4: {  	s15 =	simm.s32 $0x9D00;
	s16 =	simm.s32 $0xBD00;
	s17 =	simm.s32 $0x1  }
0x5: {  	s18 =	simm.s32 $0x2;
	s5 =	sand.u32 $0x1, s0;
	s0 =	stileid.u32  }
0x6: {  	s19 =	simm.s32 $0x9C80;
	s20 =	simm.s32 $0x0;
	s8 =	smul.u32 $0x9E00, s0  }
0x7: {  	[smem:$0x7FF] =	sst s3;
	s4 =	sadd.s32 $0x2A7200, s6;
	s9 =	smul.u32 $0x9E000, s5  }
0x8: {  	s1 =	sshll.u32 s5, $0x4;
	s10 =	smul.u32 $0x9D0, s0;
	s11 =	ssub.s32 $0x2, s5  }
0x9: {  	s5 =	sadd.s32 $0x26A400, s6;
	s31 =	sshll.u32 s0, $0x6;
	s1 =	sor.u32 s0, s1  }
0xa: {  	s30 =	sshrl.u32 s11, $0x1;
	s7 =	smul.u32 $0x9D0, s1;
	s1 =	rddreg [dreg:$0x2]  }
0xb: {  	_ =	strace $0x80000050;
	s9 =	sadd.s32 s8, s9;
	s10 =	sadd.s32 s10, s6  }
0xc: {  	s11 =	ssub.s32 s11, s30;
	s12 =	sadd.s32 s8, s2;
	s9 =	sshrl.u32 s9, $0x3  }
0xd: {  	s8 =	sadd.s32 $0x260600, s10;
	s10 =	smax.u32 s11, $0x1;
	s11 =	sshrl.u32 s12, $0x3  }
0xe: {  	s12 =	simm.s32 $0x3;
	s7 =	sadd.s32 s7, s6;
	s9 =	sadd.s32 s9, s6  }
0xf: {  	s6 =	sor.u32 $0x1C03, s31;
	s7 =	sadd.s32 $0x2C00, s7;
	s9 =	sadd.s32 $0x26B800, s9  }
.LBB2_1:
0x10: {  	[spmem:s11], [sflag:s6] =	dma.local [hbm:s5], $0x13C0  }
0x11: {  	_ =	swait.ge [sflag:s12], $0x13C0  }
0x12: {  	[sflag:s12] =	ssyncset.done $0x0  }
0x13: {  	[sflag:s12] =	ssyncadd.s32 $0xFFFFEC40  }
0x14: {  	[tilespmem:s3], [sflag:$0x3] =	stream.linear.gather [hbm4b:s7+s3], $0x4E80, $0x38;
	[tilespmem:$0x17B00] =	vst v63  }
0x15: {  	_ =	swait.ge [sflag:s12], $0x4E80  }
0x16: {  	[sflag:s12] =	ssyncset.done $0x0  }
0x17: {  	[sflag:s12] =	ssyncadd.s32 $0xFFFFB180  }
0x18: {  	[tilespmem:s13], [sflag:$0x3] =	stream.linear.gather [hbm4b:s8+s3], $0x4E80, $0x38;
	[tilespmem:$0x17B00] =	vst v63  }
0x19: {  	_ =	swait.ge [sflag:s12], $0x4E80  }
0x1a: {  	[sflag:s12] =	ssyncset.done $0x0  }
0x1b: {  	[sflag:s12] =	ssyncadd.s32 $0xFFFFB180  }
0x1c: {  	[tilespmem:s15], [sflag:$0x1] =	stream.indirect.gather [hbm4b:s4+s14], $0x40, s3, s14, $0xb8;
	[tilespmem:$0x17B00] =	vst v63  }
0x1d: {  	s21 =	simm.s32 $0x80;
	[bflag:$0x0] =	sbarrier.arrive $0xFFFF  }
0x1e: {  	[tilespmem:s16], [sflag:$0x2] =	stream.indirect.gather [hbm4b:s4+s14], $0x40, s21, s14, $0xb8;
	[tilespmem:$0x17B00] =	vst v63  }
0x1f: {  	_ =	swait.ge [sflag:s17], $0x2000  }
0x20: {  	[sflag:s17] =	ssyncset.done $0x0  }
0x21: {  	s29 =	simm.s32 $0x4E80;
	[sflag:s17] =	ssyncadd.s32 $0xFFFFE000  }
0x22: {  	[spmem:s2] =	stream.indirect.scatter.add.f32 [tilespmem:s15], [sflag:$0x3], $0x40, s29, s14, $0xb8;
	[tilespmem:$0x17B00] =	vst v63  }
0x23: {  	_ =	swait.ge [sflag:s12], $0x2000  }
0x24: {  	[sflag:s12] =	ssyncset.done $0x0  }
0x25: {  	s30 =	simm.s32 $0x100;
	[sflag:s12] =	ssyncadd.s32 $0xFFFFE000  }
0x26: {  	[tilespmem:s15], [sflag:$0x1] =	stream.indirect.gather [hbm4b:s4+s14], $0x40, s30, s14, $0xb8;
	[tilespmem:$0x17B00] =	vst v63  }
0x27: {  	_ =	swait.ge [sflag:s18], $0x2000  }
0x28: {  	[sflag:s18] =	ssyncset.done $0x0  }
0x29: {  	s31 =	simm.s32 $0x4F00;
	[sflag:s18] =	ssyncadd.s32 $0xFFFFE000  }
0x2a: {  	[spmem:s2] =	stream.indirect.scatter.add.f32 [tilespmem:s16], [sflag:$0x3], $0x40, s31, s14, $0xb8;
	[tilespmem:$0x17B00] =	vst v63  }
0x2b: {  	_ =	swait.ge [sflag:s12], $0x2000  }
0x2c: {  	s22 =	simm.s32 $0x800;
	s21 =	simm.s32 $0x100;
	[sflag:s12] =	ssyncset.done $0x0  }
.LBB2_2:
0x2d: {  	s23 =	sadd.s32 $0x80, s21  }
0x2e: {  	[sflag:s12] =	ssyncadd.s32 $0xFFFFE000;
	s24 =	smov.u32 s22;
	s25 =	sadd.s32 $0x400, s22  }
0x2f: {  	[tilespmem:s16], [sflag:$0x2] =	stream.indirect.gather [hbm4b:s4+s14], $0x40, s23, s14, $0xb8;
	[tilespmem:$0x17B00] =	vst v63  }
0x30: {  	p0 =	sne.s32 s22, $0x13400;
	_ =	swait.ge [sflag:s17], $0x2000  }
0x31: {  	[sflag:s17] =	ssyncset.done $0x0  }
0x32: {  	s22 =	sadd.s32 $0x4E80, s21;
	[sflag:s17] =	ssyncadd.s32 $0xFFFFE000  }
0x33: {  	[spmem:s2] =	stream.indirect.scatter.add.f32 [tilespmem:s15], [sflag:$0x3], $0x40, s22, s14, $0xb8;
	[tilespmem:$0x17B00] =	vst v63  }
0x34: {  	_ =	swait.ge [sflag:s12], $0x2000  }
0x35: {  	[sflag:s12] =	ssyncset.done $0x0  }
0x36: {  	s22 =	sadd.s32 $0x100, s21;
	[sflag:s12] =	ssyncadd.s32 $0xFFFFE000  }
0x37: {  	[tilespmem:s15], [sflag:$0x1] =	stream.indirect.gather [hbm4b:s4+s14], $0x40, s22, s14, $0xb8;
	[tilespmem:$0x17B00] =	vst v63  }
0x38: {  	_ =	swait.ge [sflag:s18], $0x2000  }
.Ltmp0:
0x39: {  	[sflag:s18] =	ssyncset.done $0x0;
	(pc) =	sbr.rel @p0 .LBB2_2-.Ltmp0, $4  }
0x3a: {  	s21 =	sadd.s32 $0x4F00, s21;
	[sflag:s18] =	ssyncadd.s32 $0xFFFFE000  }
0x3b: {  	[spmem:s2] =	stream.indirect.scatter.add.f32 [tilespmem:s16], [sflag:$0x3], $0x40, s21, s14, $0xb8;
	[tilespmem:$0x17B00] =	vst v63  }
0x3c: {  	_ =	swait.ge [sflag:s12], $0x2000  }
0x3d: {  	s22 =	smov.u32 s25;
	s21 =	sshra.s32 s24, $0x2;
	[sflag:s12] =	ssyncset.done $0x0  }
0x3e: {  	s22 =	sadd.s32 $0x80, s21;
	[sflag:s12] =	ssyncadd.s32 $0xFFFFE000  }
0x3f: {  	[tilespmem:s16], [sflag:$0x2] =	stream.indirect.gather [hbm4b:s4+s14], $0x40, s22, s14, $0xb8;
	[tilespmem:$0x17B00] =	vst v63  }
0x40: {  	_ =	swait.ge [sflag:s17], $0x2000  }
0x41: {  	[sflag:s17] =	ssyncset.done $0x0  }
0x42: {  	s29 =	sadd.s32 $0x4E80, s21;
	[sflag:s17] =	ssyncadd.s32 $0xFFFFE000  }
0x43: {  	[spmem:s2] =	stream.indirect.scatter.add.f32 [tilespmem:s15], [sflag:$0x3], $0x40, s29, s14, $0xb8;
	[tilespmem:$0x17B00] =	vst v63  }
0x44: {  	_ =	swait.ge [sflag:s12], $0x2000  }
0x45: {  	[sflag:s12] =	ssyncset.done $0x0  }
0x46: {  	s30 =	sadd.s32 $0x100, s21;
	[sflag:s12] =	ssyncadd.s32 $0xFFFFE000  }
0x47: {  	[tilespmem:s15], [sflag:$0x1] =	stream.indirect.gather [hbm4b:s4+s14], $0x40, s30, s14, $0xb8;
	[tilespmem:$0x17B00] =	vst v63  }
0x48: {  	_ =	swait.ge [sflag:s18], $0x2000  }
0x49: {  	[sflag:s18] =	ssyncset.done $0x0  }
0x4a: {  	s31 =	sadd.s32 $0x4F00, s21;
	[sflag:s18] =	ssyncadd.s32 $0xFFFFE000  }
0x4b: {  	[spmem:s2] =	stream.indirect.scatter.add.f32 [tilespmem:s16], [sflag:$0x3], $0x40, s31, s14, $0xb8;
	[tilespmem:$0x17B00] =	vst v63  }
0x4c: {  	_ =	swait.ge [sflag:s12], $0x2000  }
0x4d: {  	[sflag:s12] =	ssyncset.done $0x0  }
0x4e: {  	[sflag:s12] =	ssyncadd.s32 $0xFFFFE000  }
0x4f: {  	_ =	swait.ge [sflag:s17], $0x2000  }
0x50: {  	[sflag:s17] =	ssyncset.done $0x0  }
0x51: {  	[sflag:s17] =	ssyncadd.s32 $0xFFFFE000  }
0x52: {  	[spmem:s2] =	stream.indirect.scatter.add.f32 [tilespmem:s15], [sflag:$0x3], $0x40, s19, s14, $0xb8;
	[tilespmem:$0x17B00] =	vst v63  }
0x53: {  	_ =	swait.ge [sflag:s12], $0x2000  }
0x54: {  	s20 =	sadd.s32 $0x1, s20;
	[sflag:s12] =	ssyncset.done $0x0  }
0x55: {  	p0 =	sne.s32 s20, s10;
	[sflag:s12] =	ssyncadd.s32 $0xFFFFE000  }
.Ltmp1:
0x56: {  	[bflag:$0x0] =	sbarrier.arrive $0xFFFF;
	(pc) =	sbr.rel @p0 .LBB2_1-.Ltmp1, $4  }
0x57: {  	[hbm:s9], [sflag:s6] =	dma.local [spmem:s11], $0x13C0  }
0x58: {  	_ =	swait.ge [sflag:s12], $0x13C0  }
0x59: {  	[sflag:s12] =	ssyncset.done $0x0  }
0x5a: {  	[sflag:s12] =	ssyncadd.s32 $0xFFFFEC40  }
0x5b: {  	_ =	sfence.sel $0x180000  }
0x5c: {  	[bflag:$0x0] =	sbarrier.arrive $0xFFFF  }
0x5d: {  	p0 =	sne.s32 s0, $0x0;
	_ =	strace $0x90000050  }
0x5e: {  	s0 =	sadd.s32 @!p0 $0x100000, s1;
	[bflag:$0x2] =	sbarrier.arrive $0xFFFF  }
0x5f: {  	[sflag:s0] =	ssyncadd.tile.s32 @!p0 $0x1;
	_ =	shalt  }
.Lfunc_end2:
_tile_overlayer_lowered:
.L_overlay_start_2:
0x60: {  	(tag) =	ssettag $0x2  }
0x61: {  	s0 =	rddreg [dreg:$0x0];
	s2 =	stileid.u32  }
0x62: {  	s1 =	rddreg [dreg:$0x1];
	p0 =	sne.s32 s2, $0x0  }
0x63: {  	s3 =	rddreg [dreg:$0x2];
	[bflag:$0x3] =	sbarrier.arrive $0xFFFF;
	s2 =	simm.s32 @!p0 $0x1C03  }
0x64: {  	[timem:s3], [sflag:s2] =	dma.local @!p0 [hbm:s0], s1  }
0x65: {  	s0 =	simm.s32 @!p0 $0x3  }
0x66: {  	_ =	swait.ge @!p0 [sflag:s0], s1  }
0x67: {  	s1 =	ssub.s32 @!p0 $0x0, s1;
	[sflag:s0] =	ssyncset.done @!p0 $0x0  }
0x68: {  	[sflag:s0] =	ssyncadd.s32 @!p0 s1  }
0x69: {  	[bflag:$0x3] =	sbarrier.arrive $0xFFFF  }
0x6a: {  	_ =	shalt  }

// kernel: kernel.24.cloned.1.call-start
scs
__scs_entry_jumppad:
0x0: {  	(pc) =	sbr.rel $0x88, $3  }
0x1: {  	(tag) =	ssettag $0x0;
	lr =	simm.s32 $0x1  }
0x2: {  	[smem:$0x3F92] =	sst lr;
	_ =	strace $0xD0000000  }
0x3: {  	_ = 	snop  }
0x4: {  	_ = 	snop  }
0x5: {  	_ = 	snop  }
0x6: {  	_ = 	snop  }
0x7: {  	_ = 	snop  }
__scs_overlays_trampoline_lowered:
0x8: {  	[smem:$0x3FA1] =	sst s0  }
0x9: {  	[smem:$0x3FA2] =	sst s1  }
0xa: {  	[smem:$0x3FA3] =	sst s2  }
0xb: {  	[smem:$0x3FA4] =	sst s3  }
0xc: {  	[smem:$0x3FA5] =	sst s4  }
0xd: {  	[smem:$0x3FA6] =	sst s5  }
0xe: {  	[smem:$0x3FA7] =	sst s6  }
0xf: {  	[smem:$0x3FA8] =	sst s7  }
0x10: {  	[smem:$0x3FA9] =	sst s8  }
0x11: {  	[smem:$0x3FAA] =	sst s9;
	s0 =	simm.s32 @!p0 $0x0  }
0x12: {  	s1 =	sld [smem:$0x3F90];
	s0 =	simm.s32 @p0 $0x1  }
0x13: {  	[smem:$0x3FAB] =	sst s0;
	s0 =	simm.s32 @!p1 $0x0  }
0x14: {  	s2 =	sld [smem:$0x3F8F];
	s0 =	simm.s32 @p1 $0x1  }
0x15: {  	[smem:$0x3FAC] =	sst s0;
	s0 =	simm.s32 @!p2 $0x0  }
0x16: {  	s3 =	sld [smem:$0x3FDB];
	s0 =	simm.s32 @p2 $0x1  }
0x17: {  	s4 =	simm.s32 $0x1BF5;
	[smem:$0x3FAE] =	sst s0  }
0x18: {  	s0 =	sld [smem:$0x3F91];
	_ =	swait.ge [sflag:s4], $0x0  }
0x19: {  	s7 =	sld [smem:$0x3F92]  }
0x1a: {  	s8 =	sadd.s32 $0xFFFFE003, lr  }
0x1b: {  	s9 =	sadd.s32 $0xFFFFFEF7, lr;
	s5 =	simm.s32 $0xFFFFFFFF;
	p2 =	slt.u32 s8, $0xFFFFF086  }
0x1c: {  	p1 =	slt.u32 s9, $0xF7A;
	s5 =	simm.s32 @!p2 $0x0  }
0x1d: {  	s5 =	simm.s32 @p1 $0x1;
	p0 =	seq.s32 s7, s2  }
0x1e: {  	s7 =	smul.u32 @!p0 $0xF7A, s2;
	p2 =	seq.s32 @!p0 s5, $0x0  }
0x1f: {  	s9 =	smul.u32 $0xF7A, s1;
	s8 =	simm.s32 @!p0 $0x1BF5;
	p2 =	por !p2, p0  }
0x20: {  	[sflag:s8] =	ssyncset.s32 @!p0 $0xFFFFF086;
	s6 =	sadd.s32 @!p0 s3, s7;
	s7 =	simm.s32 @!p0 $0x108  }
0x21: {  	s3 =	sadd.s32 s3, s9;
	s6 =	sadd.s32 @!p0 $0x88, s6;
	s7 =	simm.s32 @p2 $0x1082  }
0x22: {  	[simem:s7], [sflag:s8] =	dma.local @!p0 [hbm:s6], $0xF7A  }
0x23: {  	s9 =	sor.u32 $0xD0000000, s2;
	s6 =	simm.s32 $0x108;
	_ =	swait.ge @!p0 [sflag:s8], $0x0  }
0x24: {  	s3 =	sadd.s32 $0x88, s3;
	s6 =	simm.s32 @!p1 $0x1082;
	[sflag:s4] =	ssyncset.s32 $0xFFFFF086  }
0x25: {  	[simem:s6], [sflag:s4] =	dma.local [hbm:s3], $0xF7A  }
0x26: {  	[smem:$0x3F92] =	sst s1;
	(tag) =	ssettag s2;
	_ =	strace s9  }
0x27: {  	s1 =	sld [smem:$0x3FA2]  }
0x28: {  	s2 =	sld [smem:$0x3FA3]  }
0x29: {  	s4 =	sld [smem:$0x3FA5]  }
0x2a: {  	p0 =	seq.s32 s5, $0x0;
	s5 =	sld [smem:$0x3FA6]  }
0x2b: {  	s6 =	sld [smem:$0x3FA7]  }
0x2c: {  	s7 =	sld [smem:$0x3FA8]  }
0x2d: {  	s3 =	simm.s32 $0x108;
	s8 =	sld [smem:$0x3FA9]  }
0x2e: {  	s3 =	simm.s32 @!p0 $0x1082;
	s9 =	sld [smem:$0x3FAA]  }
0x2f: {  	lr =	sadd.s32 s0, s3;
	s0 =	sld [smem:$0x3FA1]  }
0x30: {  	s3 =	sld [smem:$0x3FA4]  }
0x31: {  	[smem:$0x3FAD] =	sst s10  }
0x32: {  	s10 =	sld [smem:$0x3FAB];
	_ =	sdelay $0x3  }
0x33: {  	p0 =	seq.s32 s10, $0x1;
	s10 =	sld [smem:$0x3FAD];
	_ =	sdelay $0x3  }
0x34: {  	[smem:$0x3FAD] =	sst s10  }
0x35: {  	s10 =	sld [smem:$0x3FAC];
	_ =	sdelay $0x3  }
0x36: {  	p1 =	seq.s32 s10, $0x1;
	s10 =	sld [smem:$0x3FAD];
	_ =	sdelay $0x3  }
0x37: {  	[smem:$0x3FAD] =	sst s10  }
0x38: {  	s10 =	sld [smem:$0x3FAE]  }
0x39: {  	_ = 	snop;
	(pc) =	sbr.ind lr, $3  }
0x3a: {  	_ = 	snop  }
0x3b: {  	_ = 	snop  }
0x3c: {  	p2 =	seq.s32 s10, $0x1;
	s10 =	sld [smem:$0x3FAD]  }
0x3d: {  	_ =	shalt  }
0x3e: {  	_ =	shalt  }
0x3f: {  	_ =	shalt  }
0x40: {  	_ =	shalt  }
0x41: {  	_ =	shalt  }
0x42: {  	_ =	shalt  }
0x43: {  	_ =	shalt  }
0x44: {  	_ =	shalt  }
0x45: {  	_ =	shalt  }
0x46: {  	_ =	shalt  }
0x47: {  	_ =	shalt  }
0x48: {  	_ =	shalt  }
0x49: {  	_ =	shalt  }
0x4a: {  	_ =	shalt  }
0x4b: {  	_ =	shalt  }
0x4c: {  	_ =	shalt  }
0x4d: {  	_ =	shalt  }
0x4e: {  	_ =	shalt  }
0x4f: {  	_ =	shalt  }
0x50: {  	_ =	shalt  }
0x51: {  	_ =	shalt  }
0x52: {  	_ =	shalt  }
0x53: {  	_ =	shalt  }
0x54: {  	_ =	shalt  }
0x55: {  	_ =	shalt  }
0x56: {  	_ =	shalt  }
0x57: {  	_ =	shalt  }
0x58: {  	_ =	shalt  }
0x59: {  	_ =	shalt  }
0x5a: {  	_ =	shalt  }
0x5b: {  	_ =	shalt  }
0x5c: {  	_ =	shalt  }
0x5d: {  	_ =	shalt  }
0x5e: {  	_ =	shalt  }
0x5f: {  	_ =	shalt  }
0x60: {  	_ =	shalt  }
0x61: {  	_ =	shalt  }
0x62: {  	_ =	shalt  }
0x63: {  	_ =	shalt  }
0x64: {  	_ =	shalt  }
0x65: {  	_ =	shalt  }
0x66: {  	_ =	shalt  }
0x67: {  	_ =	shalt  }
0x68: {  	_ =	shalt  }
0x69: {  	_ =	shalt  }
0x6a: {  	_ =	shalt  }
0x6b: {  	_ =	shalt  }
0x6c: {  	_ =	shalt  }
0x6d: {  	_ =	shalt  }
0x6e: {  	_ =	shalt  }
0x6f: {  	_ =	shalt  }
0x70: {  	_ =	shalt  }
0x71: {  	_ =	shalt  }
0x72: {  	_ =	shalt  }
0x73: {  	_ =	shalt  }
0x74: {  	_ =	shalt  }
0x75: {  	_ =	shalt  }
0x76: {  	_ =	shalt  }
0x77: {  	_ =	shalt  }
0x78: {  	_ =	shalt  }
0x79: {  	_ =	shalt  }
0x7a: {  	_ =	shalt  }
0x7b: {  	_ =	shalt  }
0x7c: {  	_ =	shalt  }
0x7d: {  	_ =	shalt  }
0x7e: {  	_ =	shalt  }
0x7f: {  	_ =	shalt  }
0x80: {  	_ =	shalt  }
0x81: {  	_ =	shalt  }
0x82: {  	_ =	shalt  }
0x83: {  	_ =	shalt  }
0x84: {  	_ =	shalt  }
0x85: {  	_ =	shalt  }
0x86: {  	_ =	shalt  }
0x87: {  	_ =	shalt  }
.Lfunc_end0:
.L_simem_size_0:
called_computation.4_lowered:
.L_overlay_start_0:
0x88: {  	s2 =	sld [smem:$0x3FD9]  }
0x89: {  	s3 =	sld [smem:$0x3FFE];
	_ =	sdelay $0x1  }
0x8a: {  	s1 =	srdreg.scid  }
0x8b: {  	s0 =	sand.u32 $0x1, s1  }
0x8c: {  	s17 =	sshll.u32 s0, $0xA;
	s2 =	sadd.s32 s3, s2  }
0x8d: {  	s2 =	sadd.s32 s2, s17  }
0x8e: {  	[smem:$0x3FB9] =	sst s2  }
0x8f: {  	_ = 	snop  }
0x90: {  	s2 =	sld [smem:$0x3FD0];
	(tm) =	ssettm $0x1  }
0x91: {  	s18 =	sld [smem:$0x3FFB];
	_ =	sdelay $0x3  }
0x92: {  	_ =	strace s18  }
0x93: {  	s3 =	sld [smem:$0x3FFC];
	_ =	sdelay $0x3  }
0x94: {  	_ =	strace s3  }
0x95: {  	s3 =	sld [smem:$0x3FFD];
	_ =	sdelay $0x3  }
0x96: {  	_ =	strace s3  }
0x97: {  	_ =	strace $0x8FFFFFFF  }
0x98: {  	s19 =	sld [smem:$0x3FDB];
	_ =	sdelay $0x1  }
0x99: {  	s4 =	simm.s32 $_scs_section_size  }
0x9a: {  	s5 =	simm.s32 $_size__tile_overlayer_lowered;
	s6 =	simm.s32 $_tile_overlayer_lowered  }
0x9b: {  	s22 =	simm.s32 $0x1BFF;
	s21 =	sshll.u32 s6, $0x1;
	s3 =	sadd.s32 s4, s19  }
0x9c: {  	s7 =	simm.s32 $0x0;
	s20 =	sshll.u32 s5, $0x1;
	s5 =	sadd.s32 s21, s3  }
0x9d: {  	[timem:s7], [sflag:s22] =	dma.local [hbm:s5], s20  }
0x9e: {  	_ =	swait.ge [sflag:s22], s20  }
0x9f: {  	s4 =	ssub.s32 $0x0, s20;
	[sflag:s22] =	ssyncset.done $0x0  }
0xa0: {  	[sflag:s22] =	ssyncadd.s32 s4;
	_ =	sdelay $0x1  }
0xa1: {  	s23 =	simm.s32 $0x1B8B  }
0xa2: {  	_ =	swait.ge [sflag:s23], $0x1  }
0xa3: {  	[sflag:s23] =	ssyncset.done $0x0  }
0xa4: {  	s25 =	simm.s32 $0x1B8E;
	s24 =	sld [smem:$0x3FFE];
	[sflag:s23] =	ssyncadd.s32 $0xFFFFFFFF  }
0xa5: {  	s26 =	simm.s32 $execute0_lowered;
	[smem:$0x3FD2] =	sst s25  }
0xa6: {  	s5 =	sshll.u32 s26, $0x1;
	_ =	strace $0x80000052;
	[dreg:$0x1] =	wrdreg $0xFFFFFFFF  }
0xa7: {  	s28 =	simm.s32 $_size_execute0_lowered;
	s3 =	sadd.s32 s3, s5;
	[dreg:$0x0] =	wrdreg $0x0  }
0xa8: {  	s5 =	sshll.u32 s28, $0x1;
	[dreg:$0x2] =	wrdreg s3  }
0xa9: {  	[dreg:$0x3] =	wrdreg s5  }
0xaa: {  	[dreg:$0x4] =	wrdreg $0xC0  }
0xab: {  	_ =	task [dreg:s7], $0x5FFFF  }
0xac: {  	[dreg:$0x1] =	wrdreg $0xFFFFFFFF  }
0xad: {  	[dreg:$0x0] =	wrdreg $0x60  }
0xae: {  	[dreg:$0x2] =	wrdreg s2  }
0xaf: {  	[dreg:$0x3] =	wrdreg s24  }
0xb0: {  	[dreg:$0x4] =	wrdreg $0xDD000  }
0xb1: {  	[dreg:$0x5] =	wrdreg $0x9  }
0xb2: {  	_ =	task.clear_ibuf [dreg:s7], $0x6FFFF;
	_ =	strace $0x90000052  }
0xb3: {  	s29 =	simm.s32 $0x9;
	_ =	strace $0x80000054  }
0xb4: {  	_ =	swait.ge [sflag:s29], $0x1  }
0xb5: {  	[sflag:s29] =	ssyncadd.s32 $0xFFFFFFFF  }
0xb6: {  	_ =	strace $0x90000054  }
0xb7: {  	_ =	sfence  }
0xb8: {  	s30 =	sld [smem:$0x0];
	_ =	sdelay $0x2  }
0xb9: {  	s31 =	sshll.u32 s1, $0xD;
	s1 =	sshrl.u32 s1, $0x2  }
0xba: {  	s3 =	sand.u32 $0x4000, s31;
	s1 =	sadd.s32 s1, s30  }
0xbb: {  	s0 =	sor.u32 s3, s0;
	s1 =	sshll.u32 s1, $0x11  }
0xbc: {  	s0 =	sor.u32 s1, s0  }
0xbd: {  	s0 =	sadd.s32 $0x8F2B, s0  }
0xbe: {  	[sflag:s0] =	ssyncadd.remote.s32 $0x1  }
0xbf: {  	_ =	sfence.sel $0xFFFF  }
0xc0: {  	[dreg:$0x0] =	wrdreg $0xFFFFFFFF;
	(pc) =	sbr.abs _section_cstart, $3  }
0xc1: {  	[dreg:$0x1] =	wrdreg $0xFFFFFFFF  }
0xc2: {  	_ =	task.clear_ibuf [dreg:s7], $0x2FFFF;
	_ =	strace $0x9FFFFFFF  }
0xc3: {  	(tm) =	ssettm $0x7FFFFFFF  }
tec
execute0_lowered:
.L_overlay_start_1:
0x0: {  	(tag) =	ssettag $0x1  }
0x1: {  	s2 =	rddreg [dreg:$0x0]  }
0x2: {  	s0 =	srdreg.scid;
	s7 =	rddreg [dreg:$0x1]  }
0x3: {  	s3 =	rddreg [dreg:$0x2];
	s4 =	simm.s32 $0x0;
	s14 =	simm.s32 $0x80  }
0x4: {  	s15 =	simm.s32 $0x9D00;
	s16 =	simm.s32 $0xBD00;
	s17 =	simm.s32 $0x1  }
0x5: {  	s18 =	simm.s32 $0x2;
	s6 =	sand.u32 $0x1, s0;
	s0 =	stileid.u32  }
0x6: {  	s19 =	simm.s32 $0x9C80;
	s20 =	simm.s32 $0x0;
	s8 =	smul.u32 $0x9D0, s0  }
0x7: {  	[smem:$0x7FF] =	sst s4;
	s1 =	sshll.u32 s6, $0x4;
	s9 =	smul.u32 $0x9E00, s0  }
0x8: {  	s10 =	smul.u32 $0x9E000, s6;
	s6 =	ssub.s32 $0x2, s6;
	s1 =	sor.u32 s0, s1  }
0x9: {  	s13 =	sshll.u32 s0, $0x6;
	s12 =	sshrl.u32 s6, $0x1;
	s5 =	smul.u32 $0x9D0, s1  }
0xa: {  	s1 =	rddreg [dreg:$0x3];
	_ =	strace $0x80000053;
	s8 =	sadd.s32 s8, s7  }
0xb: {  	s10 =	sadd.s32 s9, s10;
	s12 =	ssub.s32 s6, s12;
	s6 =	sor.u32 $0x1C03, s13  }
0xc: {  	s13 =	simm.s32 $0x4E80;
	s10 =	sshrl.u32 s10, $0x3;
	s8 =	sadd.s32 $0x260600, s8  }
0xd: {  	s11 =	sadd.s32 s5, s7;
	s5 =	sadd.s32 $0x26A400, s7;
	s10 =	sadd.s32 s10, s7  }
0xe: {  	s31 =	sadd.s32 s9, s3;
	s7 =	sadd.s32 $0x293800, s11;
	s9 =	sadd.s32 $0x26B800, s10  }
0xf: {  	s10 =	smax.u32 s12, $0x1;
	s11 =	sshrl.u32 s31, $0x3;
	s12 =	simm.s32 $0x3  }
.LBB2_1:
0x10: {  	[spmem:s11], [sflag:s6] =	dma.local [hbm:s5], $0x13C0  }
0x11: {  	_ =	swait.ge [sflag:s12], $0x13C0  }
0x12: {  	[sflag:s12] =	ssyncset.done $0x0  }
0x13: {  	[sflag:s12] =	ssyncadd.s32 $0xFFFFEC40  }
0x14: {  	[tilespmem:s4], [sflag:$0x3] =	stream.linear.gather [hbm4b:s7+s4], $0x4E80, $0x38;
	[tilespmem:$0x17B00] =	vst v63  }
0x15: {  	_ =	swait.ge [sflag:s12], $0x4E80  }
0x16: {  	[sflag:s12] =	ssyncset.done $0x0  }
0x17: {  	[sflag:s12] =	ssyncadd.s32 $0xFFFFB180  }
0x18: {  	[tilespmem:s13], [sflag:$0x3] =	stream.linear.gather [hbm4b:s8+s4], $0x4E80, $0x38;
	[tilespmem:$0x17B00] =	vst v63  }
0x19: {  	_ =	swait.ge [sflag:s12], $0x4E80  }
0x1a: {  	[sflag:s12] =	ssyncset.done $0x0  }
0x1b: {  	[sflag:s12] =	ssyncadd.s32 $0xFFFFB180  }
0x1c: {  	[tilespmem:s15], [sflag:$0x1] =	stream.indirect.gather [hbm4b:s2+s14], $0x40, s4, s14, $0xb8;
	[tilespmem:$0x17B00] =	vst v63  }
0x1d: {  	s21 =	simm.s32 $0x80;
	[bflag:$0x0] =	sbarrier.arrive $0xFFFF  }
0x1e: {  	[tilespmem:s16], [sflag:$0x2] =	stream.indirect.gather [hbm4b:s2+s14], $0x40, s21, s14, $0xb8;
	[tilespmem:$0x17B00] =	vst v63  }
0x1f: {  	_ =	swait.ge [sflag:s17], $0x2000  }
0x20: {  	[sflag:s17] =	ssyncset.done $0x0  }
0x21: {  	s29 =	simm.s32 $0x4E80;
	[sflag:s17] =	ssyncadd.s32 $0xFFFFE000  }
0x22: {  	[spmem:s3] =	stream.indirect.scatter.add.f32 [tilespmem:s15], [sflag:$0x3], $0x40, s29, s14, $0xb8;
	[tilespmem:$0x17B00] =	vst v63  }
0x23: {  	_ =	swait.ge [sflag:s12], $0x2000  }
0x24: {  	[sflag:s12] =	ssyncset.done $0x0  }
0x25: {  	s30 =	simm.s32 $0x100;
	[sflag:s12] =	ssyncadd.s32 $0xFFFFE000  }
0x26: {  	[tilespmem:s15], [sflag:$0x1] =	stream.indirect.gather [hbm4b:s2+s14], $0x40, s30, s14, $0xb8;
	[tilespmem:$0x17B00] =	vst v63  }
0x27: {  	_ =	swait.ge [sflag:s18], $0x2000  }
0x28: {  	[sflag:s18] =	ssyncset.done $0x0  }
0x29: {  	s31 =	simm.s32 $0x4F00;
	[sflag:s18] =	ssyncadd.s32 $0xFFFFE000  }
0x2a: {  	[spmem:s3] =	stream.indirect.scatter.add.f32 [tilespmem:s16], [sflag:$0x3], $0x40, s31, s14, $0xb8;
	[tilespmem:$0x17B00] =	vst v63  }
0x2b: {  	_ =	swait.ge [sflag:s12], $0x2000  }
0x2c: {  	s22 =	simm.s32 $0x800;
	s21 =	simm.s32 $0x100;
	[sflag:s12] =	ssyncset.done $0x0  }
.LBB2_2:
0x2d: {  	s23 =	sadd.s32 $0x80, s21  }
0x2e: {  	[sflag:s12] =	ssyncadd.s32 $0xFFFFE000;
	s24 =	smov.u32 s22;
	s25 =	sadd.s32 $0x400, s22  }
0x2f: {  	[tilespmem:s16], [sflag:$0x2] =	stream.indirect.gather [hbm4b:s2+s14], $0x40, s23, s14, $0xb8;
	[tilespmem:$0x17B00] =	vst v63  }
0x30: {  	p0 =	sne.s32 s22, $0x13400;
	_ =	swait.ge [sflag:s17], $0x2000  }
0x31: {  	[sflag:s17] =	ssyncset.done $0x0  }
0x32: {  	s22 =	sadd.s32 $0x4E80, s21;
	[sflag:s17] =	ssyncadd.s32 $0xFFFFE000  }
0x33: {  	[spmem:s3] =	stream.indirect.scatter.add.f32 [tilespmem:s15], [sflag:$0x3], $0x40, s22, s14, $0xb8;
	[tilespmem:$0x17B00] =	vst v63  }
0x34: {  	_ =	swait.ge [sflag:s12], $0x2000  }
0x35: {  	[sflag:s12] =	ssyncset.done $0x0  }
0x36: {  	s22 =	sadd.s32 $0x100, s21;
	[sflag:s12] =	ssyncadd.s32 $0xFFFFE000  }
0x37: {  	[tilespmem:s15], [sflag:$0x1] =	stream.indirect.gather [hbm4b:s2+s14], $0x40, s22, s14, $0xb8;
	[tilespmem:$0x17B00] =	vst v63  }
0x38: {  	_ =	swait.ge [sflag:s18], $0x2000  }
.Ltmp0:
0x39: {  	[sflag:s18] =	ssyncset.done $0x0;
	(pc) =	sbr.rel @p0 .LBB2_2-.Ltmp0, $4  }
0x3a: {  	s21 =	sadd.s32 $0x4F00, s21;
	[sflag:s18] =	ssyncadd.s32 $0xFFFFE000  }
0x3b: {  	[spmem:s3] =	stream.indirect.scatter.add.f32 [tilespmem:s16], [sflag:$0x3], $0x40, s21, s14, $0xb8;
	[tilespmem:$0x17B00] =	vst v63  }
0x3c: {  	_ =	swait.ge [sflag:s12], $0x2000  }
0x3d: {  	s22 =	smov.u32 s25;
	s21 =	sshra.s32 s24, $0x2;
	[sflag:s12] =	ssyncset.done $0x0  }
0x3e: {  	s22 =	sadd.s32 $0x80, s21;
	[sflag:s12] =	ssyncadd.s32 $0xFFFFE000  }
0x3f: {  	[tilespmem:s16], [sflag:$0x2] =	stream.indirect.gather [hbm4b:s2+s14], $0x40, s22, s14, $0xb8;
	[tilespmem:$0x17B00] =	vst v63  }
0x40: {  	_ =	swait.ge [sflag:s17], $0x2000  }
0x41: {  	[sflag:s17] =	ssyncset.done $0x0  }
0x42: {  	s29 =	sadd.s32 $0x4E80, s21;
	[sflag:s17] =	ssyncadd.s32 $0xFFFFE000  }
0x43: {  	[spmem:s3] =	stream.indirect.scatter.add.f32 [tilespmem:s15], [sflag:$0x3], $0x40, s29, s14, $0xb8;
	[tilespmem:$0x17B00] =	vst v63  }
0x44: {  	_ =	swait.ge [sflag:s12], $0x2000  }
0x45: {  	[sflag:s12] =	ssyncset.done $0x0  }
0x46: {  	s30 =	sadd.s32 $0x100, s21;
	[sflag:s12] =	ssyncadd.s32 $0xFFFFE000  }
0x47: {  	[tilespmem:s15], [sflag:$0x1] =	stream.indirect.gather [hbm4b:s2+s14], $0x40, s30, s14, $0xb8;
	[tilespmem:$0x17B00] =	vst v63  }
0x48: {  	_ =	swait.ge [sflag:s18], $0x2000  }
0x49: {  	[sflag:s18] =	ssyncset.done $0x0  }
0x4a: {  	s31 =	sadd.s32 $0x4F00, s21;
	[sflag:s18] =	ssyncadd.s32 $0xFFFFE000  }
0x4b: {  	[spmem:s3] =	stream.indirect.scatter.add.f32 [tilespmem:s16], [sflag:$0x3], $0x40, s31, s14, $0xb8;
	[tilespmem:$0x17B00] =	vst v63  }
0x4c: {  	_ =	swait.ge [sflag:s12], $0x2000  }
0x4d: {  	[sflag:s12] =	ssyncset.done $0x0  }
0x4e: {  	[sflag:s12] =	ssyncadd.s32 $0xFFFFE000  }
0x4f: {  	_ =	swait.ge [sflag:s17], $0x2000  }
0x50: {  	[sflag:s17] =	ssyncset.done $0x0  }
0x51: {  	[sflag:s17] =	ssyncadd.s32 $0xFFFFE000  }
0x52: {  	[spmem:s3] =	stream.indirect.scatter.add.f32 [tilespmem:s15], [sflag:$0x3], $0x40, s19, s14, $0xb8;
	[tilespmem:$0x17B00] =	vst v63  }
0x53: {  	_ =	swait.ge [sflag:s12], $0x2000  }
0x54: {  	s20 =	sadd.s32 $0x1, s20;
	[sflag:s12] =	ssyncset.done $0x0  }
0x55: {  	p0 =	sne.s32 s20, s10;
	[sflag:s12] =	ssyncadd.s32 $0xFFFFE000  }
.Ltmp1:
0x56: {  	[bflag:$0x0] =	sbarrier.arrive $0xFFFF;
	(pc) =	sbr.rel @p0 .LBB2_1-.Ltmp1, $4  }
0x57: {  	[hbm:s9], [sflag:s6] =	dma.local [spmem:s11], $0x13C0  }
0x58: {  	_ =	swait.ge [sflag:s12], $0x13C0  }
0x59: {  	[sflag:s12] =	ssyncset.done $0x0  }
0x5a: {  	[sflag:s12] =	ssyncadd.s32 $0xFFFFEC40  }
0x5b: {  	_ =	sfence.sel $0x180000  }
0x5c: {  	[bflag:$0x0] =	sbarrier.arrive $0xFFFF  }
0x5d: {  	p0 =	sne.s32 s0, $0x0;
	_ =	strace $0x90000053  }
0x5e: {  	s0 =	sadd.s32 @!p0 $0x100000, s1;
	[bflag:$0x2] =	sbarrier.arrive $0xFFFF  }
0x5f: {  	[sflag:s0] =	ssyncadd.tile.s32 @!p0 $0x1;
	_ =	shalt  }
.Lfunc_end2:
_tile_overlayer_lowered:
.L_overlay_start_2:
0x60: {  	(tag) =	ssettag $0x2  }
0x61: {  	s0 =	rddreg [dreg:$0x0];
	s2 =	stileid.u32  }
0x62: {  	s1 =	rddreg [dreg:$0x1];
	p0 =	sne.s32 s2, $0x0  }
0x63: {  	s3 =	rddreg [dreg:$0x2];
	[bflag:$0x3] =	sbarrier.arrive $0xFFFF;
	s2 =	simm.s32 @!p0 $0x1C03  }
0x64: {  	[timem:s3], [sflag:s2] =	dma.local @!p0 [hbm:s0], s1  }
0x65: {  	s0 =	simm.s32 @!p0 $0x3  }
0x66: {  	_ =	swait.ge @!p0 [sflag:s0], s1  }
0x67: {  	s1 =	ssub.s32 @!p0 $0x0, s1;
	[sflag:s0] =	ssyncset.done @!p0 $0x0  }
0x68: {  	[sflag:s0] =	ssyncadd.s32 @!p0 s1  }
0x69: {  	[bflag:$0x3] =	sbarrier.arrive $0xFFFF  }
0x6a: {  	_ =	shalt  }

</sc_bundles>
